<compile_context>
chip_gen: v7x
topology: tpu7x:2x2x1
jax: 0.10.2.dev20260603
libtpu: 0.0.44.dev20260713+nightly
codegen_flags: <defaults>
</compile_context>

<pallas_src>
import functools

import jax
import jax.numpy as jnp
from jax import lax
from jax.experimental import pallas as pl
from jax.experimental.pallas import tpu as pltpu
from jax.experimental.pallas import tpu_sc as plsc


def _project_body(dep_ref, sid_ref, eid_ref, w_ref, o_ref):
    o_ref[pl.ds(0, 288)] = jnp.dot(
        dep_ref[...], w_ref[0], preferred_element_type=jnp.float32
    )
    o_ref[pl.ds(288, 257)] = jnp.dot(
        sid_ref[...], w_ref[1], preferred_element_type=jnp.float32
    )
    o_ref[pl.ds(576, 257)] = jnp.dot(
        eid_ref[...], w_ref[2], preferred_element_type=jnp.float32
    )


def _combine_body(g_ref, attr_ref, w2_ref, wpad_ref, b1_ref, bsum_ref, o_ref):
    h = jnp.maximum(g_ref[...] + b1_ref[...], 0.0)
    o_ref[...] = (
        jnp.dot(h, w2_ref[...], preferred_element_type=jnp.float32)
        + jnp.dot(attr_ref[...], wpad_ref[...], preferred_element_type=jnp.float32)
        + bsum_ref[...]
    )


def _sc_gather_sum(P_flat, attr, B, E):
    info = plsc.get_sparse_core_info()
    NC, NS = info.num_cores, info.num_subcores
    NW = NC * NS
    per_w = B // NW
    CHUNK = 128
    n_chunks = per_w // CHUNK
    VP = P_flat.shape[0]
    mesh = plsc.VectorSubcoreMesh(core_axis_name="c", subcore_axis_name="s")

    @functools.partial(
        pl.kernel,
        mesh=mesh,
        out_type=jax.ShapeDtypeStruct((B, E), jnp.float32),
        scratch_types=[
            pltpu.VMEM((8, per_w), jnp.float32),
            pltpu.VMEM((3, n_chunks, CHUNK), jnp.int32),
            pltpu.VMEM((per_w, E), jnp.float32),
            pltpu.VMEM_SHARED((VP, E), jnp.float32),
            pltpu.SemaphoreType.DMA((n_chunks,)),
            pltpu.SemaphoreType.DMA,
            pltpu.SemaphoreType.DMA,
        ],
    )
    def gather_k(table_hbm, attr_hbm, out_hbm, colv, idxv, acc, tab_sp, dsem, asem, ssem):
        wid = lax.axis_index("s") * NC + lax.axis_index("c")
        base = wid * per_w
        @pl.when(lax.axis_index("s") == 0)
        def _():
            pltpu.async_copy(table_hbm, tab_sp, ssem)

        pltpu.sync_copy(attr_hbm.at[pl.ds(0, 8), pl.ds(base, per_w)], colv)
        magic = jnp.float32(8388608.0)
        L = 16
        for t, (col, off) in enumerate(((0, 0), (6, 288), (7, 576))):
            delta = off - 0x4B000000
            for k in range(per_w // L):
                v = colv[col, pl.ds(L * k, L)]
                vi = lax.bitcast_convert_type(v + magic, jnp.int32) + delta
                idxv[t, (L * k) // CHUNK, pl.ds((L * k) % CHUNK, L)] = vi

        @pl.when(lax.axis_index("s") == 0)
        def _():
            pltpu.make_async_copy(table_hbm, tab_sp, ssem).wait()

        plsc.subcore_barrier()
        first = [
            pltpu.async_copy(
                tab_sp.at[idxv.at[0, c]], acc.at[pl.ds(c * CHUNK, CHUNK)], dsem.at[c]
            )
            for c in range(n_chunks)
        ]
        adds = []
        for c in range(n_chunks):
            first[c].wait()
            for t in (1, 2):
                adds.append(
                    pltpu.async_copy(
                        tab_sp.at[idxv.at[t, c]],
                        acc.at[pl.ds(c * CHUNK, CHUNK)],
                        asem,
                        add=True,
                    )
                )
        for cp in adds:
            cp.wait()
        pltpu.sync_copy(acc, out_hbm.at[pl.ds(base, per_w)])

    return gather_k(P_flat, attr)


def kernel(attr, W_wide, b_wide, dep_table, sid_table, eid_table, W1, b1, W2, b2):
    B = attr.shape[0]
    H = dep_table.shape[1]
    E = W1.shape[1]
    V = 288

    W1r = W1.reshape(3, H, E)
    W_pad = jnp.zeros((8, E), jnp.float32).at[1:6].set(W_wide)
    b1_2d = b1.reshape(1, E)
    bsum = (b_wide + b2).reshape(1, E)

    P_flat = pl.pallas_call(
        _project_body,
        in_specs=[
            pl.BlockSpec(dep_table.shape, lambda: (0, 0)),
            pl.BlockSpec(sid_table.shape, lambda: (0, 0)),
            pl.BlockSpec(eid_table.shape, lambda: (0, 0)),
            pl.BlockSpec((3, H, E), lambda: (0, 0, 0)),
        ],
        out_specs=pl.BlockSpec((3 * V, E), lambda: (0, 0)),
        out_shape=jax.ShapeDtypeStruct((3 * V, E), jnp.float32),
    )(dep_table, sid_table, eid_table, W1r)

    G = _sc_gather_sum(P_flat, attr.T, B, E)

    R = 4096
    out = pl.pallas_call(
        _combine_body,
        grid=(B // R,),
        in_specs=[
            pl.BlockSpec((R, E), lambda i: (i, 0)),
            pl.BlockSpec((R, 8), lambda i: (i, 0)),
            pl.BlockSpec((E, E), lambda i: (0, 0)),
            pl.BlockSpec((8, E), lambda i: (0, 0)),
            pl.BlockSpec((1, E), lambda i: (0, 0)),
            pl.BlockSpec((1, E), lambda i: (0, 0)),
        ],
        out_specs=pl.BlockSpec((R, E), lambda i: (i, 0)),
        out_shape=jax.ShapeDtypeStruct((B, E), jnp.float32),
    )(G, attr, W2, W_pad, b1_2d, bsum)
    return out

# --- scband reference (transcript-rebuilt; emitter-appended) ---
"""Pipeline reference for scband-wide-and-deep-18537078850220 (READ-ONLY COPY).

The authoritative reference and input builder live on the scoring server;
editing this copy changes nothing except your own understanding.
"""

import jax, jax.numpy as jnp
import numpy as np

B = 16384
EMBED_DIM = 128
HIDDEN_DIM = 256


def setup_inputs(seed: int = 0) -> dict:
    key = jax.random.key(seed)
    ks = jax.random.split(key, 12)
    # attr columns 0,6,7 are categorical indices; columns 1:6 continuous.
    # randint in [0,257) keeps all index columns in-range for tables of size 288/257/257.
    attr = jax.random.randint(ks[0], (B, 8), 0, 257).astype(jnp.float32)
    # Parameters (torch Linear is y = x @ W.T + b; we store W as (in,out))
    W_wide = jax.random.normal(ks[1], (5, EMBED_DIM), dtype=jnp.float32) * 0.05
    b_wide = jax.random.normal(ks[2], (EMBED_DIM,), dtype=jnp.float32) * 0.05
    dep_table = jax.random.normal(ks[3], (288, HIDDEN_DIM), dtype=jnp.float32) * 0.05
    sid_table = jax.random.normal(ks[4], (257, HIDDEN_DIM), dtype=jnp.float32) * 0.05
    eid_table = jax.random.normal(ks[5], (257, HIDDEN_DIM), dtype=jnp.float32) * 0.05
    W1 = jax.random.normal(ks[6], (HIDDEN_DIM * 3, EMBED_DIM), dtype=jnp.float32) * 0.05
    b1 = jax.random.normal(ks[7], (EMBED_DIM,), dtype=jnp.float32) * 0.05
    W2 = jax.random.normal(ks[8], (EMBED_DIM, EMBED_DIM), dtype=jnp.float32) * 0.05
    b2 = jax.random.normal(ks[9], (EMBED_DIM,), dtype=jnp.float32) * 0.05
    return {
        "attr": attr,
        "W_wide": W_wide,
        "b_wide": b_wide,
        "dep_table": dep_table,
        "sid_table": sid_table,
        "eid_table": eid_table,
        "W1": W1,
        "b1": b1,
        "W2": W2,
        "b2": b2,
    }


def reference(attr, W_wide, b_wide, dep_table, sid_table, eid_table, W1, b1, W2, b2):
    continuous_attrs = attr[:, 1:6]
    depature = attr[:, 0].astype(jnp.int32)
    sid = attr[:, 6].astype(jnp.int32)
    eid = attr[:, 7].astype(jnp.int32)
    wide_out = continuous_attrs @ W_wide + b_wide
    depature_embed = jnp.take(dep_table, depature, axis=0)
    sid_embed = jnp.take(sid_table, sid, axis=0)
    eid_embed = jnp.take(eid_table, eid, axis=0)
    categorical_embed = jnp.concatenate((depature_embed, sid_embed, eid_embed), axis=1)
    deep_out = jax.nn.relu(categorical_embed @ W1 + b1)
    deep_out = deep_out @ W2 + b2
    combined_embed = wide_out + deep_out
    return combined_embed

if __name__ == "__main__":
    import jax
    _d = setup_inputs()
    print(jax.jit(kernel)(*tuple(_d.values())))

</pallas_src>

<mosaic_0001>
#map = affine_map<(d0, d1) -> (0, 0)>
module attributes {stable_mosaic.version = 14 : i64} {
  func.func @gather_k(%arg0: i32, %arg1: i32, %arg2: memref<864x128xf32, #tpu.memory_space<hbm>>, %arg3: memref<8x16384xf32, #tpu.memory_space<hbm>>, %arg4: memref<16384x128xf32, #tpu.memory_space<hbm>>, %arg5: memref<8x512xf32, #tpu.memory_space<vmem>>, %arg6: memref<3x4x128xi32, #tpu.memory_space<vmem>>, %arg7: memref<512x128xf32, #tpu.memory_space<vmem>>, %arg8: memref<864x128xf32, #tpu.memory_space<vmem_shared>>, %arg9: memref<4x!tpu.dma_semaphore, #tpu.memory_space<semaphore_mem>>, %arg10: memref<!tpu.dma_semaphore, #tpu.memory_space<semaphore_mem>>, %arg11: memref<!tpu.dma_semaphore, #tpu.memory_space<semaphore_mem>>) attributes {dimension_semantics = [#tpu.dimension_semantics<core_parallel>, #tpu.dimension_semantics<subcore_parallel>], iteration_bounds = array<i64: 2, 16>, scalar_prefetch = 0 : i64, scratch_operands = 7 : i64, tpu.core_type = #tpu.core_type<sc_vector_subcore>, window_params = [{transform_indices = #map}, {transform_indices = #map}, {transform_indices = #map}]} {
    %mul3A = arith.constant 2 : i32
    %mul3A_0 = arith.muli %arg1, %mul3A : i32
    %add3A = arith.addi %mul3A_0, %arg0 : i32
    %mul3A_1 = arith.constant 512 : i32
    %mul3A_2 = arith.muli %add3A, %mul3A_1 : i32
    %eq3A = arith.constant 0 : i32
    %eq3A_3 = arith.cmpi eq, %arg1, %eq3A : i32
    %convert_element_type3A = arith.extui %eq3A_3 : i1 to i32
    %cond3A = arith.constant 0 : i32
    %cond3A_4 = arith.cmpi ne, %convert_element_type3A, %cond3A : i32
    scf.if %cond3A_4 {
      tpu.enqueue_dma source(%arg2 : memref<864x128xf32, #tpu.memory_space<hbm>>) target(%arg8 : memref<864x128xf32, #tpu.memory_space<vmem_shared>>) target_semaphore(%arg11 : memref<!tpu.dma_semaphore, #tpu.memory_space<semaphore_mem>>)
    } else {
    }
    "tpu.region"() ({
      %run_scoped3A = tpu.sem_alloc : memref<!tpu.dma_semaphore, #tpu.memory_space<semaphore_mem>>
      %dma_start3A_2213 = arith.constant 0 : i32
      %dma_start3A_2214 = tpu.memref_slice %arg3[%dma_start3A_2213, %mul3A_2] : memref<8x16384xf32, #tpu.memory_space<hbm>> -> memref<8x512xf32, #tpu.memory_space<hbm>>
      %dma_start3A_2215 = arith.constant 0 : i32
      %dma_start3A_2216 = tpu.memref_slice %arg3[%dma_start3A_2215, %mul3A_2] : memref<8x16384xf32, #tpu.memory_space<hbm>> -> memref<8x512xf32, #tpu.memory_space<hbm>>
      tpu.enqueue_dma source(%dma_start3A_2216 : memref<8x512xf32, #tpu.memory_space<hbm>>) target(%arg5 : memref<8x512xf32, #tpu.memory_space<vmem>>) target_semaphore(%run_scoped3A : memref<!tpu.dma_semaphore, #tpu.memory_space<semaphore_mem>>)
      %dma_wait3A_2217 = arith.constant 0 : i32
      %dma_wait3A_2218 = tpu.memref_slice %arg3[%dma_wait3A_2217, %mul3A_2] : memref<8x16384xf32, #tpu.memory_space<hbm>> -> memref<8x512xf32, #tpu.memory_space<hbm>>
      %dma_wait3A_2219 = arith.constant 0 : i32
      %dma_wait3A_2220 = tpu.memref_slice %arg3[%dma_wait3A_2219, %mul3A_2] : memref<8x16384xf32, #tpu.memory_space<hbm>> -> memref<8x512xf32, #tpu.memory_space<hbm>>
      tpu.wait_dma2 semaphore(%run_scoped3A : memref<!tpu.dma_semaphore, #tpu.memory_space<semaphore_mem>>) src(%dma_wait3A_2220 : memref<8x512xf32, #tpu.memory_space<hbm>>) dst(%arg5 : memref<8x512xf32, #tpu.memory_space<vmem>>)
      tpu.yield
    }) : () -> ()
    %get3A = arith.constant 0 : i32
    %get3A_5 = arith.index_cast %get3A : i32 to index
    %get3A_6 = arith.constant 0 : index
    %get3A_7 = tpu.vector_load %arg5[%get3A_5, %get3A_6] {strides = array<i32>} : memref<8x512xf32, #tpu.memory_space<vmem>>, vector<1x16xf32>,
    %get3A_8 = vector.shape_cast %get3A_7 : vector<1x16xf32> to vector<16xf32>
    %add3A_9 = arith.constant 0x4B000000 : f32
    %add3A_10 = vector.broadcast %add3A_9 : f32 to vector<16xf32>
    %add3A_11 = arith.addf %get3A_8, %add3A_10 : vector<16xf32>
    %bitcast_convert_type3A = tpu.bitcast %add3A_11 : vector<16xf32> -> vector<16xi32>
    %add3A_12 = arith.constant -1258291200 : i32
    %add3A_13 = vector.broadcast %add3A_12 : i32 to vector<16xi32>
    %add3A_14 = arith.addi %bitcast_convert_type3A, %add3A_13 : vector<16xi32>
    %swap3A = arith.constant 0 : i32
    %swap3A_15 = arith.constant 0 : i32
    %swap3A_16 = arith.index_cast %swap3A : i32 to index
    %swap3A_17 = arith.index_cast %swap3A_15 : i32 to index
    %swap3A_18 = arith.constant 0 : index
    %swap3A_19 = tpu.vector_load %arg6[%swap3A_16, %swap3A_17, %swap3A_18] {strides = array<i32>} : memref<3x4x128xi32, #tpu.memory_space<vmem>>, vector<1x1x16xi32>,
    %swap3A_20 = vector.shape_cast %swap3A_19 : vector<1x1x16xi32> to vector<16xi32>
    %swap3A_21 = vector.shape_cast %add3A_14 : vector<16xi32> to vector<1x1x16xi32>
    tpu.vector_store %arg6[%swap3A_16, %swap3A_17, %swap3A_18], %swap3A_21 {strides = array<i32>} : memref<3x4x128xi32, #tpu.memory_space<vmem>>, vector<1x1x16xi32>,
    %get3A_22 = arith.constant 0 : i32
    %get3A_23 = arith.index_cast %get3A_22 : i32 to index
    %get3A_24 = arith.constant 16 : index
    %get3A_25 = tpu.vector_load %arg5[%get3A_23, %get3A_24] {strides = array<i32>} : memref<8x512xf32, #tpu.memory_space<vmem>>, vector<1x16xf32>,
    %get3A_26 = vector.shape_cast %get3A_25 : vector<1x16xf32> to vector<16xf32>
    %add3A_27 = arith.constant 0x4B000000 : f32
    %add3A_28 = vector.broadcast %add3A_27 : f32 to vector<16xf32>
    %add3A_29 = arith.addf %get3A_26, %add3A_28 : vector<16xf32>
    %bitcast_convert_type3A_30 = tpu.bitcast %add3A_29 : vector<16xf32> -> vector<16xi32>
    %add3A_31 = arith.constant -1258291200 : i32
    %add3A_32 = vector.broadcast %add3A_31 : i32 to vector<16xi32>
    %add3A_33 = arith.addi %bitcast_convert_type3A_30, %add3A_32 : vector<16xi32>
    %swap3A_34 = arith.constant 0 : i32
    %swap3A_35 = arith.constant 0 : i32
    %swap3A_36 = arith.index_cast %swap3A_34 : i32 to index
    %swap3A_37 = arith.index_cast %swap3A_35 : i32 to index
    %swap3A_38 = arith.constant 16 : index
    %swap3A_39 = tpu.vector_load %arg6[%swap3A_36, %swap3A_37, %swap3A_38] {strides = array<i32>} : memref<3x4x128xi32, #tpu.memory_space<vmem>>, vector<1x1x16xi32>,
    %swap3A_40 = vector.shape_cast %swap3A_39 : vector<1x1x16xi32> to vector<16xi32>
    %swap3A_41 = vector.shape_cast %add3A_33 : vector<16xi32> to vector<1x1x16xi32>
    tpu.vector_store %arg6[%swap3A_36, %swap3A_37, %swap3A_38], %swap3A_41 {strides = array<i32>} : memref<3x4x128xi32, #tpu.memory_space<vmem>>, vector<1x1x16xi32>,
    %get3A_42 = arith.constant 0 : i32
    %get3A_43 = arith.index_cast %get3A_42 : i32 to index
    %get3A_44 = arith.constant 32 : index
    %get3A_45 = tpu.vector_load %arg5[%get3A_43, %get3A_44] {strides = array<i32>} : memref<8x512xf32, #tpu.memory_space<vmem>>, vector<1x16xf32>,
    %get3A_46 = vector.shape_cast %get3A_45 : vector<1x16xf32> to vector<16xf32>
    %add3A_47 = arith.constant 0x4B000000 : f32
    %add3A_48 = vector.broadcast %add3A_47 : f32 to vector<16xf32>
    %add3A_49 = arith.addf %get3A_46, %add3A_48 : vector<16xf32>
    %bitcast_convert_type3A_50 = tpu.bitcast %add3A_49 : vector<16xf32> -> vector<16xi32>
    %add3A_51 = arith.constant -1258291200 : i32
    %add3A_52 = vector.broadcast %add3A_51 : i32 to vector<16xi32>
    %add3A_53 = arith.addi %bitcast_convert_type3A_50, %add3A_52 : vector<16xi32>
    %swap3A_54 = arith.constant 0 : i32
    %swap3A_55 = arith.constant 0 : i32
    %swap3A_56 = arith.index_cast %swap3A_54 : i32 to index
    %swap3A_57 = arith.index_cast %swap3A_55 : i32 to index
    %swap3A_58 = arith.constant 32 : index
    %swap3A_59 = tpu.vector_load %arg6[%swap3A_56, %swap3A_57, %swap3A_58] {strides = array<i32>} : memref<3x4x128xi32, #tpu.memory_space<vmem>>, vector<1x1x16xi32>,
    %swap3A_60 = vector.shape_cast %swap3A_59 : vector<1x1x16xi32> to vector<16xi32>
    %swap3A_61 = vector.shape_cast %add3A_53 : vector<16xi32> to vector<1x1x16xi32>
    tpu.vector_store %arg6[%swap3A_56, %swap3A_57, %swap3A_58], %swap3A_61 {strides = array<i32>} : memref<3x4x128xi32, #tpu.memory_space<vmem>>, vector<1x1x16xi32>,
    %get3A_62 = arith.constant 0 : i32
    %get3A_63 = arith.index_cast %get3A_62 : i32 to index
    %get3A_64 = arith.constant 48 : index
    %get3A_65 = tpu.vector_load %arg5[%get3A_63, %get3A_64] {strides = array<i32>} : memref<8x512xf32, #tpu.memory_space<vmem>>, vector<1x16xf32>,
    %get3A_66 = vector.shape_cast %get3A_65 : vector<1x16xf32> to vector<16xf32>
    %add3A_67 = arith.constant 0x4B000000 : f32
    %add3A_68 = vector.broadcast %add3A_67 : f32 to vector<16xf32>
    %add3A_69 = arith.addf %get3A_66, %add3A_68 : vector<16xf32>
    %bitcast_convert_type3A_70 = tpu.bitcast %add3A_69 : vector<16xf32> -> vector<16xi32>
    %add3A_71 = arith.constant -1258291200 : i32
    %add3A_72 = vector.broadcast %add3A_71 : i32 to vector<16xi32>
    %add3A_73 = arith.addi %bitcast_convert_type3A_70, %add3A_72 : vector<16xi32>
    %swap3A_74 = arith.constant 0 : i32
    %swap3A_75 = arith.constant 0 : i32
    %swap3A_76 = arith.index_cast %swap3A_74 : i32 to index
    %swap3A_77 = arith.index_cast %swap3A_75 : i32 to index
    %swap3A_78 = arith.constant 48 : index
    %swap3A_79 = tpu.vector_load %arg6[%swap3A_76, %swap3A_77, %swap3A_78] {strides = array<i32>} : memref<3x4x128xi32, #tpu.memory_space<vmem>>, vector<1x1x16xi32>,
    %swap3A_80 = vector.shape_cast %swap3A_79 : vector<1x1x16xi32> to vector<16xi32>
    %swap3A_81 = vector.shape_cast %add3A_73 : vector<16xi32> to vector<1x1x16xi32>
    tpu.vector_store %arg6[%swap3A_76, %swap3A_77, %swap3A_78], %swap3A_81 {strides = array<i32>} : memref<3x4x128xi32, #tpu.memory_space<vmem>>, vector<1x1x16xi32>,
    %get3A_82 = arith.constant 0 : i32
    %get3A_83 = arith.index_cast %get3A_82 : i32 to index
    %get3A_84 = arith.constant 64 : index
    %get3A_85 = tpu.vector_load %arg5[%get3A_83, %get3A_84] {strides = array<i32>} : memref<8x512xf32, #tpu.memory_space<vmem>>, vector<1x16xf32>,
    %get3A_86 = vector.shape_cast %get3A_85 : vector<1x16xf32> to vector<16xf32>
    %add3A_87 = arith.constant 0x4B000000 : f32
    %add3A_88 = vector.broadcast %add3A_87 : f32 to vector<16xf32>
    %add3A_89 = arith.addf %get3A_86, %add3A_88 : vector<16xf32>
    %bitcast_convert_type3A_90 = tpu.bitcast %add3A_89 : vector<16xf32> -> vector<16xi32>
    %add3A_91 = arith.constant -1258291200 : i32
    %add3A_92 = vector.broadcast %add3A_91 : i32 to vector<16xi32>
    %add3A_93 = arith.addi %bitcast_convert_type3A_90, %add3A_92 : vector<16xi32>
    %swap3A_94 = arith.constant 0 : i32
    %swap3A_95 = arith.constant 0 : i32
    %swap3A_96 = arith.index_cast %swap3A_94 : i32 to index
    %swap3A_97 = arith.index_cast %swap3A_95 : i32 to index
    %swap3A_98 = arith.constant 64 : index
    %swap3A_99 = tpu.vector_load %arg6[%swap3A_96, %swap3A_97, %swap3A_98] {strides = array<i32>} : memref<3x4x128xi32, #tpu.memory_space<vmem>>, vector<1x1x16xi32>,
    %swap3A_100 = vector.shape_cast %swap3A_99 : vector<1x1x16xi32> to vector<16xi32>
    %swap3A_101 = vector.shape_cast %add3A_93 : vector<16xi32> to vector<1x1x16xi32>
    tpu.vector_store %arg6[%swap3A_96, %swap3A_97, %swap3A_98], %swap3A_101 {strides = array<i32>} : memref<3x4x128xi32, #tpu.memory_space<vmem>>, vector<1x1x16xi32>,
    %get3A_102 = arith.constant 0 : i32
    %get3A_103 = arith.index_cast %get3A_102 : i32 to index
    %get3A_104 = arith.constant 80 : index
    %get3A_105 = tpu.vector_load %arg5[%get3A_103, %get3A_104] {strides = array<i32>} : memref<8x512xf32, #tpu.memory_space<vmem>>, vector<1x16xf32>,
    %get3A_106 = vector.shape_cast %get3A_105 : vector<1x16xf32> to vector<16xf32>
    %add3A_107 = arith.constant 0x4B000000 : f32
    %add3A_108 = vector.broadcast %add3A_107 : f32 to vector<16xf32>
    %add3A_109 = arith.addf %get3A_106, %add3A_108 : vector<16xf32>
    %bitcast_convert_type3A_110 = tpu.bitcast %add3A_109 : vector<16xf32> -> vector<16xi32>
    %add3A_111 = arith.constant -1258291200 : i32
    %add3A_112 = vector.broadcast %add3A_111 : i32 to vector<16xi32>
    %add3A_113 = arith.addi %bitcast_convert_type3A_110, %add3A_112 : vector<16xi32>
    %swap3A_114 = arith.constant 0 : i32
    %swap3A_115 = arith.constant 0 : i32
    %swap3A_116 = arith.index_cast %swap3A_114 : i32 to index
    %swap3A_117 = arith.index_cast %swap3A_115 : i32 to index
    %swap3A_118 = arith.constant 80 : index
    %swap3A_119 = tpu.vector_load %arg6[%swap3A_116, %swap3A_117, %swap3A_118] {strides = array<i32>} : memref<3x4x128xi32, #tpu.memory_space<vmem>>, vector<1x1x16xi32>,
    %swap3A_120 = vector.shape_cast %swap3A_119 : vector<1x1x16xi32> to vector<16xi32>
    %swap3A_121 = vector.shape_cast %add3A_113 : vector<16xi32> to vector<1x1x16xi32>
    tpu.vector_store %arg6[%swap3A_116, %swap3A_117, %swap3A_118], %swap3A_121 {strides = array<i32>} : memref<3x4x128xi32, #tpu.memory_space<vmem>>, vector<1x1x16xi32>,
    %get3A_122 = arith.constant 0 : i32
    %get3A_123 = arith.index_cast %get3A_122 : i32 to index
    %get3A_124 = arith.constant 96 : index
    %get3A_125 = tpu.vector_load %arg5[%get3A_123, %get3A_124] {strides = array<i32>} : memref<8x512xf32, #tpu.memory_space<vmem>>, vector<1x16xf32>,
    %get3A_126 = vector.shape_cast %get3A_125 : vector<1x16xf32> to vector<16xf32>
    %add3A_127 = arith.constant 0x4B000000 : f32
    %add3A_128 = vector.broadcast %add3A_127 : f32 to vector<16xf32>
    %add3A_129 = arith.addf %get3A_126, %add3A_128 : vector<16xf32>
    %bitcast_convert_type3A_130 = tpu.bitcast %add3A_129 : vector<16xf32> -> vector<16xi32>
    %add3A_131 = arith.constant -1258291200 : i32
    %add3A_132 = vector.broadcast %add3A_131 : i32 to vector<16xi32>
    %add3A_133 = arith.addi %bitcast_convert_type3A_130, %add3A_132 : vector<16xi32>
    %swap3A_134 = arith.constant 0 : i32
    %swap3A_135 = arith.constant 0 : i32
    %swap3A_136 = arith.index_cast %swap3A_134 : i32 to index
    %swap3A_137 = arith.index_cast %swap3A_135 : i32 to index
    %swap3A_138 = arith.constant 96 : index
    %swap3A_139 = tpu.vector_load %arg6[%swap3A_136, %swap3A_137, %swap3A_138] {strides = array<i32>} : memref<3x4x128xi32, #tpu.memory_space<vmem>>, vector<1x1x16xi32>,
    %swap3A_140 = vector.shape_cast %swap3A_139 : vector<1x1x16xi32> to vector<16xi32>
    %swap3A_141 = vector.shape_cast %add3A_133 : vector<16xi32> to vector<1x1x16xi32>
    tpu.vector_store %arg6[%swap3A_136, %swap3A_137, %swap3A_138], %swap3A_141 {strides = array<i32>} : memref<3x4x128xi32, #tpu.memory_space<vmem>>, vector<1x1x16xi32>,
    %get3A_142 = arith.constant 0 : i32
    %get3A_143 = arith.index_cast %get3A_142 : i32 to index
    %get3A_144 = arith.constant 112 : index
    %get3A_145 = tpu.vector_load %arg5[%get3A_143, %get3A_144] {strides = array<i32>} : memref<8x512xf32, #tpu.memory_space<vmem>>, vector<1x16xf32>,
    %get3A_146 = vector.shape_cast %get3A_145 : vector<1x16xf32> to vector<16xf32>
    %add3A_147 = arith.constant 0x4B000000 : f32
    %add3A_148 = vector.broadcast %add3A_147 : f32 to vector<16xf32>
    %add3A_149 = arith.addf %get3A_146, %add3A_148 : vector<16xf32>
    %bitcast_convert_type3A_150 = tpu.bitcast %add3A_149 : vector<16xf32> -> vector<16xi32>
    %add3A_151 = arith.constant -1258291200 : i32
    %add3A_152 = vector.broadcast %add3A_151 : i32 to vector<16xi32>
    %add3A_153 = arith.addi %bitcast_convert_type3A_150, %add3A_152 : vector<16xi32>
    %swap3A_154 = arith.constant 0 : i32
    %swap3A_155 = arith.constant 0 : i32
    %swap3A_156 = arith.index_cast %swap3A_154 : i32 to index
    %swap3A_157 = arith.index_cast %swap3A_155 : i32 to index
    %swap3A_158 = arith.constant 112 : index
    %swap3A_159 = tpu.vector_load %arg6[%swap3A_156, %swap3A_157, %swap3A_158] {strides = array<i32>} : memref<3x4x128xi32, #tpu.memory_space<vmem>>, vector<1x1x16xi32>,
    %swap3A_160 = vector.shape_cast %swap3A_159 : vector<1x1x16xi32> to vector<16xi32>
    %swap3A_161 = vector.shape_cast %add3A_153 : vector<16xi32> to vector<1x1x16xi32>
    tpu.vector_store %arg6[%swap3A_156, %swap3A_157, %swap3A_158], %swap3A_161 {strides = array<i32>} : memref<3x4x128xi32, #tpu.memory_space<vmem>>, vector<1x1x16xi32>,
    %get3A_162 = arith.constant 0 : i32
    %get3A_163 = arith.index_cast %get3A_162 : i32 to index
    %get3A_164 = arith.constant 128 : index
    %get3A_165 = tpu.vector_load %arg5[%get3A_163, %get3A_164] {strides = array<i32>} : memref<8x512xf32, #tpu.memory_space<vmem>>, vector<1x16xf32>,
    %get3A_166 = vector.shape_cast %get3A_165 : vector<1x16xf32> to vector<16xf32>
    %add3A_167 = arith.constant 0x4B000000 : f32
    %add3A_168 = vector.broadcast %add3A_167 : f32 to vector<16xf32>
    %add3A_169 = arith.addf %get3A_166, %add3A_168 : vector<16xf32>
    %bitcast_convert_type3A_170 = tpu.bitcast %add3A_169 : vector<16xf32> -> vector<16xi32>
    %add3A_171 = arith.constant -1258291200 : i32
    %add3A_172 = vector.broadcast %add3A_171 : i32 to vector<16xi32>
    %add3A_173 = arith.addi %bitcast_convert_type3A_170, %add3A_172 : vector<16xi32>
    %swap3A_174 = arith.constant 0 : i32
    %swap3A_175 = arith.constant 1 : i32
    %swap3A_176 = arith.index_cast %swap3A_174 : i32 to index
    %swap3A_177 = arith.index_cast %swap3A_175 : i32 to index
    %swap3A_178 = arith.constant 0 : index
    %swap3A_179 = tpu.vector_load %arg6[%swap3A_176, %swap3A_177, %swap3A_178] {strides = array<i32>} : memref<3x4x128xi32, #tpu.memory_space<vmem>>, vector<1x1x16xi32>,
    %swap3A_180 = vector.shape_cast %swap3A_179 : vector<1x1x16xi32> to vector<16xi32>
    %swap3A_181 = vector.shape_cast %add3A_173 : vector<16xi32> to vector<1x1x16xi32>
    tpu.vector_store %arg6[%swap3A_176, %swap3A_177, %swap3A_178], %swap3A_181 {strides = array<i32>} : memref<3x4x128xi32, #tpu.memory_space<vmem>>, vector<1x1x16xi32>,
    %get3A_182 = arith.constant 0 : i32
    %get3A_183 = arith.index_cast %get3A_182 : i32 to index
    %get3A_184 = arith.constant 144 : index
    %get3A_185 = tpu.vector_load %arg5[%get3A_183, %get3A_184] {strides = array<i32>} : memref<8x512xf32, #tpu.memory_space<vmem>>, vector<1x16xf32>,
    %get3A_186 = vector.shape_cast %get3A_185 : vector<1x16xf32> to vector<16xf32>
    %add3A_187 = arith.constant 0x4B000000 : f32
    %add3A_188 = vector.broadcast %add3A_187 : f32 to vector<16xf32>
    %add3A_189 = arith.addf %get3A_186, %add3A_188 : vector<16xf32>
    %bitcast_convert_type3A_190 = tpu.bitcast %add3A_189 : vector<16xf32> -> vector<16xi32>
    %add3A_191 = arith.constant -1258291200 : i32
    %add3A_192 = vector.broadcast %add3A_191 : i32 to vector<16xi32>
    %add3A_193 = arith.addi %bitcast_convert_type3A_190, %add3A_192 : vector<16xi32>
    %swap3A_194 = arith.constant 0 : i32
    %swap3A_195 = arith.constant 1 : i32
    %swap3A_196 = arith.index_cast %swap3A_194 : i32 to index
    %swap3A_197 = arith.index_cast %swap3A_195 : i32 to index
    %swap3A_198 = arith.constant 16 : index
    %swap3A_199 = tpu.vector_load %arg6[%swap3A_196, %swap3A_197, %swap3A_198] {strides = array<i32>} : memref<3x4x128xi32, #tpu.memory_space<vmem>>, vector<1x1x16xi32>,
    %swap3A_200 = vector.shape_cast %swap3A_199 : vector<1x1x16xi32> to vector<16xi32>
    %swap3A_201 = vector.shape_cast %add3A_193 : vector<16xi32> to vector<1x1x16xi32>
    tpu.vector_store %arg6[%swap3A_196, %swap3A_197, %swap3A_198], %swap3A_201 {strides = array<i32>} : memref<3x4x128xi32, #tpu.memory_space<vmem>>, vector<1x1x16xi32>,
    %get3A_202 = arith.constant 0 : i32
    %get3A_203 = arith.index_cast %get3A_202 : i32 to index
    %get3A_204 = arith.constant 160 : index
    %get3A_205 = tpu.vector_load %arg5[%get3A_203, %get3A_204] {strides = array<i32>} : memref<8x512xf32, #tpu.memory_space<vmem>>, vector<1x16xf32>,
    %get3A_206 = vector.shape_cast %get3A_205 : vector<1x16xf32> to vector<16xf32>
    %add3A_207 = arith.constant 0x4B000000 : f32
    %add3A_208 = vector.broadcast %add3A_207 : f32 to vector<16xf32>
    %add3A_209 = arith.addf %get3A_206, %add3A_208 : vector<16xf32>
    %bitcast_convert_type3A_210 = tpu.bitcast %add3A_209 : vector<16xf32> -> vector<16xi32>
    %add3A_211 = arith.constant -1258291200 : i32
    %add3A_212 = vector.broadcast %add3A_211 : i32 to vector<16xi32>
    %add3A_213 = arith.addi %bitcast_convert_type3A_210, %add3A_212 : vector<16xi32>
    %swap3A_214 = arith.constant 0 : i32
    %swap3A_215 = arith.constant 1 : i32
    %swap3A_216 = arith.index_cast %swap3A_214 : i32 to index
    %swap3A_217 = arith.index_cast %swap3A_215 : i32 to index
    %swap3A_218 = arith.constant 32 : index
    %swap3A_219 = tpu.vector_load %arg6[%swap3A_216, %swap3A_217, %swap3A_218] {strides = array<i32>} : memref<3x4x128xi32, #tpu.memory_space<vmem>>, vector<1x1x16xi32>,
    %swap3A_220 = vector.shape_cast %swap3A_219 : vector<1x1x16xi32> to vector<16xi32>
    %swap3A_221 = vector.shape_cast %add3A_213 : vector<16xi32> to vector<1x1x16xi32>
    tpu.vector_store %arg6[%swap3A_216, %swap3A_217, %swap3A_218], %swap3A_221 {strides = array<i32>} : memref<3x4x128xi32, #tpu.memory_space<vmem>>, vector<1x1x16xi32>,
    %get3A_222 = arith.constant 0 : i32
    %get3A_223 = arith.index_cast %get3A_222 : i32 to index
    %get3A_224 = arith.constant 176 : index
    %get3A_225 = tpu.vector_load %arg5[%get3A_223, %get3A_224] {strides = array<i32>} : memref<8x512xf32, #tpu.memory_space<vmem>>, vector<1x16xf32>,
    %get3A_226 = vector.shape_cast %get3A_225 : vector<1x16xf32> to vector<16xf32>
    %add3A_227 = arith.constant 0x4B000000 : f32
    %add3A_228 = vector.broadcast %add3A_227 : f32 to vector<16xf32>
    %add3A_229 = arith.addf %get3A_226, %add3A_228 : vector<16xf32>
    %bitcast_convert_type3A_230 = tpu.bitcast %add3A_229 : vector<16xf32> -> vector<16xi32>
    %add3A_231 = arith.constant -1258291200 : i32
    %add3A_232 = vector.broadcast %add3A_231 : i32 to vector<16xi32>
    %add3A_233 = arith.addi %bitcast_convert_type3A_230, %add3A_232 : vector<16xi32>
    %swap3A_234 = arith.constant 0 : i32
    %swap3A_235 = arith.constant 1 : i32
    %swap3A_236 = arith.index_cast %swap3A_234 : i32 to index
    %swap3A_237 = arith.index_cast %swap3A_235 : i32 to index
    %swap3A_238 = arith.constant 48 : index
    %swap3A_239 = tpu.vector_load %arg6[%swap3A_236, %swap3A_237, %swap3A_238] {strides = array<i32>} : memref<3x4x128xi32, #tpu.memory_space<vmem>>, vector<1x1x16xi32>,
    %swap3A_240 = vector.shape_cast %swap3A_239 : vector<1x1x16xi32> to vector<16xi32>
    %swap3A_241 = vector.shape_cast %add3A_233 : vector<16xi32> to vector<1x1x16xi32>
    tpu.vector_store %arg6[%swap3A_236, %swap3A_237, %swap3A_238], %swap3A_241 {strides = array<i32>} : memref<3x4x128xi32, #tpu.memory_space<vmem>>, vector<1x1x16xi32>,
    %get3A_242 = arith.constant 0 : i32
    %get3A_243 = arith.index_cast %get3A_242 : i32 to index
    %get3A_244 = arith.constant 192 : index
    %get3A_245 = tpu.vector_load %arg5[%get3A_243, %get3A_244] {strides = array<i32>} : memref<8x512xf32, #tpu.memory_space<vmem>>, vector<1x16xf32>,
    %get3A_246 = vector.shape_cast %get3A_245 : vector<1x16xf32> to vector<16xf32>
    %add3A_247 = arith.constant 0x4B000000 : f32
    %add3A_248 = vector.broadcast %add3A_247 : f32 to vector<16xf32>
    %add3A_249 = arith.addf %get3A_246, %add3A_248 : vector<16xf32>
    %bitcast_convert_type3A_250 = tpu.bitcast %add3A_249 : vector<16xf32> -> vector<16xi32>
    %add3A_251 = arith.constant -1258291200 : i32
    %add3A_252 = vector.broadcast %add3A_251 : i32 to vector<16xi32>
    %add3A_253 = arith.addi %bitcast_convert_type3A_250, %add3A_252 : vector<16xi32>
    %swap3A_254 = arith.constant 0 : i32
    %swap3A_255 = arith.constant 1 : i32
    %swap3A_256 = arith.index_cast %swap3A_254 : i32 to index
    %swap3A_257 = arith.index_cast %swap3A_255 : i32 to index
    %swap3A_258 = arith.constant 64 : index
    %swap3A_259 = tpu.vector_load %arg6[%swap3A_256, %swap3A_257, %swap3A_258] {strides = array<i32>} : memref<3x4x128xi32, #tpu.memory_space<vmem>>, vector<1x1x16xi32>,
    %swap3A_260 = vector.shape_cast %swap3A_259 : vector<1x1x16xi32> to vector<16xi32>
    %swap3A_261 = vector.shape_cast %add3A_253 : vector<16xi32> to vector<1x1x16xi32>
    tpu.vector_store %arg6[%swap3A_256, %swap3A_257, %swap3A_258], %swap3A_261 {strides = array<i32>} : memref<3x4x128xi32, #tpu.memory_space<vmem>>, vector<1x1x16xi32>,
    %get3A_262 = arith.constant 0 : i32
    %get3A_263 = arith.index_cast %get3A_262 : i32 to index
    %get3A_264 = arith.constant 208 : index
    %get3A_265 = tpu.vector_load %arg5[%get3A_263, %get3A_264] {strides = array<i32>} : memref<8x512xf32, #tpu.memory_space<vmem>>, vector<1x16xf32>,
    %get3A_266 = vector.shape_cast %get3A_265 : vector<1x16xf32> to vector<16xf32>
    %add3A_267 = arith.constant 0x4B000000 : f32
    %add3A_268 = vector.broadcast %add3A_267 : f32 to vector<16xf32>
    %add3A_269 = arith.addf %get3A_266, %add3A_268 : vector<16xf32>
    %bitcast_convert_type3A_270 = tpu.bitcast %add3A_269 : vector<16xf32> -> vector<16xi32>
    %add3A_271 = arith.constant -1258291200 : i32
    %add3A_272 = vector.broadcast %add3A_271 : i32 to vector<16xi32>
    %add3A_273 = arith.addi %bitcast_convert_type3A_270, %add3A_272 : vector<16xi32>
    %swap3A_274 = arith.constant 0 : i32
    %swap3A_275 = arith.constant 1 : i32
    %swap3A_276 = arith.index_cast %swap3A_274 : i32 to index
    %swap3A_277 = arith.index_cast %swap3A_275 : i32 to index
    %swap3A_278 = arith.constant 80 : index
    %swap3A_279 = tpu.vector_load %arg6[%swap3A_276, %swap3A_277, %swap3A_278] {strides = array<i32>} : memref<3x4x128xi32, #tpu.memory_space<vmem>>, vector<1x1x16xi32>,
    %swap3A_280 = vector.shape_cast %swap3A_279 : vector<1x1x16xi32> to vector<16xi32>
    %swap3A_281 = vector.shape_cast %add3A_273 : vector<16xi32> to vector<1x1x16xi32>
    tpu.vector_store %arg6[%swap3A_276, %swap3A_277, %swap3A_278], %swap3A_281 {strides = array<i32>} : memref<3x4x128xi32, #tpu.memory_space<vmem>>, vector<1x1x16xi32>,
    %get3A_282 = arith.constant 0 : i32
    %get3A_283 = arith.index_cast %get3A_282 : i32 to index
    %get3A_284 = arith.constant 224 : index
    %get3A_285 = tpu.vector_load %arg5[%get3A_283, %get3A_284] {strides = array<i32>} : memref<8x512xf32, #tpu.memory_space<vmem>>, vector<1x16xf32>,
    %get3A_286 = vector.shape_cast %get3A_285 : vector<1x16xf32> to vector<16xf32>
    %add3A_287 = arith.constant 0x4B000000 : f32
    %add3A_288 = vector.broadcast %add3A_287 : f32 to vector<16xf32>
    %add3A_289 = arith.addf %get3A_286, %add3A_288 : vector<16xf32>
    %bitcast_convert_type3A_290 = tpu.bitcast %add3A_289 : vector<16xf32> -> vector<16xi32>
    %add3A_291 = arith.constant -1258291200 : i32
    %add3A_292 = vector.broadcast %add3A_291 : i32 to vector<16xi32>
    %add3A_293 = arith.addi %bitcast_convert_type3A_290, %add3A_292 : vector<16xi32>
    %swap3A_294 = arith.constant 0 : i32
    %swap3A_295 = arith.constant 1 : i32
    %swap3A_296 = arith.index_cast %swap3A_294 : i32 to index
    %swap3A_297 = arith.index_cast %swap3A_295 : i32 to index
    %swap3A_298 = arith.constant 96 : index
    %swap3A_299 = tpu.vector_load %arg6[%swap3A_296, %swap3A_297, %swap3A_298] {strides = array<i32>} : memref<3x4x128xi32, #tpu.memory_space<vmem>>, vector<1x1x16xi32>,
    %swap3A_300 = vector.shape_cast %swap3A_299 : vector<1x1x16xi32> to vector<16xi32>
    %swap3A_301 = vector.shape_cast %add3A_293 : vector<16xi32> to vector<1x1x16xi32>
    tpu.vector_store %arg6[%swap3A_296, %swap3A_297, %swap3A_298], %swap3A_301 {strides = array<i32>} : memref<3x4x128xi32, #tpu.memory_space<vmem>>, vector<1x1x16xi32>,
    %get3A_302 = arith.constant 0 : i32
    %get3A_303 = arith.index_cast %get3A_302 : i32 to index
    %get3A_304 = arith.constant 240 : index
    %get3A_305 = tpu.vector_load %arg5[%get3A_303, %get3A_304] {strides = array<i32>} : memref<8x512xf32, #tpu.memory_space<vmem>>, vector<1x16xf32>,
    %get3A_306 = vector.shape_cast %get3A_305 : vector<1x16xf32> to vector<16xf32>
    %add3A_307 = arith.constant 0x4B000000 : f32
    %add3A_308 = vector.broadcast %add3A_307 : f32 to vector<16xf32>
    %add3A_309 = arith.addf %get3A_306, %add3A_308 : vector<16xf32>
    %bitcast_convert_type3A_310 = tpu.bitcast %add3A_309 : vector<16xf32> -> vector<16xi32>
    %add3A_311 = arith.constant -1258291200 : i32
    %add3A_312 = vector.broadcast %add3A_311 : i32 to vector<16xi32>
    %add3A_313 = arith.addi %bitcast_convert_type3A_310, %add3A_312 : vector<16xi32>
    %swap3A_314 = arith.constant 0 : i32
    %swap3A_315 = arith.constant 1 : i32
    %swap3A_316 = arith.index_cast %swap3A_314 : i32 to index
    %swap3A_317 = arith.index_cast %swap3A_315 : i32 to index
    %swap3A_318 = arith.constant 112 : index
    %swap3A_319 = tpu.vector_load %arg6[%swap3A_316, %swap3A_317, %swap3A_318] {strides = array<i32>} : memref<3x4x128xi32, #tpu.memory_space<vmem>>, vector<1x1x16xi32>,
    %swap3A_320 = vector.shape_cast %swap3A_319 : vector<1x1x16xi32> to vector<16xi32>
    %swap3A_321 = vector.shape_cast %add3A_313 : vector<16xi32> to vector<1x1x16xi32>
    tpu.vector_store %arg6[%swap3A_316, %swap3A_317, %swap3A_318], %swap3A_321 {strides = array<i32>} : memref<3x4x128xi32, #tpu.memory_space<vmem>>, vector<1x1x16xi32>,
    %get3A_322 = arith.constant 0 : i32
    %get3A_323 = arith.index_cast %get3A_322 : i32 to index
    %get3A_324 = arith.constant 256 : index
    %get3A_325 = tpu.vector_load %arg5[%get3A_323, %get3A_324] {strides = array<i32>} : memref<8x512xf32, #tpu.memory_space<vmem>>, vector<1x16xf32>,
    %get3A_326 = vector.shape_cast %get3A_325 : vector<1x16xf32> to vector<16xf32>
    %add3A_327 = arith.constant 0x4B000000 : f32
    %add3A_328 = vector.broadcast %add3A_327 : f32 to vector<16xf32>
    %add3A_329 = arith.addf %get3A_326, %add3A_328 : vector<16xf32>
    %bitcast_convert_type3A_330 = tpu.bitcast %add3A_329 : vector<16xf32> -> vector<16xi32>
    %add3A_331 = arith.constant -1258291200 : i32
    %add3A_332 = vector.broadcast %add3A_331 : i32 to vector<16xi32>
    %add3A_333 = arith.addi %bitcast_convert_type3A_330, %add3A_332 : vector<16xi32>
    %swap3A_334 = arith.constant 0 : i32
    %swap3A_335 = arith.constant 2 : i32
    %swap3A_336 = arith.index_cast %swap3A_334 : i32 to index
    %swap3A_337 = arith.index_cast %swap3A_335 : i32 to index
    %swap3A_338 = arith.constant 0 : index
    %swap3A_339 = tpu.vector_load %arg6[%swap3A_336, %swap3A_337, %swap3A_338] {strides = array<i32>} : memref<3x4x128xi32, #tpu.memory_space<vmem>>, vector<1x1x16xi32>,
    %swap3A_340 = vector.shape_cast %swap3A_339 : vector<1x1x16xi32> to vector<16xi32>
    %swap3A_341 = vector.shape_cast %add3A_333 : vector<16xi32> to vector<1x1x16xi32>
    tpu.vector_store %arg6[%swap3A_336, %swap3A_337, %swap3A_338], %swap3A_341 {strides = array<i32>} : memref<3x4x128xi32, #tpu.memory_space<vmem>>, vector<1x1x16xi32>,
    %get3A_342 = arith.constant 0 : i32
    %get3A_343 = arith.index_cast %get3A_342 : i32 to index
    %get3A_344 = arith.constant 272 : index
    %get3A_345 = tpu.vector_load %arg5[%get3A_343, %get3A_344] {strides = array<i32>} : memref<8x512xf32, #tpu.memory_space<vmem>>, vector<1x16xf32>,
    %get3A_346 = vector.shape_cast %get3A_345 : vector<1x16xf32> to vector<16xf32>
    %add3A_347 = arith.constant 0x4B000000 : f32
    %add3A_348 = vector.broadcast %add3A_347 : f32 to vector<16xf32>
    %add3A_349 = arith.addf %get3A_346, %add3A_348 : vector<16xf32>
    %bitcast_convert_type3A_350 = tpu.bitcast %add3A_349 : vector<16xf32> -> vector<16xi32>
    %add3A_351 = arith.constant -1258291200 : i32
    %add3A_352 = vector.broadcast %add3A_351 : i32 to vector<16xi32>
    %add3A_353 = arith.addi %bitcast_convert_type3A_350, %add3A_352 : vector<16xi32>
    %swap3A_354 = arith.constant 0 : i32
    %swap3A_355 = arith.constant 2 : i32
    %swap3A_356 = arith.index_cast %swap3A_354 : i32 to index
    %swap3A_357 = arith.index_cast %swap3A_355 : i32 to index
    %swap3A_358 = arith.constant 16 : index
    %swap3A_359 = tpu.vector_load %arg6[%swap3A_356, %swap3A_357, %swap3A_358] {strides = array<i32>} : memref<3x4x128xi32, #tpu.memory_space<vmem>>, vector<1x1x16xi32>,
    %swap3A_360 = vector.shape_cast %swap3A_359 : vector<1x1x16xi32> to vector<16xi32>
    %swap3A_361 = vector.shape_cast %add3A_353 : vector<16xi32> to vector<1x1x16xi32>
    tpu.vector_store %arg6[%swap3A_356, %swap3A_357, %swap3A_358], %swap3A_361 {strides = array<i32>} : memref<3x4x128xi32, #tpu.memory_space<vmem>>, vector<1x1x16xi32>,
    %get3A_362 = arith.constant 0 : i32
    %get3A_363 = arith.index_cast %get3A_362 : i32 to index
    %get3A_364 = arith.constant 288 : index
    %get3A_365 = tpu.vector_load %arg5[%get3A_363, %get3A_364] {strides = array<i32>} : memref<8x512xf32, #tpu.memory_space<vmem>>, vector<1x16xf32>,
    %get3A_366 = vector.shape_cast %get3A_365 : vector<1x16xf32> to vector<16xf32>
    %add3A_367 = arith.constant 0x4B000000 : f32
    %add3A_368 = vector.broadcast %add3A_367 : f32 to vector<16xf32>
    %add3A_369 = arith.addf %get3A_366, %add3A_368 : vector<16xf32>
    %bitcast_convert_type3A_370 = tpu.bitcast %add3A_369 : vector<16xf32> -> vector<16xi32>
    %add3A_371 = arith.constant -1258291200 : i32
    %add3A_372 = vector.broadcast %add3A_371 : i32 to vector<16xi32>
    %add3A_373 = arith.addi %bitcast_convert_type3A_370, %add3A_372 : vector<16xi32>
    %swap3A_374 = arith.constant 0 : i32
    %swap3A_375 = arith.constant 2 : i32
    %swap3A_376 = arith.index_cast %swap3A_374 : i32 to index
    %swap3A_377 = arith.index_cast %swap3A_375 : i32 to index
    %swap3A_378 = arith.constant 32 : index
    %swap3A_379 = tpu.vector_load %arg6[%swap3A_376, %swap3A_377, %swap3A_378] {strides = array<i32>} : memref<3x4x128xi32, #tpu.memory_space<vmem>>, vector<1x1x16xi32>,
    %swap3A_380 = vector.shape_cast %swap3A_379 : vector<1x1x16xi32> to vector<16xi32>
    %swap3A_381 = vector.shape_cast %add3A_373 : vector<16xi32> to vector<1x1x16xi32>
    tpu.vector_store %arg6[%swap3A_376, %swap3A_377, %swap3A_378], %swap3A_381 {strides = array<i32>} : memref<3x4x128xi32, #tpu.memory_space<vmem>>, vector<1x1x16xi32>,
    %get3A_382 = arith.constant 0 : i32
    %get3A_383 = arith.index_cast %get3A_382 : i32 to index
    %get3A_384 = arith.constant 304 : index
    %get3A_385 = tpu.vector_load %arg5[%get3A_383, %get3A_384] {strides = array<i32>} : memref<8x512xf32, #tpu.memory_space<vmem>>, vector<1x16xf32>,
    %get3A_386 = vector.shape_cast %get3A_385 : vector<1x16xf32> to vector<16xf32>
    %add3A_387 = arith.constant 0x4B000000 : f32
    %add3A_388 = vector.broadcast %add3A_387 : f32 to vector<16xf32>
    %add3A_389 = arith.addf %get3A_386, %add3A_388 : vector<16xf32>
    %bitcast_convert_type3A_390 = tpu.bitcast %add3A_389 : vector<16xf32> -> vector<16xi32>
    %add3A_391 = arith.constant -1258291200 : i32
    %add3A_392 = vector.broadcast %add3A_391 : i32 to vector<16xi32>
    %add3A_393 = arith.addi %bitcast_convert_type3A_390, %add3A_392 : vector<16xi32>
    %swap3A_394 = arith.constant 0 : i32
    %swap3A_395 = arith.constant 2 : i32
    %swap3A_396 = arith.index_cast %swap3A_394 : i32 to index
    %swap3A_397 = arith.index_cast %swap3A_395 : i32 to index
    %swap3A_398 = arith.constant 48 : index
    %swap3A_399 = tpu.vector_load %arg6[%swap3A_396, %swap3A_397, %swap3A_398] {strides = array<i32>} : memref<3x4x128xi32, #tpu.memory_space<vmem>>, vector<1x1x16xi32>,
    %swap3A_400 = vector.shape_cast %swap3A_399 : vector<1x1x16xi32> to vector<16xi32>
    %swap3A_401 = vector.shape_cast %add3A_393 : vector<16xi32> to vector<1x1x16xi32>
    tpu.vector_store %arg6[%swap3A_396, %swap3A_397, %swap3A_398], %swap3A_401 {strides = array<i32>} : memref<3x4x128xi32, #tpu.memory_space<vmem>>, vector<1x1x16xi32>,
    %get3A_402 = arith.constant 0 : i32
    %get3A_403 = arith.index_cast %get3A_402 : i32 to index
    %get3A_404 = arith.constant 320 : index
    %get3A_405 = tpu.vector_load %arg5[%get3A_403, %get3A_404] {strides = array<i32>} : memref<8x512xf32, #tpu.memory_space<vmem>>, vector<1x16xf32>,
    %get3A_406 = vector.shape_cast %get3A_405 : vector<1x16xf32> to vector<16xf32>
    %add3A_407 = arith.constant 0x4B000000 : f32
    %add3A_408 = vector.broadcast %add3A_407 : f32 to vector<16xf32>
    %add3A_409 = arith.addf %get3A_406, %add3A_408 : vector<16xf32>
    %bitcast_convert_type3A_410 = tpu.bitcast %add3A_409 : vector<16xf32> -> vector<16xi32>
    %add3A_411 = arith.constant -1258291200 : i32
    %add3A_412 = vector.broadcast %add3A_411 : i32 to vector<16xi32>
    %add3A_413 = arith.addi %bitcast_convert_type3A_410, %add3A_412 : vector<16xi32>
    %swap3A_414 = arith.constant 0 : i32
    %swap3A_415 = arith.constant 2 : i32
    %swap3A_416 = arith.index_cast %swap3A_414 : i32 to index
    %swap3A_417 = arith.index_cast %swap3A_415 : i32 to index
    %swap3A_418 = arith.constant 64 : index
    %swap3A_419 = tpu.vector_load %arg6[%swap3A_416, %swap3A_417, %swap3A_418] {strides = array<i32>} : memref<3x4x128xi32, #tpu.memory_space<vmem>>, vector<1x1x16xi32>,
    %swap3A_420 = vector.shape_cast %swap3A_419 : vector<1x1x16xi32> to vector<16xi32>
    %swap3A_421 = vector.shape_cast %add3A_413 : vector<16xi32> to vector<1x1x16xi32>
    tpu.vector_store %arg6[%swap3A_416, %swap3A_417, %swap3A_418], %swap3A_421 {strides = array<i32>} : memref<3x4x128xi32, #tpu.memory_space<vmem>>, vector<1x1x16xi32>,
    %get3A_422 = arith.constant 0 : i32
    %get3A_423 = arith.index_cast %get3A_422 : i32 to index
    %get3A_424 = arith.constant 336 : index
    %get3A_425 = tpu.vector_load %arg5[%get3A_423, %get3A_424] {strides = array<i32>} : memref<8x512xf32, #tpu.memory_space<vmem>>, vector<1x16xf32>,
    %get3A_426 = vector.shape_cast %get3A_425 : vector<1x16xf32> to vector<16xf32>
    %add3A_427 = arith.constant 0x4B000000 : f32
    %add3A_428 = vector.broadcast %add3A_427 : f32 to vector<16xf32>
    %add3A_429 = arith.addf %get3A_426, %add3A_428 : vector<16xf32>
    %bitcast_convert_type3A_430 = tpu.bitcast %add3A_429 : vector<16xf32> -> vector<16xi32>
    %add3A_431 = arith.constant -1258291200 : i32
    %add3A_432 = vector.broadcast %add3A_431 : i32 to vector<16xi32>
    %add3A_433 = arith.addi %bitcast_convert_type3A_430, %add3A_432 : vector<16xi32>
    %swap3A_434 = arith.constant 0 : i32
    %swap3A_435 = arith.constant 2 : i32
    %swap3A_436 = arith.index_cast %swap3A_434 : i32 to index
    %swap3A_437 = arith.index_cast %swap3A_435 : i32 to index
    %swap3A_438 = arith.constant 80 : index
    %swap3A_439 = tpu.vector_load %arg6[%swap3A_436, %swap3A_437, %swap3A_438] {strides = array<i32>} : memref<3x4x128xi32, #tpu.memory_space<vmem>>, vector<1x1x16xi32>,
    %swap3A_440 = vector.shape_cast %swap3A_439 : vector<1x1x16xi32> to vector<16xi32>
    %swap3A_441 = vector.shape_cast %add3A_433 : vector<16xi32> to vector<1x1x16xi32>
    tpu.vector_store %arg6[%swap3A_436, %swap3A_437, %swap3A_438], %swap3A_441 {strides = array<i32>} : memref<3x4x128xi32, #tpu.memory_space<vmem>>, vector<1x1x16xi32>,
    %get3A_442 = arith.constant 0 : i32
    %get3A_443 = arith.index_cast %get3A_442 : i32 to index
    %get3A_444 = arith.constant 352 : index
    %get3A_445 = tpu.vector_load %arg5[%get3A_443, %get3A_444] {strides = array<i32>} : memref<8x512xf32, #tpu.memory_space<vmem>>, vector<1x16xf32>,
    %get3A_446 = vector.shape_cast %get3A_445 : vector<1x16xf32> to vector<16xf32>
    %add3A_447 = arith.constant 0x4B000000 : f32
    %add3A_448 = vector.broadcast %add3A_447 : f32 to vector<16xf32>
    %add3A_449 = arith.addf %get3A_446, %add3A_448 : vector<16xf32>
    %bitcast_convert_type3A_450 = tpu.bitcast %add3A_449 : vector<16xf32> -> vector<16xi32>
    %add3A_451 = arith.constant -1258291200 : i32
    %add3A_452 = vector.broadcast %add3A_451 : i32 to vector<16xi32>
    %add3A_453 = arith.addi %bitcast_convert_type3A_450, %add3A_452 : vector<16xi32>
    %swap3A_454 = arith.constant 0 : i32
    %swap3A_455 = arith.constant 2 : i32
    %swap3A_456 = arith.index_cast %swap3A_454 : i32 to index
    %swap3A_457 = arith.index_cast %swap3A_455 : i32 to index
    %swap3A_458 = arith.constant 96 : index
    %swap3A_459 = tpu.vector_load %arg6[%swap3A_456, %swap3A_457, %swap3A_458] {strides = array<i32>} : memref<3x4x128xi32, #tpu.memory_space<vmem>>, vector<1x1x16xi32>,
    %swap3A_460 = vector.shape_cast %swap3A_459 : vector<1x1x16xi32> to vector<16xi32>
    %swap3A_461 = vector.shape_cast %add3A_453 : vector<16xi32> to vector<1x1x16xi32>
    tpu.vector_store %arg6[%swap3A_456, %swap3A_457, %swap3A_458], %swap3A_461 {strides = array<i32>} : memref<3x4x128xi32, #tpu.memory_space<vmem>>, vector<1x1x16xi32>,
    %get3A_462 = arith.constant 0 : i32
    %get3A_463 = arith.index_cast %get3A_462 : i32 to index
    %get3A_464 = arith.constant 368 : index
    %get3A_465 = tpu.vector_load %arg5[%get3A_463, %get3A_464] {strides = array<i32>} : memref<8x512xf32, #tpu.memory_space<vmem>>, vector<1x16xf32>,
    %get3A_466 = vector.shape_cast %get3A_465 : vector<1x16xf32> to vector<16xf32>
    %add3A_467 = arith.constant 0x4B000000 : f32
    %add3A_468 = vector.broadcast %add3A_467 : f32 to vector<16xf32>
    %add3A_469 = arith.addf %get3A_466, %add3A_468 : vector<16xf32>
    %bitcast_convert_type3A_470 = tpu.bitcast %add3A_469 : vector<16xf32> -> vector<16xi32>
    %add3A_471 = arith.constant -1258291200 : i32
    %add3A_472 = vector.broadcast %add3A_471 : i32 to vector<16xi32>
    %add3A_473 = arith.addi %bitcast_convert_type3A_470, %add3A_472 : vector<16xi32>
    %swap3A_474 = arith.constant 0 : i32
    %swap3A_475 = arith.constant 2 : i32
    %swap3A_476 = arith.index_cast %swap3A_474 : i32 to index
    %swap3A_477 = arith.index_cast %swap3A_475 : i32 to index
    %swap3A_478 = arith.constant 112 : index
    %swap3A_479 = tpu.vector_load %arg6[%swap3A_476, %swap3A_477, %swap3A_478] {strides = array<i32>} : memref<3x4x128xi32, #tpu.memory_space<vmem>>, vector<1x1x16xi32>,
    %swap3A_480 = vector.shape_cast %swap3A_479 : vector<1x1x16xi32> to vector<16xi32>
    %swap3A_481 = vector.shape_cast %add3A_473 : vector<16xi32> to vector<1x1x16xi32>
    tpu.vector_store %arg6[%swap3A_476, %swap3A_477, %swap3A_478], %swap3A_481 {strides = array<i32>} : memref<3x4x128xi32, #tpu.memory_space<vmem>>, vector<1x1x16xi32>,
    %get3A_482 = arith.constant 0 : i32
    %get3A_483 = arith.index_cast %get3A_482 : i32 to index
    %get3A_484 = arith.constant 384 : index
    %get3A_485 = tpu.vector_load %arg5[%get3A_483, %get3A_484] {strides = array<i32>} : memref<8x512xf32, #tpu.memory_space<vmem>>, vector<1x16xf32>,
    %get3A_486 = vector.shape_cast %get3A_485 : vector<1x16xf32> to vector<16xf32>
    %add3A_487 = arith.constant 0x4B000000 : f32
    %add3A_488 = vector.broadcast %add3A_487 : f32 to vector<16xf32>
    %add3A_489 = arith.addf %get3A_486, %add3A_488 : vector<16xf32>
    %bitcast_convert_type3A_490 = tpu.bitcast %add3A_489 : vector<16xf32> -> vector<16xi32>
    %add3A_491 = arith.constant -1258291200 : i32
    %add3A_492 = vector.broadcast %add3A_491 : i32 to vector<16xi32>
    %add3A_493 = arith.addi %bitcast_convert_type3A_490, %add3A_492 : vector<16xi32>
    %swap3A_494 = arith.constant 0 : i32
    %swap3A_495 = arith.constant 3 : i32
    %swap3A_496 = arith.index_cast %swap3A_494 : i32 to index
    %swap3A_497 = arith.index_cast %swap3A_495 : i32 to index
    %swap3A_498 = arith.constant 0 : index
    %swap3A_499 = tpu.vector_load %arg6[%swap3A_496, %swap3A_497, %swap3A_498] {strides = array<i32>} : memref<3x4x128xi32, #tpu.memory_space<vmem>>, vector<1x1x16xi32>,
    %swap3A_500 = vector.shape_cast %swap3A_499 : vector<1x1x16xi32> to vector<16xi32>
    %swap3A_501 = vector.shape_cast %add3A_493 : vector<16xi32> to vector<1x1x16xi32>
    tpu.vector_store %arg6[%swap3A_496, %swap3A_497, %swap3A_498], %swap3A_501 {strides = array<i32>} : memref<3x4x128xi32, #tpu.memory_space<vmem>>, vector<1x1x16xi32>,
    %get3A_502 = arith.constant 0 : i32
    %get3A_503 = arith.index_cast %get3A_502 : i32 to index
    %get3A_504 = arith.constant 400 : index
    %get3A_505 = tpu.vector_load %arg5[%get3A_503, %get3A_504] {strides = array<i32>} : memref<8x512xf32, #tpu.memory_space<vmem>>, vector<1x16xf32>,
    %get3A_506 = vector.shape_cast %get3A_505 : vector<1x16xf32> to vector<16xf32>
    %add3A_507 = arith.constant 0x4B000000 : f32
    %add3A_508 = vector.broadcast %add3A_507 : f32 to vector<16xf32>
    %add3A_509 = arith.addf %get3A_506, %add3A_508 : vector<16xf32>
    %bitcast_convert_type3A_510 = tpu.bitcast %add3A_509 : vector<16xf32> -> vector<16xi32>
    %add3A_511 = arith.constant -1258291200 : i32
    %add3A_512 = vector.broadcast %add3A_511 : i32 to vector<16xi32>
    %add3A_513 = arith.addi %bitcast_convert_type3A_510, %add3A_512 : vector<16xi32>
    %swap3A_514 = arith.constant 0 : i32
    %swap3A_515 = arith.constant 3 : i32
    %swap3A_516 = arith.index_cast %swap3A_514 : i32 to index
    %swap3A_517 = arith.index_cast %swap3A_515 : i32 to index
    %swap3A_518 = arith.constant 16 : index
    %swap3A_519 = tpu.vector_load %arg6[%swap3A_516, %swap3A_517, %swap3A_518] {strides = array<i32>} : memref<3x4x128xi32, #tpu.memory_space<vmem>>, vector<1x1x16xi32>,
    %swap3A_520 = vector.shape_cast %swap3A_519 : vector<1x1x16xi32> to vector<16xi32>
    %swap3A_521 = vector.shape_cast %add3A_513 : vector<16xi32> to vector<1x1x16xi32>
    tpu.vector_store %arg6[%swap3A_516, %swap3A_517, %swap3A_518], %swap3A_521 {strides = array<i32>} : memref<3x4x128xi32, #tpu.memory_space<vmem>>, vector<1x1x16xi32>,
    %get3A_522 = arith.constant 0 : i32
    %get3A_523 = arith.index_cast %get3A_522 : i32 to index
    %get3A_524 = arith.constant 416 : index
    %get3A_525 = tpu.vector_load %arg5[%get3A_523, %get3A_524] {strides = array<i32>} : memref<8x512xf32, #tpu.memory_space<vmem>>, vector<1x16xf32>,
    %get3A_526 = vector.shape_cast %get3A_525 : vector<1x16xf32> to vector<16xf32>
    %add3A_527 = arith.constant 0x4B000000 : f32
    %add3A_528 = vector.broadcast %add3A_527 : f32 to vector<16xf32>
    %add3A_529 = arith.addf %get3A_526, %add3A_528 : vector<16xf32>
    %bitcast_convert_type3A_530 = tpu.bitcast %add3A_529 : vector<16xf32> -> vector<16xi32>
    %add3A_531 = arith.constant -1258291200 : i32
    %add3A_532 = vector.broadcast %add3A_531 : i32 to vector<16xi32>
    %add3A_533 = arith.addi %bitcast_convert_type3A_530, %add3A_532 : vector<16xi32>
    %swap3A_534 = arith.constant 0 : i32
    %swap3A_535 = arith.constant 3 : i32
    %swap3A_536 = arith.index_cast %swap3A_534 : i32 to index
    %swap3A_537 = arith.index_cast %swap3A_535 : i32 to index
    %swap3A_538 = arith.constant 32 : index
    %swap3A_539 = tpu.vector_load %arg6[%swap3A_536, %swap3A_537, %swap3A_538] {strides = array<i32>} : memref<3x4x128xi32, #tpu.memory_space<vmem>>, vector<1x1x16xi32>,
    %swap3A_540 = vector.shape_cast %swap3A_539 : vector<1x1x16xi32> to vector<16xi32>
    %swap3A_541 = vector.shape_cast %add3A_533 : vector<16xi32> to vector<1x1x16xi32>
    tpu.vector_store %arg6[%swap3A_536, %swap3A_537, %swap3A_538], %swap3A_541 {strides = array<i32>} : memref<3x4x128xi32, #tpu.memory_space<vmem>>, vector<1x1x16xi32>,
    %get3A_542 = arith.constant 0 : i32
    %get3A_543 = arith.index_cast %get3A_542 : i32 to index
    %get3A_544 = arith.constant 432 : index
    %get3A_545 = tpu.vector_load %arg5[%get3A_543, %get3A_544] {strides = array<i32>} : memref<8x512xf32, #tpu.memory_space<vmem>>, vector<1x16xf32>,
    %get3A_546 = vector.shape_cast %get3A_545 : vector<1x16xf32> to vector<16xf32>
    %add3A_547 = arith.constant 0x4B000000 : f32
    %add3A_548 = vector.broadcast %add3A_547 : f32 to vector<16xf32>
    %add3A_549 = arith.addf %get3A_546, %add3A_548 : vector<16xf32>
    %bitcast_convert_type3A_550 = tpu.bitcast %add3A_549 : vector<16xf32> -> vector<16xi32>
    %add3A_551 = arith.constant -1258291200 : i32
    %add3A_552 = vector.broadcast %add3A_551 : i32 to vector<16xi32>
    %add3A_553 = arith.addi %bitcast_convert_type3A_550, %add3A_552 : vector<16xi32>
    %swap3A_554 = arith.constant 0 : i32
    %swap3A_555 = arith.constant 3 : i32
    %swap3A_556 = arith.index_cast %swap3A_554 : i32 to index
    %swap3A_557 = arith.index_cast %swap3A_555 : i32 to index
    %swap3A_558 = arith.constant 48 : index
    %swap3A_559 = tpu.vector_load %arg6[%swap3A_556, %swap3A_557, %swap3A_558] {strides = array<i32>} : memref<3x4x128xi32, #tpu.memory_space<vmem>>, vector<1x1x16xi32>,
    %swap3A_560 = vector.shape_cast %swap3A_559 : vector<1x1x16xi32> to vector<16xi32>
    %swap3A_561 = vector.shape_cast %add3A_553 : vector<16xi32> to vector<1x1x16xi32>
    tpu.vector_store %arg6[%swap3A_556, %swap3A_557, %swap3A_558], %swap3A_561 {strides = array<i32>} : memref<3x4x128xi32, #tpu.memory_space<vmem>>, vector<1x1x16xi32>,
    %get3A_562 = arith.constant 0 : i32
    %get3A_563 = arith.index_cast %get3A_562 : i32 to index
    %get3A_564 = arith.constant 448 : index
    %get3A_565 = tpu.vector_load %arg5[%get3A_563, %get3A_564] {strides = array<i32>} : memref<8x512xf32, #tpu.memory_space<vmem>>, vector<1x16xf32>,
    %get3A_566 = vector.shape_cast %get3A_565 : vector<1x16xf32> to vector<16xf32>
    %add3A_567 = arith.constant 0x4B000000 : f32
    %add3A_568 = vector.broadcast %add3A_567 : f32 to vector<16xf32>
    %add3A_569 = arith.addf %get3A_566, %add3A_568 : vector<16xf32>
    %bitcast_convert_type3A_570 = tpu.bitcast %add3A_569 : vector<16xf32> -> vector<16xi32>
    %add3A_571 = arith.constant -1258291200 : i32
    %add3A_572 = vector.broadcast %add3A_571 : i32 to vector<16xi32>
    %add3A_573 = arith.addi %bitcast_convert_type3A_570, %add3A_572 : vector<16xi32>
    %swap3A_574 = arith.constant 0 : i32
    %swap3A_575 = arith.constant 3 : i32
    %swap3A_576 = arith.index_cast %swap3A_574 : i32 to index
    %swap3A_577 = arith.index_cast %swap3A_575 : i32 to index
    %swap3A_578 = arith.constant 64 : index
    %swap3A_579 = tpu.vector_load %arg6[%swap3A_576, %swap3A_577, %swap3A_578] {strides = array<i32>} : memref<3x4x128xi32, #tpu.memory_space<vmem>>, vector<1x1x16xi32>,
    %swap3A_580 = vector.shape_cast %swap3A_579 : vector<1x1x16xi32> to vector<16xi32>
    %swap3A_581 = vector.shape_cast %add3A_573 : vector<16xi32> to vector<1x1x16xi32>
    tpu.vector_store %arg6[%swap3A_576, %swap3A_577, %swap3A_578], %swap3A_581 {strides = array<i32>} : memref<3x4x128xi32, #tpu.memory_space<vmem>>, vector<1x1x16xi32>,
    %get3A_582 = arith.constant 0 : i32
    %get3A_583 = arith.index_cast %get3A_582 : i32 to index
    %get3A_584 = arith.constant 464 : index
    %get3A_585 = tpu.vector_load %arg5[%get3A_583, %get3A_584] {strides = array<i32>} : memref<8x512xf32, #tpu.memory_space<vmem>>, vector<1x16xf32>,
    %get3A_586 = vector.shape_cast %get3A_585 : vector<1x16xf32> to vector<16xf32>
    %add3A_587 = arith.constant 0x4B000000 : f32
    %add3A_588 = vector.broadcast %add3A_587 : f32 to vector<16xf32>
    %add3A_589 = arith.addf %get3A_586, %add3A_588 : vector<16xf32>
    %bitcast_convert_type3A_590 = tpu.bitcast %add3A_589 : vector<16xf32> -> vector<16xi32>
    %add3A_591 = arith.constant -1258291200 : i32
    %add3A_592 = vector.broadcast %add3A_591 : i32 to vector<16xi32>
    %add3A_593 = arith.addi %bitcast_convert_type3A_590, %add3A_592 : vector<16xi32>
    %swap3A_594 = arith.constant 0 : i32
    %swap3A_595 = arith.constant 3 : i32
    %swap3A_596 = arith.index_cast %swap3A_594 : i32 to index
    %swap3A_597 = arith.index_cast %swap3A_595 : i32 to index
    %swap3A_598 = arith.constant 80 : index
    %swap3A_599 = tpu.vector_load %arg6[%swap3A_596, %swap3A_597, %swap3A_598] {strides = array<i32>} : memref<3x4x128xi32, #tpu.memory_space<vmem>>, vector<1x1x16xi32>,
    %swap3A_600 = vector.shape_cast %swap3A_599 : vector<1x1x16xi32> to vector<16xi32>
    %swap3A_601 = vector.shape_cast %add3A_593 : vector<16xi32> to vector<1x1x16xi32>
    tpu.vector_store %arg6[%swap3A_596, %swap3A_597, %swap3A_598], %swap3A_601 {strides = array<i32>} : memref<3x4x128xi32, #tpu.memory_space<vmem>>, vector<1x1x16xi32>,
    %get3A_602 = arith.constant 0 : i32
    %get3A_603 = arith.index_cast %get3A_602 : i32 to index
    %get3A_604 = arith.constant 480 : index
    %get3A_605 = tpu.vector_load %arg5[%get3A_603, %get3A_604] {strides = array<i32>} : memref<8x512xf32, #tpu.memory_space<vmem>>, vector<1x16xf32>,
    %get3A_606 = vector.shape_cast %get3A_605 : vector<1x16xf32> to vector<16xf32>
    %add3A_607 = arith.constant 0x4B000000 : f32
    %add3A_608 = vector.broadcast %add3A_607 : f32 to vector<16xf32>
    %add3A_609 = arith.addf %get3A_606, %add3A_608 : vector<16xf32>
    %bitcast_convert_type3A_610 = tpu.bitcast %add3A_609 : vector<16xf32> -> vector<16xi32>
    %add3A_611 = arith.constant -1258291200 : i32
    %add3A_612 = vector.broadcast %add3A_611 : i32 to vector<16xi32>
    %add3A_613 = arith.addi %bitcast_convert_type3A_610, %add3A_612 : vector<16xi32>
    %swap3A_614 = arith.constant 0 : i32
    %swap3A_615 = arith.constant 3 : i32
    %swap3A_616 = arith.index_cast %swap3A_614 : i32 to index
    %swap3A_617 = arith.index_cast %swap3A_615 : i32 to index
    %swap3A_618 = arith.constant 96 : index
    %swap3A_619 = tpu.vector_load %arg6[%swap3A_616, %swap3A_617, %swap3A_618] {strides = array<i32>} : memref<3x4x128xi32, #tpu.memory_space<vmem>>, vector<1x1x16xi32>,
    %swap3A_620 = vector.shape_cast %swap3A_619 : vector<1x1x16xi32> to vector<16xi32>
    %swap3A_621 = vector.shape_cast %add3A_613 : vector<16xi32> to vector<1x1x16xi32>
    tpu.vector_store %arg6[%swap3A_616, %swap3A_617, %swap3A_618], %swap3A_621 {strides = array<i32>} : memref<3x4x128xi32, #tpu.memory_space<vmem>>, vector<1x1x16xi32>,
    %get3A_622 = arith.constant 0 : i32
    %get3A_623 = arith.index_cast %get3A_622 : i32 to index
    %get3A_624 = arith.constant 496 : index
    %get3A_625 = tpu.vector_load %arg5[%get3A_623, %get3A_624] {strides = array<i32>} : memref<8x512xf32, #tpu.memory_space<vmem>>, vector<1x16xf32>,
    %get3A_626 = vector.shape_cast %get3A_625 : vector<1x16xf32> to vector<16xf32>
    %add3A_627 = arith.constant 0x4B000000 : f32
    %add3A_628 = vector.broadcast %add3A_627 : f32 to vector<16xf32>
    %add3A_629 = arith.addf %get3A_626, %add3A_628 : vector<16xf32>
    %bitcast_convert_type3A_630 = tpu.bitcast %add3A_629 : vector<16xf32> -> vector<16xi32>
    %add3A_631 = arith.constant -1258291200 : i32
    %add3A_632 = vector.broadcast %add3A_631 : i32 to vector<16xi32>
    %add3A_633 = arith.addi %bitcast_convert_type3A_630, %add3A_632 : vector<16xi32>
    %swap3A_634 = arith.constant 0 : i32
    %swap3A_635 = arith.constant 3 : i32
    %swap3A_636 = arith.index_cast %swap3A_634 : i32 to index
    %swap3A_637 = arith.index_cast %swap3A_635 : i32 to index
    %swap3A_638 = arith.constant 112 : index
    %swap3A_639 = tpu.vector_load %arg6[%swap3A_636, %swap3A_637, %swap3A_638] {strides = array<i32>} : memref<3x4x128xi32, #tpu.memory_space<vmem>>, vector<1x1x16xi32>,
    %swap3A_640 = vector.shape_cast %swap3A_639 : vector<1x1x16xi32> to vector<16xi32>
    %swap3A_641 = vector.shape_cast %add3A_633 : vector<16xi32> to vector<1x1x16xi32>
    tpu.vector_store %arg6[%swap3A_636, %swap3A_637, %swap3A_638], %swap3A_641 {strides = array<i32>} : memref<3x4x128xi32, #tpu.memory_space<vmem>>, vector<1x1x16xi32>,
    %get3A_642 = arith.constant 6 : i32
    %get3A_643 = arith.index_cast %get3A_642 : i32 to index
    %get3A_644 = arith.constant 0 : index
    %get3A_645 = tpu.vector_load %arg5[%get3A_643, %get3A_644] {strides = array<i32>} : memref<8x512xf32, #tpu.memory_space<vmem>>, vector<1x16xf32>,
    %get3A_646 = vector.shape_cast %get3A_645 : vector<1x16xf32> to vector<16xf32>
    %add3A_647 = arith.constant 0x4B000000 : f32
    %add3A_648 = vector.broadcast %add3A_647 : f32 to vector<16xf32>
    %add3A_649 = arith.addf %get3A_646, %add3A_648 : vector<16xf32>
    %bitcast_convert_type3A_650 = tpu.bitcast %add3A_649 : vector<16xf32> -> vector<16xi32>
    %add3A_651 = arith.constant -1258290912 : i32
    %add3A_652 = vector.broadcast %add3A_651 : i32 to vector<16xi32>
    %add3A_653 = arith.addi %bitcast_convert_type3A_650, %add3A_652 : vector<16xi32>
    %swap3A_654 = arith.constant 1 : i32
    %swap3A_655 = arith.constant 0 : i32
    %swap3A_656 = arith.index_cast %swap3A_654 : i32 to index
    %swap3A_657 = arith.index_cast %swap3A_655 : i32 to index
    %swap3A_658 = arith.constant 0 : index
    %swap3A_659 = tpu.vector_load %arg6[%swap3A_656, %swap3A_657, %swap3A_658] {strides = array<i32>} : memref<3x4x128xi32, #tpu.memory_space<vmem>>, vector<1x1x16xi32>,
    %swap3A_660 = vector.shape_cast %swap3A_659 : vector<1x1x16xi32> to vector<16xi32>
    %swap3A_661 = vector.shape_cast %add3A_653 : vector<16xi32> to vector<1x1x16xi32>
    tpu.vector_store %arg6[%swap3A_656, %swap3A_657, %swap3A_658], %swap3A_661 {strides = array<i32>} : memref<3x4x128xi32, #tpu.memory_space<vmem>>, vector<1x1x16xi32>,
    %get3A_662 = arith.constant 6 : i32
    %get3A_663 = arith.index_cast %get3A_662 : i32 to index
    %get3A_664 = arith.constant 16 : index
    %get3A_665 = tpu.vector_load %arg5[%get3A_663, %get3A_664] {strides = array<i32>} : memref<8x512xf32, #tpu.memory_space<vmem>>, vector<1x16xf32>,
    %get3A_666 = vector.shape_cast %get3A_665 : vector<1x16xf32> to vector<16xf32>
    %add3A_667 = arith.constant 0x4B000000 : f32
    %add3A_668 = vector.broadcast %add3A_667 : f32 to vector<16xf32>
    %add3A_669 = arith.addf %get3A_666, %add3A_668 : vector<16xf32>
    %bitcast_convert_type3A_670 = tpu.bitcast %add3A_669 : vector<16xf32> -> vector<16xi32>
    %add3A_671 = arith.constant -1258290912 : i32
    %add3A_672 = vector.broadcast %add3A_671 : i32 to vector<16xi32>
    %add3A_673 = arith.addi %bitcast_convert_type3A_670, %add3A_672 : vector<16xi32>
    %swap3A_674 = arith.constant 1 : i32
    %swap3A_675 = arith.constant 0 : i32
    %swap3A_676 = arith.index_cast %swap3A_674 : i32 to index
    %swap3A_677 = arith.index_cast %swap3A_675 : i32 to index
    %swap3A_678 = arith.constant 16 : index
    %swap3A_679 = tpu.vector_load %arg6[%swap3A_676, %swap3A_677, %swap3A_678] {strides = array<i32>} : memref<3x4x128xi32, #tpu.memory_space<vmem>>, vector<1x1x16xi32>,
    %swap3A_680 = vector.shape_cast %swap3A_679 : vector<1x1x16xi32> to vector<16xi32>
    %swap3A_681 = vector.shape_cast %add3A_673 : vector<16xi32> to vector<1x1x16xi32>
    tpu.vector_store %arg6[%swap3A_676, %swap3A_677, %swap3A_678], %swap3A_681 {strides = array<i32>} : memref<3x4x128xi32, #tpu.memory_space<vmem>>, vector<1x1x16xi32>,
    %get3A_682 = arith.constant 6 : i32
    %get3A_683 = arith.index_cast %get3A_682 : i32 to index
    %get3A_684 = arith.constant 32 : index
    %get3A_685 = tpu.vector_load %arg5[%get3A_683, %get3A_684] {strides = array<i32>} : memref<8x512xf32, #tpu.memory_space<vmem>>, vector<1x16xf32>,
    %get3A_686 = vector.shape_cast %get3A_685 : vector<1x16xf32> to vector<16xf32>
    %add3A_687 = arith.constant 0x4B000000 : f32
    %add3A_688 = vector.broadcast %add3A_687 : f32 to vector<16xf32>
    %add3A_689 = arith.addf %get3A_686, %add3A_688 : vector<16xf32>
    %bitcast_convert_type3A_690 = tpu.bitcast %add3A_689 : vector<16xf32> -> vector<16xi32>
    %add3A_691 = arith.constant -1258290912 : i32
    %add3A_692 = vector.broadcast %add3A_691 : i32 to vector<16xi32>
    %add3A_693 = arith.addi %bitcast_convert_type3A_690, %add3A_692 : vector<16xi32>
    %swap3A_694 = arith.constant 1 : i32
    %swap3A_695 = arith.constant 0 : i32
    %swap3A_696 = arith.index_cast %swap3A_694 : i32 to index
    %swap3A_697 = arith.index_cast %swap3A_695 : i32 to index
    %swap3A_698 = arith.constant 32 : index
    %swap3A_699 = tpu.vector_load %arg6[%swap3A_696, %swap3A_697, %swap3A_698] {strides = array<i32>} : memref<3x4x128xi32, #tpu.memory_space<vmem>>, vector<1x1x16xi32>,
    %swap3A_700 = vector.shape_cast %swap3A_699 : vector<1x1x16xi32> to vector<16xi32>
    %swap3A_701 = vector.shape_cast %add3A_693 : vector<16xi32> to vector<1x1x16xi32>
    tpu.vector_store %arg6[%swap3A_696, %swap3A_697, %swap3A_698], %swap3A_701 {strides = array<i32>} : memref<3x4x128xi32, #tpu.memory_space<vmem>>, vector<1x1x16xi32>,
    %get3A_702 = arith.constant 6 : i32
    %get3A_703 = arith.index_cast %get3A_702 : i32 to index
    %get3A_704 = arith.constant 48 : index
    %get3A_705 = tpu.vector_load %arg5[%get3A_703, %get3A_704] {strides = array<i32>} : memref<8x512xf32, #tpu.memory_space<vmem>>, vector<1x16xf32>,
    %get3A_706 = vector.shape_cast %get3A_705 : vector<1x16xf32> to vector<16xf32>
    %add3A_707 = arith.constant 0x4B000000 : f32
    %add3A_708 = vector.broadcast %add3A_707 : f32 to vector<16xf32>
    %add3A_709 = arith.addf %get3A_706, %add3A_708 : vector<16xf32>
    %bitcast_convert_type3A_710 = tpu.bitcast %add3A_709 : vector<16xf32> -> vector<16xi32>
    %add3A_711 = arith.constant -1258290912 : i32
    %add3A_712 = vector.broadcast %add3A_711 : i32 to vector<16xi32>
    %add3A_713 = arith.addi %bitcast_convert_type3A_710, %add3A_712 : vector<16xi32>
    %swap3A_714 = arith.constant 1 : i32
    %swap3A_715 = arith.constant 0 : i32
    %swap3A_716 = arith.index_cast %swap3A_714 : i32 to index
    %swap3A_717 = arith.index_cast %swap3A_715 : i32 to index
    %swap3A_718 = arith.constant 48 : index
    %swap3A_719 = tpu.vector_load %arg6[%swap3A_716, %swap3A_717, %swap3A_718] {strides = array<i32>} : memref<3x4x128xi32, #tpu.memory_space<vmem>>, vector<1x1x16xi32>,
    %swap3A_720 = vector.shape_cast %swap3A_719 : vector<1x1x16xi32> to vector<16xi32>
    %swap3A_721 = vector.shape_cast %add3A_713 : vector<16xi32> to vector<1x1x16xi32>
    tpu.vector_store %arg6[%swap3A_716, %swap3A_717, %swap3A_718], %swap3A_721 {strides = array<i32>} : memref<3x4x128xi32, #tpu.memory_space<vmem>>, vector<1x1x16xi32>,
    %get3A_722 = arith.constant 6 : i32
    %get3A_723 = arith.index_cast %get3A_722 : i32 to index
    %get3A_724 = arith.constant 64 : index
    %get3A_725 = tpu.vector_load %arg5[%get3A_723, %get3A_724] {strides = array<i32>} : memref<8x512xf32, #tpu.memory_space<vmem>>, vector<1x16xf32>,
    %get3A_726 = vector.shape_cast %get3A_725 : vector<1x16xf32> to vector<16xf32>
    %add3A_727 = arith.constant 0x4B000000 : f32
    %add3A_728 = vector.broadcast %add3A_727 : f32 to vector<16xf32>
    %add3A_729 = arith.addf %get3A_726, %add3A_728 : vector<16xf32>
    %bitcast_convert_type3A_730 = tpu.bitcast %add3A_729 : vector<16xf32> -> vector<16xi32>
    %add3A_731 = arith.constant -1258290912 : i32
    %add3A_732 = vector.broadcast %add3A_731 : i32 to vector<16xi32>
    %add3A_733 = arith.addi %bitcast_convert_type3A_730, %add3A_732 : vector<16xi32>
    %swap3A_734 = arith.constant 1 : i32
    %swap3A_735 = arith.constant 0 : i32
    %swap3A_736 = arith.index_cast %swap3A_734 : i32 to index
    %swap3A_737 = arith.index_cast %swap3A_735 : i32 to index
    %swap3A_738 = arith.constant 64 : index
    %swap3A_739 = tpu.vector_load %arg6[%swap3A_736, %swap3A_737, %swap3A_738] {strides = array<i32>} : memref<3x4x128xi32, #tpu.memory_space<vmem>>, vector<1x1x16xi32>,
    %swap3A_740 = vector.shape_cast %swap3A_739 : vector<1x1x16xi32> to vector<16xi32>
    %swap3A_741 = vector.shape_cast %add3A_733 : vector<16xi32> to vector<1x1x16xi32>
    tpu.vector_store %arg6[%swap3A_736, %swap3A_737, %swap3A_738], %swap3A_741 {strides = array<i32>} : memref<3x4x128xi32, #tpu.memory_space<vmem>>, vector<1x1x16xi32>,
    %get3A_742 = arith.constant 6 : i32
    %get3A_743 = arith.index_cast %get3A_742 : i32 to index
    %get3A_744 = arith.constant 80 : index
    %get3A_745 = tpu.vector_load %arg5[%get3A_743, %get3A_744] {strides = array<i32>} : memref<8x512xf32, #tpu.memory_space<vmem>>, vector<1x16xf32>,
    %get3A_746 = vector.shape_cast %get3A_745 : vector<1x16xf32> to vector<16xf32>
    %add3A_747 = arith.constant 0x4B000000 : f32
    %add3A_748 = vector.broadcast %add3A_747 : f32 to vector<16xf32>
    %add3A_749 = arith.addf %get3A_746, %add3A_748 : vector<16xf32>
    %bitcast_convert_type3A_750 = tpu.bitcast %add3A_749 : vector<16xf32> -> vector<16xi32>
    %add3A_751 = arith.constant -1258290912 : i32
    %add3A_752 = vector.broadcast %add3A_751 : i32 to vector<16xi32>
    %add3A_753 = arith.addi %bitcast_convert_type3A_750, %add3A_752 : vector<16xi32>
    %swap3A_754 = arith.constant 1 : i32
    %swap3A_755 = arith.constant 0 : i32
    %swap3A_756 = arith.index_cast %swap3A_754 : i32 to index
    %swap3A_757 = arith.index_cast %swap3A_755 : i32 to index
    %swap3A_758 = arith.constant 80 : index
    %swap3A_759 = tpu.vector_load %arg6[%swap3A_756, %swap3A_757, %swap3A_758] {strides = array<i32>} : memref<3x4x128xi32, #tpu.memory_space<vmem>>, vector<1x1x16xi32>,
    %swap3A_760 = vector.shape_cast %swap3A_759 : vector<1x1x16xi32> to vector<16xi32>
    %swap3A_761 = vector.shape_cast %add3A_753 : vector<16xi32> to vector<1x1x16xi32>
    tpu.vector_store %arg6[%swap3A_756, %swap3A_757, %swap3A_758], %swap3A_761 {strides = array<i32>} : memref<3x4x128xi32, #tpu.memory_space<vmem>>, vector<1x1x16xi32>,
    %get3A_762 = arith.constant 6 : i32
    %get3A_763 = arith.index_cast %get3A_762 : i32 to index
    %get3A_764 = arith.constant 96 : index
    %get3A_765 = tpu.vector_load %arg5[%get3A_763, %get3A_764] {strides = array<i32>} : memref<8x512xf32, #tpu.memory_space<vmem>>, vector<1x16xf32>,
    %get3A_766 = vector.shape_cast %get3A_765 : vector<1x16xf32> to vector<16xf32>
    %add3A_767 = arith.constant 0x4B000000 : f32
    %add3A_768 = vector.broadcast %add3A_767 : f32 to vector<16xf32>
    %add3A_769 = arith.addf %get3A_766, %add3A_768 : vector<16xf32>
    %bitcast_convert_type3A_770 = tpu.bitcast %add3A_769 : vector<16xf32> -> vector<16xi32>
    %add3A_771 = arith.constant -1258290912 : i32
    %add3A_772 = vector.broadcast %add3A_771 : i32 to vector<16xi32>
    %add3A_773 = arith.addi %bitcast_convert_type3A_770, %add3A_772 : vector<16xi32>
    %swap3A_774 = arith.constant 1 : i32
    %swap3A_775 = arith.constant 0 : i32
    %swap3A_776 = arith.index_cast %swap3A_774 : i32 to index
    %swap3A_777 = arith.index_cast %swap3A_775 : i32 to index
    %swap3A_778 = arith.constant 96 : index
    %swap3A_779 = tpu.vector_load %arg6[%swap3A_776, %swap3A_777, %swap3A_778] {strides = array<i32>} : memref<3x4x128xi32, #tpu.memory_space<vmem>>, vector<1x1x16xi32>,
    %swap3A_780 = vector.shape_cast %swap3A_779 : vector<1x1x16xi32> to vector<16xi32>
    %swap3A_781 = vector.shape_cast %add3A_773 : vector<16xi32> to vector<1x1x16xi32>
    tpu.vector_store %arg6[%swap3A_776, %swap3A_777, %swap3A_778], %swap3A_781 {strides = array<i32>} : memref<3x4x128xi32, #tpu.memory_space<vmem>>, vector<1x1x16xi32>,
    %get3A_782 = arith.constant 6 : i32
    %get3A_783 = arith.index_cast %get3A_782 : i32 to index
    %get3A_784 = arith.constant 112 : index
    %get3A_785 = tpu.vector_load %arg5[%get3A_783, %get3A_784] {strides = array<i32>} : memref<8x512xf32, #tpu.memory_space<vmem>>, vector<1x16xf32>,
    %get3A_786 = vector.shape_cast %get3A_785 : vector<1x16xf32> to vector<16xf32>
    %add3A_787 = arith.constant 0x4B000000 : f32
    %add3A_788 = vector.broadcast %add3A_787 : f32 to vector<16xf32>
    %add3A_789 = arith.addf %get3A_786, %add3A_788 : vector<16xf32>
    %bitcast_convert_type3A_790 = tpu.bitcast %add3A_789 : vector<16xf32> -> vector<16xi32>
    %add3A_791 = arith.constant -1258290912 : i32
    %add3A_792 = vector.broadcast %add3A_791 : i32 to vector<16xi32>
    %add3A_793 = arith.addi %bitcast_convert_type3A_790, %add3A_792 : vector<16xi32>
    %swap3A_794 = arith.constant 1 : i32
    %swap3A_795 = arith.constant 0 : i32
    %swap3A_796 = arith.index_cast %swap3A_794 : i32 to index
    %swap3A_797 = arith.index_cast %swap3A_795 : i32 to index
    %swap3A_798 = arith.constant 112 : index
    %swap3A_799 = tpu.vector_load %arg6[%swap3A_796, %swap3A_797, %swap3A_798] {strides = array<i32>} : memref<3x4x128xi32, #tpu.memory_space<vmem>>, vector<1x1x16xi32>,
    %swap3A_800 = vector.shape_cast %swap3A_799 : vector<1x1x16xi32> to vector<16xi32>
    %swap3A_801 = vector.shape_cast %add3A_793 : vector<16xi32> to vector<1x1x16xi32>
    tpu.vector_store %arg6[%swap3A_796, %swap3A_797, %swap3A_798], %swap3A_801 {strides = array<i32>} : memref<3x4x128xi32, #tpu.memory_space<vmem>>, vector<1x1x16xi32>,
    %get3A_802 = arith.constant 6 : i32
    %get3A_803 = arith.index_cast %get3A_802 : i32 to index
    %get3A_804 = arith.constant 128 : index
    %get3A_805 = tpu.vector_load %arg5[%get3A_803, %get3A_804] {strides = array<i32>} : memref<8x512xf32, #tpu.memory_space<vmem>>, vector<1x16xf32>,
    %get3A_806 = vector.shape_cast %get3A_805 : vector<1x16xf32> to vector<16xf32>
    %add3A_807 = arith.constant 0x4B000000 : f32
    %add3A_808 = vector.broadcast %add3A_807 : f32 to vector<16xf32>
    %add3A_809 = arith.addf %get3A_806, %add3A_808 : vector<16xf32>
    %bitcast_convert_type3A_810 = tpu.bitcast %add3A_809 : vector<16xf32> -> vector<16xi32>
    %add3A_811 = arith.constant -1258290912 : i32
    %add3A_812 = vector.broadcast %add3A_811 : i32 to vector<16xi32>
    %add3A_813 = arith.addi %bitcast_convert_type3A_810, %add3A_812 : vector<16xi32>
    %swap3A_814 = arith.constant 1 : i32
    %swap3A_815 = arith.constant 1 : i32
    %swap3A_816 = arith.index_cast %swap3A_814 : i32 to index
    %swap3A_817 = arith.index_cast %swap3A_815 : i32 to index
    %swap3A_818 = arith.constant 0 : index
    %swap3A_819 = tpu.vector_load %arg6[%swap3A_816, %swap3A_817, %swap3A_818] {strides = array<i32>} : memref<3x4x128xi32, #tpu.memory_space<vmem>>, vector<1x1x16xi32>,
    %swap3A_820 = vector.shape_cast %swap3A_819 : vector<1x1x16xi32> to vector<16xi32>
    %swap3A_821 = vector.shape_cast %add3A_813 : vector<16xi32> to vector<1x1x16xi32>
    tpu.vector_store %arg6[%swap3A_816, %swap3A_817, %swap3A_818], %swap3A_821 {strides = array<i32>} : memref<3x4x128xi32, #tpu.memory_space<vmem>>, vector<1x1x16xi32>,
    %get3A_822 = arith.constant 6 : i32
    %get3A_823 = arith.index_cast %get3A_822 : i32 to index
    %get3A_824 = arith.constant 144 : index
    %get3A_825 = tpu.vector_load %arg5[%get3A_823, %get3A_824] {strides = array<i32>} : memref<8x512xf32, #tpu.memory_space<vmem>>, vector<1x16xf32>,
    %get3A_826 = vector.shape_cast %get3A_825 : vector<1x16xf32> to vector<16xf32>
    %add3A_827 = arith.constant 0x4B000000 : f32
    %add3A_828 = vector.broadcast %add3A_827 : f32 to vector<16xf32>
    %add3A_829 = arith.addf %get3A_826, %add3A_828 : vector<16xf32>
    %bitcast_convert_type3A_830 = tpu.bitcast %add3A_829 : vector<16xf32> -> vector<16xi32>
    %add3A_831 = arith.constant -1258290912 : i32
    %add3A_832 = vector.broadcast %add3A_831 : i32 to vector<16xi32>
    %add3A_833 = arith.addi %bitcast_convert_type3A_830, %add3A_832 : vector<16xi32>
    %swap3A_834 = arith.constant 1 : i32
    %swap3A_835 = arith.constant 1 : i32
    %swap3A_836 = arith.index_cast %swap3A_834 : i32 to index
    %swap3A_837 = arith.index_cast %swap3A_835 : i32 to index
    %swap3A_838 = arith.constant 16 : index
    %swap3A_839 = tpu.vector_load %arg6[%swap3A_836, %swap3A_837, %swap3A_838] {strides = array<i32>} : memref<3x4x128xi32, #tpu.memory_space<vmem>>, vector<1x1x16xi32>,
    %swap3A_840 = vector.shape_cast %swap3A_839 : vector<1x1x16xi32> to vector<16xi32>
    %swap3A_841 = vector.shape_cast %add3A_833 : vector<16xi32> to vector<1x1x16xi32>
    tpu.vector_store %arg6[%swap3A_836, %swap3A_837, %swap3A_838], %swap3A_841 {strides = array<i32>} : memref<3x4x128xi32, #tpu.memory_space<vmem>>, vector<1x1x16xi32>,
    %get3A_842 = arith.constant 6 : i32
    %get3A_843 = arith.index_cast %get3A_842 : i32 to index
    %get3A_844 = arith.constant 160 : index
    %get3A_845 = tpu.vector_load %arg5[%get3A_843, %get3A_844] {strides = array<i32>} : memref<8x512xf32, #tpu.memory_space<vmem>>, vector<1x16xf32>,
    %get3A_846 = vector.shape_cast %get3A_845 : vector<1x16xf32> to vector<16xf32>
    %add3A_847 = arith.constant 0x4B000000 : f32
    %add3A_848 = vector.broadcast %add3A_847 : f32 to vector<16xf32>
    %add3A_849 = arith.addf %get3A_846, %add3A_848 : vector<16xf32>
    %bitcast_convert_type3A_850 = tpu.bitcast %add3A_849 : vector<16xf32> -> vector<16xi32>
    %add3A_851 = arith.constant -1258290912 : i32
    %add3A_852 = vector.broadcast %add3A_851 : i32 to vector<16xi32>
    %add3A_853 = arith.addi %bitcast_convert_type3A_850, %add3A_852 : vector<16xi32>
    %swap3A_854 = arith.constant 1 : i32
    %swap3A_855 = arith.constant 1 : i32
    %swap3A_856 = arith.index_cast %swap3A_854 : i32 to index
    %swap3A_857 = arith.index_cast %swap3A_855 : i32 to index
    %swap3A_858 = arith.constant 32 : index
    %swap3A_859 = tpu.vector_load %arg6[%swap3A_856, %swap3A_857, %swap3A_858] {strides = array<i32>} : memref<3x4x128xi32, #tpu.memory_space<vmem>>, vector<1x1x16xi32>,
    %swap3A_860 = vector.shape_cast %swap3A_859 : vector<1x1x16xi32> to vector<16xi32>
    %swap3A_861 = vector.shape_cast %add3A_853 : vector<16xi32> to vector<1x1x16xi32>
    tpu.vector_store %arg6[%swap3A_856, %swap3A_857, %swap3A_858], %swap3A_861 {strides = array<i32>} : memref<3x4x128xi32, #tpu.memory_space<vmem>>, vector<1x1x16xi32>,
    %get3A_862 = arith.constant 6 : i32
    %get3A_863 = arith.index_cast %get3A_862 : i32 to index
    %get3A_864 = arith.constant 176 : index
    %get3A_865 = tpu.vector_load %arg5[%get3A_863, %get3A_864] {strides = array<i32>} : memref<8x512xf32, #tpu.memory_space<vmem>>, vector<1x16xf32>,
    %get3A_866 = vector.shape_cast %get3A_865 : vector<1x16xf32> to vector<16xf32>
    %add3A_867 = arith.constant 0x4B000000 : f32
    %add3A_868 = vector.broadcast %add3A_867 : f32 to vector<16xf32>
    %add3A_869 = arith.addf %get3A_866, %add3A_868 : vector<16xf32>
    %bitcast_convert_type3A_870 = tpu.bitcast %add3A_869 : vector<16xf32> -> vector<16xi32>
    %add3A_871 = arith.constant -1258290912 : i32
    %add3A_872 = vector.broadcast %add3A_871 : i32 to vector<16xi32>
    %add3A_873 = arith.addi %bitcast_convert_type3A_870, %add3A_872 : vector<16xi32>
    %swap3A_874 = arith.constant 1 : i32
    %swap3A_875 = arith.constant 1 : i32
    %swap3A_876 = arith.index_cast %swap3A_874 : i32 to index
    %swap3A_877 = arith.index_cast %swap3A_875 : i32 to index
    %swap3A_878 = arith.constant 48 : index
    %swap3A_879 = tpu.vector_load %arg6[%swap3A_876, %swap3A_877, %swap3A_878] {strides = array<i32>} : memref<3x4x128xi32, #tpu.memory_space<vmem>>, vector<1x1x16xi32>,
    %swap3A_880 = vector.shape_cast %swap3A_879 : vector<1x1x16xi32> to vector<16xi32>
    %swap3A_881 = vector.shape_cast %add3A_873 : vector<16xi32> to vector<1x1x16xi32>
    tpu.vector_store %arg6[%swap3A_876, %swap3A_877, %swap3A_878], %swap3A_881 {strides = array<i32>} : memref<3x4x128xi32, #tpu.memory_space<vmem>>, vector<1x1x16xi32>,
    %get3A_882 = arith.constant 6 : i32
    %get3A_883 = arith.index_cast %get3A_882 : i32 to index
    %get3A_884 = arith.constant 192 : index
    %get3A_885 = tpu.vector_load %arg5[%get3A_883, %get3A_884] {strides = array<i32>} : memref<8x512xf32, #tpu.memory_space<vmem>>, vector<1x16xf32>,
    %get3A_886 = vector.shape_cast %get3A_885 : vector<1x16xf32> to vector<16xf32>
    %add3A_887 = arith.constant 0x4B000000 : f32
    %add3A_888 = vector.broadcast %add3A_887 : f32 to vector<16xf32>
    %add3A_889 = arith.addf %get3A_886, %add3A_888 : vector<16xf32>
    %bitcast_convert_type3A_890 = tpu.bitcast %add3A_889 : vector<16xf32> -> vector<16xi32>
    %add3A_891 = arith.constant -1258290912 : i32
    %add3A_892 = vector.broadcast %add3A_891 : i32 to vector<16xi32>
    %add3A_893 = arith.addi %bitcast_convert_type3A_890, %add3A_892 : vector<16xi32>
    %swap3A_894 = arith.constant 1 : i32
    %swap3A_895 = arith.constant 1 : i32
    %swap3A_896 = arith.index_cast %swap3A_894 : i32 to index
    %swap3A_897 = arith.index_cast %swap3A_895 : i32 to index
    %swap3A_898 = arith.constant 64 : index
    %swap3A_899 = tpu.vector_load %arg6[%swap3A_896, %swap3A_897, %swap3A_898] {strides = array<i32>} : memref<3x4x128xi32, #tpu.memory_space<vmem>>, vector<1x1x16xi32>,
    %swap3A_900 = vector.shape_cast %swap3A_899 : vector<1x1x16xi32> to vector<16xi32>
    %swap3A_901 = vector.shape_cast %add3A_893 : vector<16xi32> to vector<1x1x16xi32>
    tpu.vector_store %arg6[%swap3A_896, %swap3A_897, %swap3A_898], %swap3A_901 {strides = array<i32>} : memref<3x4x128xi32, #tpu.memory_space<vmem>>, vector<1x1x16xi32>,
    %get3A_902 = arith.constant 6 : i32
    %get3A_903 = arith.index_cast %get3A_902 : i32 to index
    %get3A_904 = arith.constant 208 : index
    %get3A_905 = tpu.vector_load %arg5[%get3A_903, %get3A_904] {strides = array<i32>} : memref<8x512xf32, #tpu.memory_space<vmem>>, vector<1x16xf32>,
    %get3A_906 = vector.shape_cast %get3A_905 : vector<1x16xf32> to vector<16xf32>
    %add3A_907 = arith.constant 0x4B000000 : f32
    %add3A_908 = vector.broadcast %add3A_907 : f32 to vector<16xf32>
    %add3A_909 = arith.addf %get3A_906, %add3A_908 : vector<16xf32>
    %bitcast_convert_type3A_910 = tpu.bitcast %add3A_909 : vector<16xf32> -> vector<16xi32>
    %add3A_911 = arith.constant -1258290912 : i32
    %add3A_912 = vector.broadcast %add3A_911 : i32 to vector<16xi32>
    %add3A_913 = arith.addi %bitcast_convert_type3A_910, %add3A_912 : vector<16xi32>
    %swap3A_914 = arith.constant 1 : i32
    %swap3A_915 = arith.constant 1 : i32
    %swap3A_916 = arith.index_cast %swap3A_914 : i32 to index
    %swap3A_917 = arith.index_cast %swap3A_915 : i32 to index
    %swap3A_918 = arith.constant 80 : index
    %swap3A_919 = tpu.vector_load %arg6[%swap3A_916, %swap3A_917, %swap3A_918] {strides = array<i32>} : memref<3x4x128xi32, #tpu.memory_space<vmem>>, vector<1x1x16xi32>,
    %swap3A_920 = vector.shape_cast %swap3A_919 : vector<1x1x16xi32> to vector<16xi32>
    %swap3A_921 = vector.shape_cast %add3A_913 : vector<16xi32> to vector<1x1x16xi32>
    tpu.vector_store %arg6[%swap3A_916, %swap3A_917, %swap3A_918], %swap3A_921 {strides = array<i32>} : memref<3x4x128xi32, #tpu.memory_space<vmem>>, vector<1x1x16xi32>,
    %get3A_922 = arith.constant 6 : i32
    %get3A_923 = arith.index_cast %get3A_922 : i32 to index
    %get3A_924 = arith.constant 224 : index
    %get3A_925 = tpu.vector_load %arg5[%get3A_923, %get3A_924] {strides = array<i32>} : memref<8x512xf32, #tpu.memory_space<vmem>>, vector<1x16xf32>,
    %get3A_926 = vector.shape_cast %get3A_925 : vector<1x16xf32> to vector<16xf32>
    %add3A_927 = arith.constant 0x4B000000 : f32
    %add3A_928 = vector.broadcast %add3A_927 : f32 to vector<16xf32>
    %add3A_929 = arith.addf %get3A_926, %add3A_928 : vector<16xf32>
    %bitcast_convert_type3A_930 = tpu.bitcast %add3A_929 : vector<16xf32> -> vector<16xi32>
    %add3A_931 = arith.constant -1258290912 : i32
    %add3A_932 = vector.broadcast %add3A_931 : i32 to vector<16xi32>
    %add3A_933 = arith.addi %bitcast_convert_type3A_930, %add3A_932 : vector<16xi32>
    %swap3A_934 = arith.constant 1 : i32
    %swap3A_935 = arith.constant 1 : i32
    %swap3A_936 = arith.index_cast %swap3A_934 : i32 to index
    %swap3A_937 = arith.index_cast %swap3A_935 : i32 to index
    %swap3A_938 = arith.constant 96 : index
    %swap3A_939 = tpu.vector_load %arg6[%swap3A_936, %swap3A_937, %swap3A_938] {strides = array<i32>} : memref<3x4x128xi32, #tpu.memory_space<vmem>>, vector<1x1x16xi32>,
    %swap3A_940 = vector.shape_cast %swap3A_939 : vector<1x1x16xi32> to vector<16xi32>
    %swap3A_941 = vector.shape_cast %add3A_933 : vector<16xi32> to vector<1x1x16xi32>
    tpu.vector_store %arg6[%swap3A_936, %swap3A_937, %swap3A_938], %swap3A_941 {strides = array<i32>} : memref<3x4x128xi32, #tpu.memory_space<vmem>>, vector<1x1x16xi32>,
    %get3A_942 = arith.constant 6 : i32
    %get3A_943 = arith.index_cast %get3A_942 : i32 to index
    %get3A_944 = arith.constant 240 : index
    %get3A_945 = tpu.vector_load %arg5[%get3A_943, %get3A_944] {strides = array<i32>} : memref<8x512xf32, #tpu.memory_space<vmem>>, vector<1x16xf32>,
    %get3A_946 = vector.shape_cast %get3A_945 : vector<1x16xf32> to vector<16xf32>
    %add3A_947 = arith.constant 0x4B000000 : f32
    %add3A_948 = vector.broadcast %add3A_947 : f32 to vector<16xf32>
    %add3A_949 = arith.addf %get3A_946, %add3A_948 : vector<16xf32>
    %bitcast_convert_type3A_950 = tpu.bitcast %add3A_949 : vector<16xf32> -> vector<16xi32>
    %add3A_951 = arith.constant -1258290912 : i32
    %add3A_952 = vector.broadcast %add3A_951 : i32 to vector<16xi32>
    %add3A_953 = arith.addi %bitcast_convert_type3A_950, %add3A_952 : vector<16xi32>
    %swap3A_954 = arith.constant 1 : i32
    %swap3A_955 = arith.constant 1 : i32
    %swap3A_956 = arith.index_cast %swap3A_954 : i32 to index
    %swap3A_957 = arith.index_cast %swap3A_955 : i32 to index
    %swap3A_958 = arith.constant 112 : index
    %swap3A_959 = tpu.vector_load %arg6[%swap3A_956, %swap3A_957, %swap3A_958] {strides = array<i32>} : memref<3x4x128xi32, #tpu.memory_space<vmem>>, vector<1x1x16xi32>,
    %swap3A_960 = vector.shape_cast %swap3A_959 : vector<1x1x16xi32> to vector<16xi32>
    %swap3A_961 = vector.shape_cast %add3A_953 : vector<16xi32> to vector<1x1x16xi32>
    tpu.vector_store %arg6[%swap3A_956, %swap3A_957, %swap3A_958], %swap3A_961 {strides = array<i32>} : memref<3x4x128xi32, #tpu.memory_space<vmem>>, vector<1x1x16xi32>,
    %get3A_962 = arith.constant 6 : i32
    %get3A_963 = arith.index_cast %get3A_962 : i32 to index
    %get3A_964 = arith.constant 256 : index
    %get3A_965 = tpu.vector_load %arg5[%get3A_963, %get3A_964] {strides = array<i32>} : memref<8x512xf32, #tpu.memory_space<vmem>>, vector<1x16xf32>,
    %get3A_966 = vector.shape_cast %get3A_965 : vector<1x16xf32> to vector<16xf32>
    %add3A_967 = arith.constant 0x4B000000 : f32
    %add3A_968 = vector.broadcast %add3A_967 : f32 to vector<16xf32>
    %add3A_969 = arith.addf %get3A_966, %add3A_968 : vector<16xf32>
    %bitcast_convert_type3A_970 = tpu.bitcast %add3A_969 : vector<16xf32> -> vector<16xi32>
    %add3A_971 = arith.constant -1258290912 : i32
    %add3A_972 = vector.broadcast %add3A_971 : i32 to vector<16xi32>
    %add3A_973 = arith.addi %bitcast_convert_type3A_970, %add3A_972 : vector<16xi32>
    %swap3A_974 = arith.constant 1 : i32
    %swap3A_975 = arith.constant 2 : i32
    %swap3A_976 = arith.index_cast %swap3A_974 : i32 to index
    %swap3A_977 = arith.index_cast %swap3A_975 : i32 to index
    %swap3A_978 = arith.constant 0 : index
    %swap3A_979 = tpu.vector_load %arg6[%swap3A_976, %swap3A_977, %swap3A_978] {strides = array<i32>} : memref<3x4x128xi32, #tpu.memory_space<vmem>>, vector<1x1x16xi32>,
    %swap3A_980 = vector.shape_cast %swap3A_979 : vector<1x1x16xi32> to vector<16xi32>
    %swap3A_981 = vector.shape_cast %add3A_973 : vector<16xi32> to vector<1x1x16xi32>
    tpu.vector_store %arg6[%swap3A_976, %swap3A_977, %swap3A_978], %swap3A_981 {strides = array<i32>} : memref<3x4x128xi32, #tpu.memory_space<vmem>>, vector<1x1x16xi32>,
    %get3A_982 = arith.constant 6 : i32
    %get3A_983 = arith.index_cast %get3A_982 : i32 to index
    %get3A_984 = arith.constant 272 : index
    %get3A_985 = tpu.vector_load %arg5[%get3A_983, %get3A_984] {strides = array<i32>} : memref<8x512xf32, #tpu.memory_space<vmem>>, vector<1x16xf32>,
    %get3A_986 = vector.shape_cast %get3A_985 : vector<1x16xf32> to vector<16xf32>
    %add3A_987 = arith.constant 0x4B000000 : f32
    %add3A_988 = vector.broadcast %add3A_987 : f32 to vector<16xf32>
    %add3A_989 = arith.addf %get3A_986, %add3A_988 : vector<16xf32>
    %bitcast_convert_type3A_990 = tpu.bitcast %add3A_989 : vector<16xf32> -> vector<16xi32>
    %add3A_991 = arith.constant -1258290912 : i32
    %add3A_992 = vector.broadcast %add3A_991 : i32 to vector<16xi32>
    %add3A_993 = arith.addi %bitcast_convert_type3A_990, %add3A_992 : vector<16xi32>
    %swap3A_994 = arith.constant 1 : i32
    %swap3A_995 = arith.constant 2 : i32
    %swap3A_996 = arith.index_cast %swap3A_994 : i32 to index
    %swap3A_997 = arith.index_cast %swap3A_995 : i32 to index
    %swap3A_998 = arith.constant 16 : index
    %swap3A_999 = tpu.vector_load %arg6[%swap3A_996, %swap3A_997, %swap3A_998] {strides = array<i32>} : memref<3x4x128xi32, #tpu.memory_space<vmem>>, vector<1x1x16xi32>,
    %swap3A_1000 = vector.shape_cast %swap3A_999 : vector<1x1x16xi32> to vector<16xi32>
    %swap3A_1001 = vector.shape_cast %add3A_993 : vector<16xi32> to vector<1x1x16xi32>
    tpu.vector_store %arg6[%swap3A_996, %swap3A_997, %swap3A_998], %swap3A_1001 {strides = array<i32>} : memref<3x4x128xi32, #tpu.memory_space<vmem>>, vector<1x1x16xi32>,
    %get3A_1002 = arith.constant 6 : i32
    %get3A_1003 = arith.index_cast %get3A_1002 : i32 to index
    %get3A_1004 = arith.constant 288 : index
    %get3A_1005 = tpu.vector_load %arg5[%get3A_1003, %get3A_1004] {strides = array<i32>} : memref<8x512xf32, #tpu.memory_space<vmem>>, vector<1x16xf32>,
    %get3A_1006 = vector.shape_cast %get3A_1005 : vector<1x16xf32> to vector<16xf32>
    %add3A_1007 = arith.constant 0x4B000000 : f32
    %add3A_1008 = vector.broadcast %add3A_1007 : f32 to vector<16xf32>
    %add3A_1009 = arith.addf %get3A_1006, %add3A_1008 : vector<16xf32>
    %bitcast_convert_type3A_1010 = tpu.bitcast %add3A_1009 : vector<16xf32> -> vector<16xi32>
    %add3A_1011 = arith.constant -1258290912 : i32
    %add3A_1012 = vector.broadcast %add3A_1011 : i32 to vector<16xi32>
    %add3A_1013 = arith.addi %bitcast_convert_type3A_1010, %add3A_1012 : vector<16xi32>
    %swap3A_1014 = arith.constant 1 : i32
    %swap3A_1015 = arith.constant 2 : i32
    %swap3A_1016 = arith.index_cast %swap3A_1014 : i32 to index
    %swap3A_1017 = arith.index_cast %swap3A_1015 : i32 to index
    %swap3A_1018 = arith.constant 32 : index
    %swap3A_1019 = tpu.vector_load %arg6[%swap3A_1016, %swap3A_1017, %swap3A_1018] {strides = array<i32>} : memref<3x4x128xi32, #tpu.memory_space<vmem>>, vector<1x1x16xi32>,
    %swap3A_1020 = vector.shape_cast %swap3A_1019 : vector<1x1x16xi32> to vector<16xi32>
    %swap3A_1021 = vector.shape_cast %add3A_1013 : vector<16xi32> to vector<1x1x16xi32>
    tpu.vector_store %arg6[%swap3A_1016, %swap3A_1017, %swap3A_1018], %swap3A_1021 {strides = array<i32>} : memref<3x4x128xi32, #tpu.memory_space<vmem>>, vector<1x1x16xi32>,
    %get3A_1022 = arith.constant 6 : i32
    %get3A_1023 = arith.index_cast %get3A_1022 : i32 to index
    %get3A_1024 = arith.constant 304 : index
    %get3A_1025 = tpu.vector_load %arg5[%get3A_1023, %get3A_1024] {strides = array<i32>} : memref<8x512xf32, #tpu.memory_space<vmem>>, vector<1x16xf32>,
    %get3A_1026 = vector.shape_cast %get3A_1025 : vector<1x16xf32> to vector<16xf32>
    %add3A_1027 = arith.constant 0x4B000000 : f32
    %add3A_1028 = vector.broadcast %add3A_1027 : f32 to vector<16xf32>
    %add3A_1029 = arith.addf %get3A_1026, %add3A_1028 : vector<16xf32>
    %bitcast_convert_type3A_1030 = tpu.bitcast %add3A_1029 : vector<16xf32> -> vector<16xi32>
    %add3A_1031 = arith.constant -1258290912 : i32
    %add3A_1032 = vector.broadcast %add3A_1031 : i32 to vector<16xi32>
    %add3A_1033 = arith.addi %bitcast_convert_type3A_1030, %add3A_1032 : vector<16xi32>
    %swap3A_1034 = arith.constant 1 : i32
    %swap3A_1035 = arith.constant 2 : i32
    %swap3A_1036 = arith.index_cast %swap3A_1034 : i32 to index
    %swap3A_1037 = arith.index_cast %swap3A_1035 : i32 to index
    %swap3A_1038 = arith.constant 48 : index
    %swap3A_1039 = tpu.vector_load %arg6[%swap3A_1036, %swap3A_1037, %swap3A_1038] {strides = array<i32>} : memref<3x4x128xi32, #tpu.memory_space<vmem>>, vector<1x1x16xi32>,
    %swap3A_1040 = vector.shape_cast %swap3A_1039 : vector<1x1x16xi32> to vector<16xi32>
    %swap3A_1041 = vector.shape_cast %add3A_1033 : vector<16xi32> to vector<1x1x16xi32>
    tpu.vector_store %arg6[%swap3A_1036, %swap3A_1037, %swap3A_1038], %swap3A_1041 {strides = array<i32>} : memref<3x4x128xi32, #tpu.memory_space<vmem>>, vector<1x1x16xi32>,
    %get3A_1042 = arith.constant 6 : i32
    %get3A_1043 = arith.index_cast %get3A_1042 : i32 to index
    %get3A_1044 = arith.constant 320 : index
    %get3A_1045 = tpu.vector_load %arg5[%get3A_1043, %get3A_1044] {strides = array<i32>} : memref<8x512xf32, #tpu.memory_space<vmem>>, vector<1x16xf32>,
    %get3A_1046 = vector.shape_cast %get3A_1045 : vector<1x16xf32> to vector<16xf32>
    %add3A_1047 = arith.constant 0x4B000000 : f32
    %add3A_1048 = vector.broadcast %add3A_1047 : f32 to vector<16xf32>
    %add3A_1049 = arith.addf %get3A_1046, %add3A_1048 : vector<16xf32>
    %bitcast_convert_type3A_1050 = tpu.bitcast %add3A_1049 : vector<16xf32> -> vector<16xi32>
    %add3A_1051 = arith.constant -1258290912 : i32
    %add3A_1052 = vector.broadcast %add3A_1051 : i32 to vector<16xi32>
    %add3A_1053 = arith.addi %bitcast_convert_type3A_1050, %add3A_1052 : vector<16xi32>
    %swap3A_1054 = arith.constant 1 : i32
    %swap3A_1055 = arith.constant 2 : i32
    %swap3A_1056 = arith.index_cast %swap3A_1054 : i32 to index
    %swap3A_1057 = arith.index_cast %swap3A_1055 : i32 to index
    %swap3A_1058 = arith.constant 64 : index
    %swap3A_1059 = tpu.vector_load %arg6[%swap3A_1056, %swap3A_1057, %swap3A_1058] {strides = array<i32>} : memref<3x4x128xi32, #tpu.memory_space<vmem>>, vector<1x1x16xi32>,
    %swap3A_1060 = vector.shape_cast %swap3A_1059 : vector<1x1x16xi32> to vector<16xi32>
    %swap3A_1061 = vector.shape_cast %add3A_1053 : vector<16xi32> to vector<1x1x16xi32>
    tpu.vector_store %arg6[%swap3A_1056, %swap3A_1057, %swap3A_1058], %swap3A_1061 {strides = array<i32>} : memref<3x4x128xi32, #tpu.memory_space<vmem>>, vector<1x1x16xi32>,
    %get3A_1062 = arith.constant 6 : i32
    %get3A_1063 = arith.index_cast %get3A_1062 : i32 to index
    %get3A_1064 = arith.constant 336 : index
    %get3A_1065 = tpu.vector_load %arg5[%get3A_1063, %get3A_1064] {strides = array<i32>} : memref<8x512xf32, #tpu.memory_space<vmem>>, vector<1x16xf32>,
    %get3A_1066 = vector.shape_cast %get3A_1065 : vector<1x16xf32> to vector<16xf32>
    %add3A_1067 = arith.constant 0x4B000000 : f32
    %add3A_1068 = vector.broadcast %add3A_1067 : f32 to vector<16xf32>
    %add3A_1069 = arith.addf %get3A_1066, %add3A_1068 : vector<16xf32>
    %bitcast_convert_type3A_1070 = tpu.bitcast %add3A_1069 : vector<16xf32> -> vector<16xi32>
    %add3A_1071 = arith.constant -1258290912 : i32
    %add3A_1072 = vector.broadcast %add3A_1071 : i32 to vector<16xi32>
    %add3A_1073 = arith.addi %bitcast_convert_type3A_1070, %add3A_1072 : vector<16xi32>
    %swap3A_1074 = arith.constant 1 : i32
    %swap3A_1075 = arith.constant 2 : i32
    %swap3A_1076 = arith.index_cast %swap3A_1074 : i32 to index
    %swap3A_1077 = arith.index_cast %swap3A_1075 : i32 to index
    %swap3A_1078 = arith.constant 80 : index
    %swap3A_1079 = tpu.vector_load %arg6[%swap3A_1076, %swap3A_1077, %swap3A_1078] {strides = array<i32>} : memref<3x4x128xi32, #tpu.memory_space<vmem>>, vector<1x1x16xi32>,
    %swap3A_1080 = vector.shape_cast %swap3A_1079 : vector<1x1x16xi32> to vector<16xi32>
    %swap3A_1081 = vector.shape_cast %add3A_1073 : vector<16xi32> to vector<1x1x16xi32>
    tpu.vector_store %arg6[%swap3A_1076, %swap3A_1077, %swap3A_1078], %swap3A_1081 {strides = array<i32>} : memref<3x4x128xi32, #tpu.memory_space<vmem>>, vector<1x1x16xi32>,
    %get3A_1082 = arith.constant 6 : i32
    %get3A_1083 = arith.index_cast %get3A_1082 : i32 to index
    %get3A_1084 = arith.constant 352 : index
    %get3A_1085 = tpu.vector_load %arg5[%get3A_1083, %get3A_1084] {strides = array<i32>} : memref<8x512xf32, #tpu.memory_space<vmem>>, vector<1x16xf32>,
    %get3A_1086 = vector.shape_cast %get3A_1085 : vector<1x16xf32> to vector<16xf32>
    %add3A_1087 = arith.constant 0x4B000000 : f32
    %add3A_1088 = vector.broadcast %add3A_1087 : f32 to vector<16xf32>
    %add3A_1089 = arith.addf %get3A_1086, %add3A_1088 : vector<16xf32>
    %bitcast_convert_type3A_1090 = tpu.bitcast %add3A_1089 : vector<16xf32> -> vector<16xi32>
    %add3A_1091 = arith.constant -1258290912 : i32
    %add3A_1092 = vector.broadcast %add3A_1091 : i32 to vector<16xi32>
    %add3A_1093 = arith.addi %bitcast_convert_type3A_1090, %add3A_1092 : vector<16xi32>
    %swap3A_1094 = arith.constant 1 : i32
    %swap3A_1095 = arith.constant 2 : i32
    %swap3A_1096 = arith.index_cast %swap3A_1094 : i32 to index
    %swap3A_1097 = arith.index_cast %swap3A_1095 : i32 to index
    %swap3A_1098 = arith.constant 96 : index
    %swap3A_1099 = tpu.vector_load %arg6[%swap3A_1096, %swap3A_1097, %swap3A_1098] {strides = array<i32>} : memref<3x4x128xi32, #tpu.memory_space<vmem>>, vector<1x1x16xi32>,
    %swap3A_1100 = vector.shape_cast %swap3A_1099 : vector<1x1x16xi32> to vector<16xi32>
    %swap3A_1101 = vector.shape_cast %add3A_1093 : vector<16xi32> to vector<1x1x16xi32>
    tpu.vector_store %arg6[%swap3A_1096, %swap3A_1097, %swap3A_1098], %swap3A_1101 {strides = array<i32>} : memref<3x4x128xi32, #tpu.memory_space<vmem>>, vector<1x1x16xi32>,
    %get3A_1102 = arith.constant 6 : i32
    %get3A_1103 = arith.index_cast %get3A_1102 : i32 to index
    %get3A_1104 = arith.constant 368 : index
    %get3A_1105 = tpu.vector_load %arg5[%get3A_1103, %get3A_1104] {strides = array<i32>} : memref<8x512xf32, #tpu.memory_space<vmem>>, vector<1x16xf32>,
    %get3A_1106 = vector.shape_cast %get3A_1105 : vector<1x16xf32> to vector<16xf32>
    %add3A_1107 = arith.constant 0x4B000000 : f32
    %add3A_1108 = vector.broadcast %add3A_1107 : f32 to vector<16xf32>
    %add3A_1109 = arith.addf %get3A_1106, %add3A_1108 : vector<16xf32>
    %bitcast_convert_type3A_1110 = tpu.bitcast %add3A_1109 : vector<16xf32> -> vector<16xi32>
    %add3A_1111 = arith.constant -1258290912 : i32
    %add3A_1112 = vector.broadcast %add3A_1111 : i32 to vector<16xi32>
    %add3A_1113 = arith.addi %bitcast_convert_type3A_1110, %add3A_1112 : vector<16xi32>
    %swap3A_1114 = arith.constant 1 : i32
    %swap3A_1115 = arith.constant 2 : i32
    %swap3A_1116 = arith.index_cast %swap3A_1114 : i32 to index
    %swap3A_1117 = arith.index_cast %swap3A_1115 : i32 to index
    %swap3A_1118 = arith.constant 112 : index
    %swap3A_1119 = tpu.vector_load %arg6[%swap3A_1116, %swap3A_1117, %swap3A_1118] {strides = array<i32>} : memref<3x4x128xi32, #tpu.memory_space<vmem>>, vector<1x1x16xi32>,
    %swap3A_1120 = vector.shape_cast %swap3A_1119 : vector<1x1x16xi32> to vector<16xi32>
    %swap3A_1121 = vector.shape_cast %add3A_1113 : vector<16xi32> to vector<1x1x16xi32>
    tpu.vector_store %arg6[%swap3A_1116, %swap3A_1117, %swap3A_1118], %swap3A_1121 {strides = array<i32>} : memref<3x4x128xi32, #tpu.memory_space<vmem>>, vector<1x1x16xi32>,
    %get3A_1122 = arith.constant 6 : i32
    %get3A_1123 = arith.index_cast %get3A_1122 : i32 to index
    %get3A_1124 = arith.constant 384 : index
    %get3A_1125 = tpu.vector_load %arg5[%get3A_1123, %get3A_1124] {strides = array<i32>} : memref<8x512xf32, #tpu.memory_space<vmem>>, vector<1x16xf32>,
    %get3A_1126 = vector.shape_cast %get3A_1125 : vector<1x16xf32> to vector<16xf32>
    %add3A_1127 = arith.constant 0x4B000000 : f32
    %add3A_1128 = vector.broadcast %add3A_1127 : f32 to vector<16xf32>
    %add3A_1129 = arith.addf %get3A_1126, %add3A_1128 : vector<16xf32>
    %bitcast_convert_type3A_1130 = tpu.bitcast %add3A_1129 : vector<16xf32> -> vector<16xi32>
    %add3A_1131 = arith.constant -1258290912 : i32
    %add3A_1132 = vector.broadcast %add3A_1131 : i32 to vector<16xi32>
    %add3A_1133 = arith.addi %bitcast_convert_type3A_1130, %add3A_1132 : vector<16xi32>
    %swap3A_1134 = arith.constant 1 : i32
    %swap3A_1135 = arith.constant 3 : i32
    %swap3A_1136 = arith.index_cast %swap3A_1134 : i32 to index
    %swap3A_1137 = arith.index_cast %swap3A_1135 : i32 to index
    %swap3A_1138 = arith.constant 0 : index
    %swap3A_1139 = tpu.vector_load %arg6[%swap3A_1136, %swap3A_1137, %swap3A_1138] {strides = array<i32>} : memref<3x4x128xi32, #tpu.memory_space<vmem>>, vector<1x1x16xi32>,
    %swap3A_1140 = vector.shape_cast %swap3A_1139 : vector<1x1x16xi32> to vector<16xi32>
    %swap3A_1141 = vector.shape_cast %add3A_1133 : vector<16xi32> to vector<1x1x16xi32>
    tpu.vector_store %arg6[%swap3A_1136, %swap3A_1137, %swap3A_1138], %swap3A_1141 {strides = array<i32>} : memref<3x4x128xi32, #tpu.memory_space<vmem>>, vector<1x1x16xi32>,
    %get3A_1142 = arith.constant 6 : i32
    %get3A_1143 = arith.index_cast %get3A_1142 : i32 to index
    %get3A_1144 = arith.constant 400 : index
    %get3A_1145 = tpu.vector_load %arg5[%get3A_1143, %get3A_1144] {strides = array<i32>} : memref<8x512xf32, #tpu.memory_space<vmem>>, vector<1x16xf32>,
    %get3A_1146 = vector.shape_cast %get3A_1145 : vector<1x16xf32> to vector<16xf32>
    %add3A_1147 = arith.constant 0x4B000000 : f32
    %add3A_1148 = vector.broadcast %add3A_1147 : f32 to vector<16xf32>
    %add3A_1149 = arith.addf %get3A_1146, %add3A_1148 : vector<16xf32>
    %bitcast_convert_type3A_1150 = tpu.bitcast %add3A_1149 : vector<16xf32> -> vector<16xi32>
    %add3A_1151 = arith.constant -1258290912 : i32
    %add3A_1152 = vector.broadcast %add3A_1151 : i32 to vector<16xi32>
    %add3A_1153 = arith.addi %bitcast_convert_type3A_1150, %add3A_1152 : vector<16xi32>
    %swap3A_1154 = arith.constant 1 : i32
    %swap3A_1155 = arith.constant 3 : i32
    %swap3A_1156 = arith.index_cast %swap3A_1154 : i32 to index
    %swap3A_1157 = arith.index_cast %swap3A_1155 : i32 to index
    %swap3A_1158 = arith.constant 16 : index
    %swap3A_1159 = tpu.vector_load %arg6[%swap3A_1156, %swap3A_1157, %swap3A_1158] {strides = array<i32>} : memref<3x4x128xi32, #tpu.memory_space<vmem>>, vector<1x1x16xi32>,
    %swap3A_1160 = vector.shape_cast %swap3A_1159 : vector<1x1x16xi32> to vector<16xi32>
    %swap3A_1161 = vector.shape_cast %add3A_1153 : vector<16xi32> to vector<1x1x16xi32>
    tpu.vector_store %arg6[%swap3A_1156, %swap3A_1157, %swap3A_1158], %swap3A_1161 {strides = array<i32>} : memref<3x4x128xi32, #tpu.memory_space<vmem>>, vector<1x1x16xi32>,
    %get3A_1162 = arith.constant 6 : i32
    %get3A_1163 = arith.index_cast %get3A_1162 : i32 to index
    %get3A_1164 = arith.constant 416 : index
    %get3A_1165 = tpu.vector_load %arg5[%get3A_1163, %get3A_1164] {strides = array<i32>} : memref<8x512xf32, #tpu.memory_space<vmem>>, vector<1x16xf32>,
    %get3A_1166 = vector.shape_cast %get3A_1165 : vector<1x16xf32> to vector<16xf32>
    %add3A_1167 = arith.constant 0x4B000000 : f32
    %add3A_1168 = vector.broadcast %add3A_1167 : f32 to vector<16xf32>
    %add3A_1169 = arith.addf %get3A_1166, %add3A_1168 : vector<16xf32>
    %bitcast_convert_type3A_1170 = tpu.bitcast %add3A_1169 : vector<16xf32> -> vector<16xi32>
    %add3A_1171 = arith.constant -1258290912 : i32
    %add3A_1172 = vector.broadcast %add3A_1171 : i32 to vector<16xi32>
    %add3A_1173 = arith.addi %bitcast_convert_type3A_1170, %add3A_1172 : vector<16xi32>
    %swap3A_1174 = arith.constant 1 : i32
    %swap3A_1175 = arith.constant 3 : i32
    %swap3A_1176 = arith.index_cast %swap3A_1174 : i32 to index
    %swap3A_1177 = arith.index_cast %swap3A_1175 : i32 to index
    %swap3A_1178 = arith.constant 32 : index
    %swap3A_1179 = tpu.vector_load %arg6[%swap3A_1176, %swap3A_1177, %swap3A_1178] {strides = array<i32>} : memref<3x4x128xi32, #tpu.memory_space<vmem>>, vector<1x1x16xi32>,
    %swap3A_1180 = vector.shape_cast %swap3A_1179 : vector<1x1x16xi32> to vector<16xi32>
    %swap3A_1181 = vector.shape_cast %add3A_1173 : vector<16xi32> to vector<1x1x16xi32>
    tpu.vector_store %arg6[%swap3A_1176, %swap3A_1177, %swap3A_1178], %swap3A_1181 {strides = array<i32>} : memref<3x4x128xi32, #tpu.memory_space<vmem>>, vector<1x1x16xi32>,
    %get3A_1182 = arith.constant 6 : i32
    %get3A_1183 = arith.index_cast %get3A_1182 : i32 to index
    %get3A_1184 = arith.constant 432 : index
    %get3A_1185 = tpu.vector_load %arg5[%get3A_1183, %get3A_1184] {strides = array<i32>} : memref<8x512xf32, #tpu.memory_space<vmem>>, vector<1x16xf32>,
    %get3A_1186 = vector.shape_cast %get3A_1185 : vector<1x16xf32> to vector<16xf32>
    %add3A_1187 = arith.constant 0x4B000000 : f32
    %add3A_1188 = vector.broadcast %add3A_1187 : f32 to vector<16xf32>
    %add3A_1189 = arith.addf %get3A_1186, %add3A_1188 : vector<16xf32>
    %bitcast_convert_type3A_1190 = tpu.bitcast %add3A_1189 : vector<16xf32> -> vector<16xi32>
    %add3A_1191 = arith.constant -1258290912 : i32
    %add3A_1192 = vector.broadcast %add3A_1191 : i32 to vector<16xi32>
    %add3A_1193 = arith.addi %bitcast_convert_type3A_1190, %add3A_1192 : vector<16xi32>
    %swap3A_1194 = arith.constant 1 : i32
    %swap3A_1195 = arith.constant 3 : i32
    %swap3A_1196 = arith.index_cast %swap3A_1194 : i32 to index
    %swap3A_1197 = arith.index_cast %swap3A_1195 : i32 to index
    %swap3A_1198 = arith.constant 48 : index
    %swap3A_1199 = tpu.vector_load %arg6[%swap3A_1196, %swap3A_1197, %swap3A_1198] {strides = array<i32>} : memref<3x4x128xi32, #tpu.memory_space<vmem>>, vector<1x1x16xi32>,
    %swap3A_1200 = vector.shape_cast %swap3A_1199 : vector<1x1x16xi32> to vector<16xi32>
    %swap3A_1201 = vector.shape_cast %add3A_1193 : vector<16xi32> to vector<1x1x16xi32>
    tpu.vector_store %arg6[%swap3A_1196, %swap3A_1197, %swap3A_1198], %swap3A_1201 {strides = array<i32>} : memref<3x4x128xi32, #tpu.memory_space<vmem>>, vector<1x1x16xi32>,
    %get3A_1202 = arith.constant 6 : i32
    %get3A_1203 = arith.index_cast %get3A_1202 : i32 to index
    %get3A_1204 = arith.constant 448 : index
    %get3A_1205 = tpu.vector_load %arg5[%get3A_1203, %get3A_1204] {strides = array<i32>} : memref<8x512xf32, #tpu.memory_space<vmem>>, vector<1x16xf32>,
    %get3A_1206 = vector.shape_cast %get3A_1205 : vector<1x16xf32> to vector<16xf32>
    %add3A_1207 = arith.constant 0x4B000000 : f32
    %add3A_1208 = vector.broadcast %add3A_1207 : f32 to vector<16xf32>
    %add3A_1209 = arith.addf %get3A_1206, %add3A_1208 : vector<16xf32>
    %bitcast_convert_type3A_1210 = tpu.bitcast %add3A_1209 : vector<16xf32> -> vector<16xi32>
    %add3A_1211 = arith.constant -1258290912 : i32
    %add3A_1212 = vector.broadcast %add3A_1211 : i32 to vector<16xi32>
    %add3A_1213 = arith.addi %bitcast_convert_type3A_1210, %add3A_1212 : vector<16xi32>
    %swap3A_1214 = arith.constant 1 : i32
    %swap3A_1215 = arith.constant 3 : i32
    %swap3A_1216 = arith.index_cast %swap3A_1214 : i32 to index
    %swap3A_1217 = arith.index_cast %swap3A_1215 : i32 to index
    %swap3A_1218 = arith.constant 64 : index
    %swap3A_1219 = tpu.vector_load %arg6[%swap3A_1216, %swap3A_1217, %swap3A_1218] {strides = array<i32>} : memref<3x4x128xi32, #tpu.memory_space<vmem>>, vector<1x1x16xi32>,
    %swap3A_1220 = vector.shape_cast %swap3A_1219 : vector<1x1x16xi32> to vector<16xi32>
    %swap3A_1221 = vector.shape_cast %add3A_1213 : vector<16xi32> to vector<1x1x16xi32>
    tpu.vector_store %arg6[%swap3A_1216, %swap3A_1217, %swap3A_1218], %swap3A_1221 {strides = array<i32>} : memref<3x4x128xi32, #tpu.memory_space<vmem>>, vector<1x1x16xi32>,
    %get3A_1222 = arith.constant 6 : i32
    %get3A_1223 = arith.index_cast %get3A_1222 : i32 to index
    %get3A_1224 = arith.constant 464 : index
    %get3A_1225 = tpu.vector_load %arg5[%get3A_1223, %get3A_1224] {strides = array<i32>} : memref<8x512xf32, #tpu.memory_space<vmem>>, vector<1x16xf32>,
    %get3A_1226 = vector.shape_cast %get3A_1225 : vector<1x16xf32> to vector<16xf32>
    %add3A_1227 = arith.constant 0x4B000000 : f32
    %add3A_1228 = vector.broadcast %add3A_1227 : f32 to vector<16xf32>
    %add3A_1229 = arith.addf %get3A_1226, %add3A_1228 : vector<16xf32>
    %bitcast_convert_type3A_1230 = tpu.bitcast %add3A_1229 : vector<16xf32> -> vector<16xi32>
    %add3A_1231 = arith.constant -1258290912 : i32
    %add3A_1232 = vector.broadcast %add3A_1231 : i32 to vector<16xi32>
    %add3A_1233 = arith.addi %bitcast_convert_type3A_1230, %add3A_1232 : vector<16xi32>
    %swap3A_1234 = arith.constant 1 : i32
    %swap3A_1235 = arith.constant 3 : i32
    %swap3A_1236 = arith.index_cast %swap3A_1234 : i32 to index
    %swap3A_1237 = arith.index_cast %swap3A_1235 : i32 to index
    %swap3A_1238 = arith.constant 80 : index
    %swap3A_1239 = tpu.vector_load %arg6[%swap3A_1236, %swap3A_1237, %swap3A_1238] {strides = array<i32>} : memref<3x4x128xi32, #tpu.memory_space<vmem>>, vector<1x1x16xi32>,
    %swap3A_1240 = vector.shape_cast %swap3A_1239 : vector<1x1x16xi32> to vector<16xi32>
    %swap3A_1241 = vector.shape_cast %add3A_1233 : vector<16xi32> to vector<1x1x16xi32>
    tpu.vector_store %arg6[%swap3A_1236, %swap3A_1237, %swap3A_1238], %swap3A_1241 {strides = array<i32>} : memref<3x4x128xi32, #tpu.memory_space<vmem>>, vector<1x1x16xi32>,
    %get3A_1242 = arith.constant 6 : i32
    %get3A_1243 = arith.index_cast %get3A_1242 : i32 to index
    %get3A_1244 = arith.constant 480 : index
    %get3A_1245 = tpu.vector_load %arg5[%get3A_1243, %get3A_1244] {strides = array<i32>} : memref<8x512xf32, #tpu.memory_space<vmem>>, vector<1x16xf32>,
    %get3A_1246 = vector.shape_cast %get3A_1245 : vector<1x16xf32> to vector<16xf32>
    %add3A_1247 = arith.constant 0x4B000000 : f32
    %add3A_1248 = vector.broadcast %add3A_1247 : f32 to vector<16xf32>
    %add3A_1249 = arith.addf %get3A_1246, %add3A_1248 : vector<16xf32>
    %bitcast_convert_type3A_1250 = tpu.bitcast %add3A_1249 : vector<16xf32> -> vector<16xi32>
    %add3A_1251 = arith.constant -1258290912 : i32
    %add3A_1252 = vector.broadcast %add3A_1251 : i32 to vector<16xi32>
    %add3A_1253 = arith.addi %bitcast_convert_type3A_1250, %add3A_1252 : vector<16xi32>
    %swap3A_1254 = arith.constant 1 : i32
    %swap3A_1255 = arith.constant 3 : i32
    %swap3A_1256 = arith.index_cast %swap3A_1254 : i32 to index
    %swap3A_1257 = arith.index_cast %swap3A_1255 : i32 to index
    %swap3A_1258 = arith.constant 96 : index
    %swap3A_1259 = tpu.vector_load %arg6[%swap3A_1256, %swap3A_1257, %swap3A_1258] {strides = array<i32>} : memref<3x4x128xi32, #tpu.memory_space<vmem>>, vector<1x1x16xi32>,
    %swap3A_1260 = vector.shape_cast %swap3A_1259 : vector<1x1x16xi32> to vector<16xi32>
    %swap3A_1261 = vector.shape_cast %add3A_1253 : vector<16xi32> to vector<1x1x16xi32>
    tpu.vector_store %arg6[%swap3A_1256, %swap3A_1257, %swap3A_1258], %swap3A_1261 {strides = array<i32>} : memref<3x4x128xi32, #tpu.memory_space<vmem>>, vector<1x1x16xi32>,
    %get3A_1262 = arith.constant 6 : i32
    %get3A_1263 = arith.index_cast %get3A_1262 : i32 to index
    %get3A_1264 = arith.constant 496 : index
    %get3A_1265 = tpu.vector_load %arg5[%get3A_1263, %get3A_1264] {strides = array<i32>} : memref<8x512xf32, #tpu.memory_space<vmem>>, vector<1x16xf32>,
    %get3A_1266 = vector.shape_cast %get3A_1265 : vector<1x16xf32> to vector<16xf32>
    %add3A_1267 = arith.constant 0x4B000000 : f32
    %add3A_1268 = vector.broadcast %add3A_1267 : f32 to vector<16xf32>
    %add3A_1269 = arith.addf %get3A_1266, %add3A_1268 : vector<16xf32>
    %bitcast_convert_type3A_1270 = tpu.bitcast %add3A_1269 : vector<16xf32> -> vector<16xi32>
    %add3A_1271 = arith.constant -1258290912 : i32
    %add3A_1272 = vector.broadcast %add3A_1271 : i32 to vector<16xi32>
    %add3A_1273 = arith.addi %bitcast_convert_type3A_1270, %add3A_1272 : vector<16xi32>
    %swap3A_1274 = arith.constant 1 : i32
    %swap3A_1275 = arith.constant 3 : i32
    %swap3A_1276 = arith.index_cast %swap3A_1274 : i32 to index
    %swap3A_1277 = arith.index_cast %swap3A_1275 : i32 to index
    %swap3A_1278 = arith.constant 112 : index
    %swap3A_1279 = tpu.vector_load %arg6[%swap3A_1276, %swap3A_1277, %swap3A_1278] {strides = array<i32>} : memref<3x4x128xi32, #tpu.memory_space<vmem>>, vector<1x1x16xi32>,
    %swap3A_1280 = vector.shape_cast %swap3A_1279 : vector<1x1x16xi32> to vector<16xi32>
    %swap3A_1281 = vector.shape_cast %add3A_1273 : vector<16xi32> to vector<1x1x16xi32>
    tpu.vector_store %arg6[%swap3A_1276, %swap3A_1277, %swap3A_1278], %swap3A_1281 {strides = array<i32>} : memref<3x4x128xi32, #tpu.memory_space<vmem>>, vector<1x1x16xi32>,
    %get3A_1282 = arith.constant 7 : i32
    %get3A_1283 = arith.index_cast %get3A_1282 : i32 to index
    %get3A_1284 = arith.constant 0 : index
    %get3A_1285 = tpu.vector_load %arg5[%get3A_1283, %get3A_1284] {strides = array<i32>} : memref<8x512xf32, #tpu.memory_space<vmem>>, vector<1x16xf32>,
    %get3A_1286 = vector.shape_cast %get3A_1285 : vector<1x16xf32> to vector<16xf32>
    %add3A_1287 = arith.constant 0x4B000000 : f32
    %add3A_1288 = vector.broadcast %add3A_1287 : f32 to vector<16xf32>
    %add3A_1289 = arith.addf %get3A_1286, %add3A_1288 : vector<16xf32>
    %bitcast_convert_type3A_1290 = tpu.bitcast %add3A_1289 : vector<16xf32> -> vector<16xi32>
    %add3A_1291 = arith.constant -1258290624 : i32
    %add3A_1292 = vector.broadcast %add3A_1291 : i32 to vector<16xi32>
    %add3A_1293 = arith.addi %bitcast_convert_type3A_1290, %add3A_1292 : vector<16xi32>
    %swap3A_1294 = arith.constant 2 : i32
    %swap3A_1295 = arith.constant 0 : i32
    %swap3A_1296 = arith.index_cast %swap3A_1294 : i32 to index
    %swap3A_1297 = arith.index_cast %swap3A_1295 : i32 to index
    %swap3A_1298 = arith.constant 0 : index
    %swap3A_1299 = tpu.vector_load %arg6[%swap3A_1296, %swap3A_1297, %swap3A_1298] {strides = array<i32>} : memref<3x4x128xi32, #tpu.memory_space<vmem>>, vector<1x1x16xi32>,
    %swap3A_1300 = vector.shape_cast %swap3A_1299 : vector<1x1x16xi32> to vector<16xi32>
    %swap3A_1301 = vector.shape_cast %add3A_1293 : vector<16xi32> to vector<1x1x16xi32>
    tpu.vector_store %arg6[%swap3A_1296, %swap3A_1297, %swap3A_1298], %swap3A_1301 {strides = array<i32>} : memref<3x4x128xi32, #tpu.memory_space<vmem>>, vector<1x1x16xi32>,
    %get3A_1302 = arith.constant 7 : i32
    %get3A_1303 = arith.index_cast %get3A_1302 : i32 to index
    %get3A_1304 = arith.constant 16 : index
    %get3A_1305 = tpu.vector_load %arg5[%get3A_1303, %get3A_1304] {strides = array<i32>} : memref<8x512xf32, #tpu.memory_space<vmem>>, vector<1x16xf32>,
    %get3A_1306 = vector.shape_cast %get3A_1305 : vector<1x16xf32> to vector<16xf32>
    %add3A_1307 = arith.constant 0x4B000000 : f32
    %add3A_1308 = vector.broadcast %add3A_1307 : f32 to vector<16xf32>
    %add3A_1309 = arith.addf %get3A_1306, %add3A_1308 : vector<16xf32>
    %bitcast_convert_type3A_1310 = tpu.bitcast %add3A_1309 : vector<16xf32> -> vector<16xi32>
    %add3A_1311 = arith.constant -1258290624 : i32
    %add3A_1312 = vector.broadcast %add3A_1311 : i32 to vector<16xi32>
    %add3A_1313 = arith.addi %bitcast_convert_type3A_1310, %add3A_1312 : vector<16xi32>
    %swap3A_1314 = arith.constant 2 : i32
    %swap3A_1315 = arith.constant 0 : i32
    %swap3A_1316 = arith.index_cast %swap3A_1314 : i32 to index
    %swap3A_1317 = arith.index_cast %swap3A_1315 : i32 to index
    %swap3A_1318 = arith.constant 16 : index
    %swap3A_1319 = tpu.vector_load %arg6[%swap3A_1316, %swap3A_1317, %swap3A_1318] {strides = array<i32>} : memref<3x4x128xi32, #tpu.memory_space<vmem>>, vector<1x1x16xi32>,
    %swap3A_1320 = vector.shape_cast %swap3A_1319 : vector<1x1x16xi32> to vector<16xi32>
    %swap3A_1321 = vector.shape_cast %add3A_1313 : vector<16xi32> to vector<1x1x16xi32>
    tpu.vector_store %arg6[%swap3A_1316, %swap3A_1317, %swap3A_1318], %swap3A_1321 {strides = array<i32>} : memref<3x4x128xi32, #tpu.memory_space<vmem>>, vector<1x1x16xi32>,
    %get3A_1322 = arith.constant 7 : i32
    %get3A_1323 = arith.index_cast %get3A_1322 : i32 to index
    %get3A_1324 = arith.constant 32 : index
    %get3A_1325 = tpu.vector_load %arg5[%get3A_1323, %get3A_1324] {strides = array<i32>} : memref<8x512xf32, #tpu.memory_space<vmem>>, vector<1x16xf32>,
    %get3A_1326 = vector.shape_cast %get3A_1325 : vector<1x16xf32> to vector<16xf32>
    %add3A_1327 = arith.constant 0x4B000000 : f32
    %add3A_1328 = vector.broadcast %add3A_1327 : f32 to vector<16xf32>
    %add3A_1329 = arith.addf %get3A_1326, %add3A_1328 : vector<16xf32>
    %bitcast_convert_type3A_1330 = tpu.bitcast %add3A_1329 : vector<16xf32> -> vector<16xi32>
    %add3A_1331 = arith.constant -1258290624 : i32
    %add3A_1332 = vector.broadcast %add3A_1331 : i32 to vector<16xi32>
    %add3A_1333 = arith.addi %bitcast_convert_type3A_1330, %add3A_1332 : vector<16xi32>
    %swap3A_1334 = arith.constant 2 : i32
    %swap3A_1335 = arith.constant 0 : i32
    %swap3A_1336 = arith.index_cast %swap3A_1334 : i32 to index
    %swap3A_1337 = arith.index_cast %swap3A_1335 : i32 to index
    %swap3A_1338 = arith.constant 32 : index
    %swap3A_1339 = tpu.vector_load %arg6[%swap3A_1336, %swap3A_1337, %swap3A_1338] {strides = array<i32>} : memref<3x4x128xi32, #tpu.memory_space<vmem>>, vector<1x1x16xi32>,
    %swap3A_1340 = vector.shape_cast %swap3A_1339 : vector<1x1x16xi32> to vector<16xi32>
    %swap3A_1341 = vector.shape_cast %add3A_1333 : vector<16xi32> to vector<1x1x16xi32>
    tpu.vector_store %arg6[%swap3A_1336, %swap3A_1337, %swap3A_1338], %swap3A_1341 {strides = array<i32>} : memref<3x4x128xi32, #tpu.memory_space<vmem>>, vector<1x1x16xi32>,
    %get3A_1342 = arith.constant 7 : i32
    %get3A_1343 = arith.index_cast %get3A_1342 : i32 to index
    %get3A_1344 = arith.constant 48 : index
    %get3A_1345 = tpu.vector_load %arg5[%get3A_1343, %get3A_1344] {strides = array<i32>} : memref<8x512xf32, #tpu.memory_space<vmem>>, vector<1x16xf32>,
    %get3A_1346 = vector.shape_cast %get3A_1345 : vector<1x16xf32> to vector<16xf32>
    %add3A_1347 = arith.constant 0x4B000000 : f32
    %add3A_1348 = vector.broadcast %add3A_1347 : f32 to vector<16xf32>
    %add3A_1349 = arith.addf %get3A_1346, %add3A_1348 : vector<16xf32>
    %bitcast_convert_type3A_1350 = tpu.bitcast %add3A_1349 : vector<16xf32> -> vector<16xi32>
    %add3A_1351 = arith.constant -1258290624 : i32
    %add3A_1352 = vector.broadcast %add3A_1351 : i32 to vector<16xi32>
    %add3A_1353 = arith.addi %bitcast_convert_type3A_1350, %add3A_1352 : vector<16xi32>
    %swap3A_1354 = arith.constant 2 : i32
    %swap3A_1355 = arith.constant 0 : i32
    %swap3A_1356 = arith.index_cast %swap3A_1354 : i32 to index
    %swap3A_1357 = arith.index_cast %swap3A_1355 : i32 to index
    %swap3A_1358 = arith.constant 48 : index
    %swap3A_1359 = tpu.vector_load %arg6[%swap3A_1356, %swap3A_1357, %swap3A_1358] {strides = array<i32>} : memref<3x4x128xi32, #tpu.memory_space<vmem>>, vector<1x1x16xi32>,
    %swap3A_1360 = vector.shape_cast %swap3A_1359 : vector<1x1x16xi32> to vector<16xi32>
    %swap3A_1361 = vector.shape_cast %add3A_1353 : vector<16xi32> to vector<1x1x16xi32>
    tpu.vector_store %arg6[%swap3A_1356, %swap3A_1357, %swap3A_1358], %swap3A_1361 {strides = array<i32>} : memref<3x4x128xi32, #tpu.memory_space<vmem>>, vector<1x1x16xi32>,
    %get3A_1362 = arith.constant 7 : i32
    %get3A_1363 = arith.index_cast %get3A_1362 : i32 to index
    %get3A_1364 = arith.constant 64 : index
    %get3A_1365 = tpu.vector_load %arg5[%get3A_1363, %get3A_1364] {strides = array<i32>} : memref<8x512xf32, #tpu.memory_space<vmem>>, vector<1x16xf32>,
    %get3A_1366 = vector.shape_cast %get3A_1365 : vector<1x16xf32> to vector<16xf32>
    %add3A_1367 = arith.constant 0x4B000000 : f32
    %add3A_1368 = vector.broadcast %add3A_1367 : f32 to vector<16xf32>
    %add3A_1369 = arith.addf %get3A_1366, %add3A_1368 : vector<16xf32>
    %bitcast_convert_type3A_1370 = tpu.bitcast %add3A_1369 : vector<16xf32> -> vector<16xi32>
    %add3A_1371 = arith.constant -1258290624 : i32
    %add3A_1372 = vector.broadcast %add3A_1371 : i32 to vector<16xi32>
    %add3A_1373 = arith.addi %bitcast_convert_type3A_1370, %add3A_1372 : vector<16xi32>
    %swap3A_1374 = arith.constant 2 : i32
    %swap3A_1375 = arith.constant 0 : i32
    %swap3A_1376 = arith.index_cast %swap3A_1374 : i32 to index
    %swap3A_1377 = arith.index_cast %swap3A_1375 : i32 to index
    %swap3A_1378 = arith.constant 64 : index
    %swap3A_1379 = tpu.vector_load %arg6[%swap3A_1376, %swap3A_1377, %swap3A_1378] {strides = array<i32>} : memref<3x4x128xi32, #tpu.memory_space<vmem>>, vector<1x1x16xi32>,
    %swap3A_1380 = vector.shape_cast %swap3A_1379 : vector<1x1x16xi32> to vector<16xi32>
    %swap3A_1381 = vector.shape_cast %add3A_1373 : vector<16xi32> to vector<1x1x16xi32>
    tpu.vector_store %arg6[%swap3A_1376, %swap3A_1377, %swap3A_1378], %swap3A_1381 {strides = array<i32>} : memref<3x4x128xi32, #tpu.memory_space<vmem>>, vector<1x1x16xi32>,
    %get3A_1382 = arith.constant 7 : i32
    %get3A_1383 = arith.index_cast %get3A_1382 : i32 to index
    %get3A_1384 = arith.constant 80 : index
    %get3A_1385 = tpu.vector_load %arg5[%get3A_1383, %get3A_1384] {strides = array<i32>} : memref<8x512xf32, #tpu.memory_space<vmem>>, vector<1x16xf32>,
    %get3A_1386 = vector.shape_cast %get3A_1385 : vector<1x16xf32> to vector<16xf32>
    %add3A_1387 = arith.constant 0x4B000000 : f32
    %add3A_1388 = vector.broadcast %add3A_1387 : f32 to vector<16xf32>
    %add3A_1389 = arith.addf %get3A_1386, %add3A_1388 : vector<16xf32>
    %bitcast_convert_type3A_1390 = tpu.bitcast %add3A_1389 : vector<16xf32> -> vector<16xi32>
    %add3A_1391 = arith.constant -1258290624 : i32
    %add3A_1392 = vector.broadcast %add3A_1391 : i32 to vector<16xi32>
    %add3A_1393 = arith.addi %bitcast_convert_type3A_1390, %add3A_1392 : vector<16xi32>
    %swap3A_1394 = arith.constant 2 : i32
    %swap3A_1395 = arith.constant 0 : i32
    %swap3A_1396 = arith.index_cast %swap3A_1394 : i32 to index
    %swap3A_1397 = arith.index_cast %swap3A_1395 : i32 to index
    %swap3A_1398 = arith.constant 80 : index
    %swap3A_1399 = tpu.vector_load %arg6[%swap3A_1396, %swap3A_1397, %swap3A_1398] {strides = array<i32>} : memref<3x4x128xi32, #tpu.memory_space<vmem>>, vector<1x1x16xi32>,
    %swap3A_1400 = vector.shape_cast %swap3A_1399 : vector<1x1x16xi32> to vector<16xi32>
    %swap3A_1401 = vector.shape_cast %add3A_1393 : vector<16xi32> to vector<1x1x16xi32>
    tpu.vector_store %arg6[%swap3A_1396, %swap3A_1397, %swap3A_1398], %swap3A_1401 {strides = array<i32>} : memref<3x4x128xi32, #tpu.memory_space<vmem>>, vector<1x1x16xi32>,
    %get3A_1402 = arith.constant 7 : i32
    %get3A_1403 = arith.index_cast %get3A_1402 : i32 to index
    %get3A_1404 = arith.constant 96 : index
    %get3A_1405 = tpu.vector_load %arg5[%get3A_1403, %get3A_1404] {strides = array<i32>} : memref<8x512xf32, #tpu.memory_space<vmem>>, vector<1x16xf32>,
    %get3A_1406 = vector.shape_cast %get3A_1405 : vector<1x16xf32> to vector<16xf32>
    %add3A_1407 = arith.constant 0x4B000000 : f32
    %add3A_1408 = vector.broadcast %add3A_1407 : f32 to vector<16xf32>
    %add3A_1409 = arith.addf %get3A_1406, %add3A_1408 : vector<16xf32>
    %bitcast_convert_type3A_1410 = tpu.bitcast %add3A_1409 : vector<16xf32> -> vector<16xi32>
    %add3A_1411 = arith.constant -1258290624 : i32
    %add3A_1412 = vector.broadcast %add3A_1411 : i32 to vector<16xi32>
    %add3A_1413 = arith.addi %bitcast_convert_type3A_1410, %add3A_1412 : vector<16xi32>
    %swap3A_1414 = arith.constant 2 : i32
    %swap3A_1415 = arith.constant 0 : i32
    %swap3A_1416 = arith.index_cast %swap3A_1414 : i32 to index
    %swap3A_1417 = arith.index_cast %swap3A_1415 : i32 to index
    %swap3A_1418 = arith.constant 96 : index
    %swap3A_1419 = tpu.vector_load %arg6[%swap3A_1416, %swap3A_1417, %swap3A_1418] {strides = array<i32>} : memref<3x4x128xi32, #tpu.memory_space<vmem>>, vector<1x1x16xi32>,
    %swap3A_1420 = vector.shape_cast %swap3A_1419 : vector<1x1x16xi32> to vector<16xi32>
    %swap3A_1421 = vector.shape_cast %add3A_1413 : vector<16xi32> to vector<1x1x16xi32>
    tpu.vector_store %arg6[%swap3A_1416, %swap3A_1417, %swap3A_1418], %swap3A_1421 {strides = array<i32>} : memref<3x4x128xi32, #tpu.memory_space<vmem>>, vector<1x1x16xi32>,
    %get3A_1422 = arith.constant 7 : i32
    %get3A_1423 = arith.index_cast %get3A_1422 : i32 to index
    %get3A_1424 = arith.constant 112 : index
    %get3A_1425 = tpu.vector_load %arg5[%get3A_1423, %get3A_1424] {strides = array<i32>} : memref<8x512xf32, #tpu.memory_space<vmem>>, vector<1x16xf32>,
    %get3A_1426 = vector.shape_cast %get3A_1425 : vector<1x16xf32> to vector<16xf32>
    %add3A_1427 = arith.constant 0x4B000000 : f32
    %add3A_1428 = vector.broadcast %add3A_1427 : f32 to vector<16xf32>
    %add3A_1429 = arith.addf %get3A_1426, %add3A_1428 : vector<16xf32>
    %bitcast_convert_type3A_1430 = tpu.bitcast %add3A_1429 : vector<16xf32> -> vector<16xi32>
    %add3A_1431 = arith.constant -1258290624 : i32
    %add3A_1432 = vector.broadcast %add3A_1431 : i32 to vector<16xi32>
    %add3A_1433 = arith.addi %bitcast_convert_type3A_1430, %add3A_1432 : vector<16xi32>
    %swap3A_1434 = arith.constant 2 : i32
    %swap3A_1435 = arith.constant 0 : i32
    %swap3A_1436 = arith.index_cast %swap3A_1434 : i32 to index
    %swap3A_1437 = arith.index_cast %swap3A_1435 : i32 to index
    %swap3A_1438 = arith.constant 112 : index
    %swap3A_1439 = tpu.vector_load %arg6[%swap3A_1436, %swap3A_1437, %swap3A_1438] {strides = array<i32>} : memref<3x4x128xi32, #tpu.memory_space<vmem>>, vector<1x1x16xi32>,
    %swap3A_1440 = vector.shape_cast %swap3A_1439 : vector<1x1x16xi32> to vector<16xi32>
    %swap3A_1441 = vector.shape_cast %add3A_1433 : vector<16xi32> to vector<1x1x16xi32>
    tpu.vector_store %arg6[%swap3A_1436, %swap3A_1437, %swap3A_1438], %swap3A_1441 {strides = array<i32>} : memref<3x4x128xi32, #tpu.memory_space<vmem>>, vector<1x1x16xi32>,
    %get3A_1442 = arith.constant 7 : i32
    %get3A_1443 = arith.index_cast %get3A_1442 : i32 to index
    %get3A_1444 = arith.constant 128 : index
    %get3A_1445 = tpu.vector_load %arg5[%get3A_1443, %get3A_1444] {strides = array<i32>} : memref<8x512xf32, #tpu.memory_space<vmem>>, vector<1x16xf32>,
    %get3A_1446 = vector.shape_cast %get3A_1445 : vector<1x16xf32> to vector<16xf32>
    %add3A_1447 = arith.constant 0x4B000000 : f32
    %add3A_1448 = vector.broadcast %add3A_1447 : f32 to vector<16xf32>
    %add3A_1449 = arith.addf %get3A_1446, %add3A_1448 : vector<16xf32>
    %bitcast_convert_type3A_1450 = tpu.bitcast %add3A_1449 : vector<16xf32> -> vector<16xi32>
    %add3A_1451 = arith.constant -1258290624 : i32
    %add3A_1452 = vector.broadcast %add3A_1451 : i32 to vector<16xi32>
    %add3A_1453 = arith.addi %bitcast_convert_type3A_1450, %add3A_1452 : vector<16xi32>
    %swap3A_1454 = arith.constant 2 : i32
    %swap3A_1455 = arith.constant 1 : i32
    %swap3A_1456 = arith.index_cast %swap3A_1454 : i32 to index
    %swap3A_1457 = arith.index_cast %swap3A_1455 : i32 to index
    %swap3A_1458 = arith.constant 0 : index
    %swap3A_1459 = tpu.vector_load %arg6[%swap3A_1456, %swap3A_1457, %swap3A_1458] {strides = array<i32>} : memref<3x4x128xi32, #tpu.memory_space<vmem>>, vector<1x1x16xi32>,
    %swap3A_1460 = vector.shape_cast %swap3A_1459 : vector<1x1x16xi32> to vector<16xi32>
    %swap3A_1461 = vector.shape_cast %add3A_1453 : vector<16xi32> to vector<1x1x16xi32>
    tpu.vector_store %arg6[%swap3A_1456, %swap3A_1457, %swap3A_1458], %swap3A_1461 {strides = array<i32>} : memref<3x4x128xi32, #tpu.memory_space<vmem>>, vector<1x1x16xi32>,
    %get3A_1462 = arith.constant 7 : i32
    %get3A_1463 = arith.index_cast %get3A_1462 : i32 to index
    %get3A_1464 = arith.constant 144 : index
    %get3A_1465 = tpu.vector_load %arg5[%get3A_1463, %get3A_1464] {strides = array<i32>} : memref<8x512xf32, #tpu.memory_space<vmem>>, vector<1x16xf32>,
    %get3A_1466 = vector.shape_cast %get3A_1465 : vector<1x16xf32> to vector<16xf32>
    %add3A_1467 = arith.constant 0x4B000000 : f32
    %add3A_1468 = vector.broadcast %add3A_1467 : f32 to vector<16xf32>
    %add3A_1469 = arith.addf %get3A_1466, %add3A_1468 : vector<16xf32>
    %bitcast_convert_type3A_1470 = tpu.bitcast %add3A_1469 : vector<16xf32> -> vector<16xi32>
    %add3A_1471 = arith.constant -1258290624 : i32
    %add3A_1472 = vector.broadcast %add3A_1471 : i32 to vector<16xi32>
    %add3A_1473 = arith.addi %bitcast_convert_type3A_1470, %add3A_1472 : vector<16xi32>
    %swap3A_1474 = arith.constant 2 : i32
    %swap3A_1475 = arith.constant 1 : i32
    %swap3A_1476 = arith.index_cast %swap3A_1474 : i32 to index
    %swap3A_1477 = arith.index_cast %swap3A_1475 : i32 to index
    %swap3A_1478 = arith.constant 16 : index
    %swap3A_1479 = tpu.vector_load %arg6[%swap3A_1476, %swap3A_1477, %swap3A_1478] {strides = array<i32>} : memref<3x4x128xi32, #tpu.memory_space<vmem>>, vector<1x1x16xi32>,
    %swap3A_1480 = vector.shape_cast %swap3A_1479 : vector<1x1x16xi32> to vector<16xi32>
    %swap3A_1481 = vector.shape_cast %add3A_1473 : vector<16xi32> to vector<1x1x16xi32>
    tpu.vector_store %arg6[%swap3A_1476, %swap3A_1477, %swap3A_1478], %swap3A_1481 {strides = array<i32>} : memref<3x4x128xi32, #tpu.memory_space<vmem>>, vector<1x1x16xi32>,
    %get3A_1482 = arith.constant 7 : i32
    %get3A_1483 = arith.index_cast %get3A_1482 : i32 to index
    %get3A_1484 = arith.constant 160 : index
    %get3A_1485 = tpu.vector_load %arg5[%get3A_1483, %get3A_1484] {strides = array<i32>} : memref<8x512xf32, #tpu.memory_space<vmem>>, vector<1x16xf32>,
    %get3A_1486 = vector.shape_cast %get3A_1485 : vector<1x16xf32> to vector<16xf32>
    %add3A_1487 = arith.constant 0x4B000000 : f32
    %add3A_1488 = vector.broadcast %add3A_1487 : f32 to vector<16xf32>
    %add3A_1489 = arith.addf %get3A_1486, %add3A_1488 : vector<16xf32>
    %bitcast_convert_type3A_1490 = tpu.bitcast %add3A_1489 : vector<16xf32> -> vector<16xi32>
    %add3A_1491 = arith.constant -1258290624 : i32
    %add3A_1492 = vector.broadcast %add3A_1491 : i32 to vector<16xi32>
    %add3A_1493 = arith.addi %bitcast_convert_type3A_1490, %add3A_1492 : vector<16xi32>
    %swap3A_1494 = arith.constant 2 : i32
    %swap3A_1495 = arith.constant 1 : i32
    %swap3A_1496 = arith.index_cast %swap3A_1494 : i32 to index
    %swap3A_1497 = arith.index_cast %swap3A_1495 : i32 to index
    %swap3A_1498 = arith.constant 32 : index
    %swap3A_1499 = tpu.vector_load %arg6[%swap3A_1496, %swap3A_1497, %swap3A_1498] {strides = array<i32>} : memref<3x4x128xi32, #tpu.memory_space<vmem>>, vector<1x1x16xi32>,
    %swap3A_1500 = vector.shape_cast %swap3A_1499 : vector<1x1x16xi32> to vector<16xi32>
    %swap3A_1501 = vector.shape_cast %add3A_1493 : vector<16xi32> to vector<1x1x16xi32>
    tpu.vector_store %arg6[%swap3A_1496, %swap3A_1497, %swap3A_1498], %swap3A_1501 {strides = array<i32>} : memref<3x4x128xi32, #tpu.memory_space<vmem>>, vector<1x1x16xi32>,
    %get3A_1502 = arith.constant 7 : i32
    %get3A_1503 = arith.index_cast %get3A_1502 : i32 to index
    %get3A_1504 = arith.constant 176 : index
    %get3A_1505 = tpu.vector_load %arg5[%get3A_1503, %get3A_1504] {strides = array<i32>} : memref<8x512xf32, #tpu.memory_space<vmem>>, vector<1x16xf32>,
    %get3A_1506 = vector.shape_cast %get3A_1505 : vector<1x16xf32> to vector<16xf32>
    %add3A_1507 = arith.constant 0x4B000000 : f32
    %add3A_1508 = vector.broadcast %add3A_1507 : f32 to vector<16xf32>
    %add3A_1509 = arith.addf %get3A_1506, %add3A_1508 : vector<16xf32>
    %bitcast_convert_type3A_1510 = tpu.bitcast %add3A_1509 : vector<16xf32> -> vector<16xi32>
    %add3A_1511 = arith.constant -1258290624 : i32
    %add3A_1512 = vector.broadcast %add3A_1511 : i32 to vector<16xi32>
    %add3A_1513 = arith.addi %bitcast_convert_type3A_1510, %add3A_1512 : vector<16xi32>
    %swap3A_1514 = arith.constant 2 : i32
    %swap3A_1515 = arith.constant 1 : i32
    %swap3A_1516 = arith.index_cast %swap3A_1514 : i32 to index
    %swap3A_1517 = arith.index_cast %swap3A_1515 : i32 to index
    %swap3A_1518 = arith.constant 48 : index
    %swap3A_1519 = tpu.vector_load %arg6[%swap3A_1516, %swap3A_1517, %swap3A_1518] {strides = array<i32>} : memref<3x4x128xi32, #tpu.memory_space<vmem>>, vector<1x1x16xi32>,
    %swap3A_1520 = vector.shape_cast %swap3A_1519 : vector<1x1x16xi32> to vector<16xi32>
    %swap3A_1521 = vector.shape_cast %add3A_1513 : vector<16xi32> to vector<1x1x16xi32>
    tpu.vector_store %arg6[%swap3A_1516, %swap3A_1517, %swap3A_1518], %swap3A_1521 {strides = array<i32>} : memref<3x4x128xi32, #tpu.memory_space<vmem>>, vector<1x1x16xi32>,
    %get3A_1522 = arith.constant 7 : i32
    %get3A_1523 = arith.index_cast %get3A_1522 : i32 to index
    %get3A_1524 = arith.constant 192 : index
    %get3A_1525 = tpu.vector_load %arg5[%get3A_1523, %get3A_1524] {strides = array<i32>} : memref<8x512xf32, #tpu.memory_space<vmem>>, vector<1x16xf32>,
    %get3A_1526 = vector.shape_cast %get3A_1525 : vector<1x16xf32> to vector<16xf32>
    %add3A_1527 = arith.constant 0x4B000000 : f32
    %add3A_1528 = vector.broadcast %add3A_1527 : f32 to vector<16xf32>
    %add3A_1529 = arith.addf %get3A_1526, %add3A_1528 : vector<16xf32>
    %bitcast_convert_type3A_1530 = tpu.bitcast %add3A_1529 : vector<16xf32> -> vector<16xi32>
    %add3A_1531 = arith.constant -1258290624 : i32
    %add3A_1532 = vector.broadcast %add3A_1531 : i32 to vector<16xi32>
    %add3A_1533 = arith.addi %bitcast_convert_type3A_1530, %add3A_1532 : vector<16xi32>
    %swap3A_1534 = arith.constant 2 : i32
    %swap3A_1535 = arith.constant 1 : i32
    %swap3A_1536 = arith.index_cast %swap3A_1534 : i32 to index
    %swap3A_1537 = arith.index_cast %swap3A_1535 : i32 to index
    %swap3A_1538 = arith.constant 64 : index
    %swap3A_1539 = tpu.vector_load %arg6[%swap3A_1536, %swap3A_1537, %swap3A_1538] {strides = array<i32>} : memref<3x4x128xi32, #tpu.memory_space<vmem>>, vector<1x1x16xi32>,
    %swap3A_1540 = vector.shape_cast %swap3A_1539 : vector<1x1x16xi32> to vector<16xi32>
    %swap3A_1541 = vector.shape_cast %add3A_1533 : vector<16xi32> to vector<1x1x16xi32>
    tpu.vector_store %arg6[%swap3A_1536, %swap3A_1537, %swap3A_1538], %swap3A_1541 {strides = array<i32>} : memref<3x4x128xi32, #tpu.memory_space<vmem>>, vector<1x1x16xi32>,
    %get3A_1542 = arith.constant 7 : i32
    %get3A_1543 = arith.index_cast %get3A_1542 : i32 to index
    %get3A_1544 = arith.constant 208 : index
    %get3A_1545 = tpu.vector_load %arg5[%get3A_1543, %get3A_1544] {strides = array<i32>} : memref<8x512xf32, #tpu.memory_space<vmem>>, vector<1x16xf32>,
    %get3A_1546 = vector.shape_cast %get3A_1545 : vector<1x16xf32> to vector<16xf32>
    %add3A_1547 = arith.constant 0x4B000000 : f32
    %add3A_1548 = vector.broadcast %add3A_1547 : f32 to vector<16xf32>
    %add3A_1549 = arith.addf %get3A_1546, %add3A_1548 : vector<16xf32>
    %bitcast_convert_type3A_1550 = tpu.bitcast %add3A_1549 : vector<16xf32> -> vector<16xi32>
    %add3A_1551 = arith.constant -1258290624 : i32
    %add3A_1552 = vector.broadcast %add3A_1551 : i32 to vector<16xi32>
    %add3A_1553 = arith.addi %bitcast_convert_type3A_1550, %add3A_1552 : vector<16xi32>
    %swap3A_1554 = arith.constant 2 : i32
    %swap3A_1555 = arith.constant 1 : i32
    %swap3A_1556 = arith.index_cast %swap3A_1554 : i32 to index
    %swap3A_1557 = arith.index_cast %swap3A_1555 : i32 to index
    %swap3A_1558 = arith.constant 80 : index
    %swap3A_1559 = tpu.vector_load %arg6[%swap3A_1556, %swap3A_1557, %swap3A_1558] {strides = array<i32>} : memref<3x4x128xi32, #tpu.memory_space<vmem>>, vector<1x1x16xi32>,
    %swap3A_1560 = vector.shape_cast %swap3A_1559 : vector<1x1x16xi32> to vector<16xi32>
    %swap3A_1561 = vector.shape_cast %add3A_1553 : vector<16xi32> to vector<1x1x16xi32>
    tpu.vector_store %arg6[%swap3A_1556, %swap3A_1557, %swap3A_1558], %swap3A_1561 {strides = array<i32>} : memref<3x4x128xi32, #tpu.memory_space<vmem>>, vector<1x1x16xi32>,
    %get3A_1562 = arith.constant 7 : i32
    %get3A_1563 = arith.index_cast %get3A_1562 : i32 to index
    %get3A_1564 = arith.constant 224 : index
    %get3A_1565 = tpu.vector_load %arg5[%get3A_1563, %get3A_1564] {strides = array<i32>} : memref<8x512xf32, #tpu.memory_space<vmem>>, vector<1x16xf32>,
    %get3A_1566 = vector.shape_cast %get3A_1565 : vector<1x16xf32> to vector<16xf32>
    %add3A_1567 = arith.constant 0x4B000000 : f32
    %add3A_1568 = vector.broadcast %add3A_1567 : f32 to vector<16xf32>
    %add3A_1569 = arith.addf %get3A_1566, %add3A_1568 : vector<16xf32>
    %bitcast_convert_type3A_1570 = tpu.bitcast %add3A_1569 : vector<16xf32> -> vector<16xi32>
    %add3A_1571 = arith.constant -1258290624 : i32
    %add3A_1572 = vector.broadcast %add3A_1571 : i32 to vector<16xi32>
    %add3A_1573 = arith.addi %bitcast_convert_type3A_1570, %add3A_1572 : vector<16xi32>
    %swap3A_1574 = arith.constant 2 : i32
    %swap3A_1575 = arith.constant 1 : i32
    %swap3A_1576 = arith.index_cast %swap3A_1574 : i32 to index
    %swap3A_1577 = arith.index_cast %swap3A_1575 : i32 to index
    %swap3A_1578 = arith.constant 96 : index
    %swap3A_1579 = tpu.vector_load %arg6[%swap3A_1576, %swap3A_1577, %swap3A_1578] {strides = array<i32>} : memref<3x4x128xi32, #tpu.memory_space<vmem>>, vector<1x1x16xi32>,
    %swap3A_1580 = vector.shape_cast %swap3A_1579 : vector<1x1x16xi32> to vector<16xi32>
    %swap3A_1581 = vector.shape_cast %add3A_1573 : vector<16xi32> to vector<1x1x16xi32>
    tpu.vector_store %arg6[%swap3A_1576, %swap3A_1577, %swap3A_1578], %swap3A_1581 {strides = array<i32>} : memref<3x4x128xi32, #tpu.memory_space<vmem>>, vector<1x1x16xi32>,
    %get3A_1582 = arith.constant 7 : i32
    %get3A_1583 = arith.index_cast %get3A_1582 : i32 to index
    %get3A_1584 = arith.constant 240 : index
    %get3A_1585 = tpu.vector_load %arg5[%get3A_1583, %get3A_1584] {strides = array<i32>} : memref<8x512xf32, #tpu.memory_space<vmem>>, vector<1x16xf32>,
    %get3A_1586 = vector.shape_cast %get3A_1585 : vector<1x16xf32> to vector<16xf32>
    %add3A_1587 = arith.constant 0x4B000000 : f32
    %add3A_1588 = vector.broadcast %add3A_1587 : f32 to vector<16xf32>
    %add3A_1589 = arith.addf %get3A_1586, %add3A_1588 : vector<16xf32>
    %bitcast_convert_type3A_1590 = tpu.bitcast %add3A_1589 : vector<16xf32> -> vector<16xi32>
    %add3A_1591 = arith.constant -1258290624 : i32
    %add3A_1592 = vector.broadcast %add3A_1591 : i32 to vector<16xi32>
    %add3A_1593 = arith.addi %bitcast_convert_type3A_1590, %add3A_1592 : vector<16xi32>
    %swap3A_1594 = arith.constant 2 : i32
    %swap3A_1595 = arith.constant 1 : i32
    %swap3A_1596 = arith.index_cast %swap3A_1594 : i32 to index
    %swap3A_1597 = arith.index_cast %swap3A_1595 : i32 to index
    %swap3A_1598 = arith.constant 112 : index
    %swap3A_1599 = tpu.vector_load %arg6[%swap3A_1596, %swap3A_1597, %swap3A_1598] {strides = array<i32>} : memref<3x4x128xi32, #tpu.memory_space<vmem>>, vector<1x1x16xi32>,
    %swap3A_1600 = vector.shape_cast %swap3A_1599 : vector<1x1x16xi32> to vector<16xi32>
    %swap3A_1601 = vector.shape_cast %add3A_1593 : vector<16xi32> to vector<1x1x16xi32>
    tpu.vector_store %arg6[%swap3A_1596, %swap3A_1597, %swap3A_1598], %swap3A_1601 {strides = array<i32>} : memref<3x4x128xi32, #tpu.memory_space<vmem>>, vector<1x1x16xi32>,
    %get3A_1602 = arith.constant 7 : i32
    %get3A_1603 = arith.index_cast %get3A_1602 : i32 to index
    %get3A_1604 = arith.constant 256 : index
    %get3A_1605 = tpu.vector_load %arg5[%get3A_1603, %get3A_1604] {strides = array<i32>} : memref<8x512xf32, #tpu.memory_space<vmem>>, vector<1x16xf32>,
    %get3A_1606 = vector.shape_cast %get3A_1605 : vector<1x16xf32> to vector<16xf32>
    %add3A_1607 = arith.constant 0x4B000000 : f32
    %add3A_1608 = vector.broadcast %add3A_1607 : f32 to vector<16xf32>
    %add3A_1609 = arith.addf %get3A_1606, %add3A_1608 : vector<16xf32>
    %bitcast_convert_type3A_1610 = tpu.bitcast %add3A_1609 : vector<16xf32> -> vector<16xi32>
    %add3A_1611 = arith.constant -1258290624 : i32
    %add3A_1612 = vector.broadcast %add3A_1611 : i32 to vector<16xi32>
    %add3A_1613 = arith.addi %bitcast_convert_type3A_1610, %add3A_1612 : vector<16xi32>
    %swap3A_1614 = arith.constant 2 : i32
    %swap3A_1615 = arith.constant 2 : i32
    %swap3A_1616 = arith.index_cast %swap3A_1614 : i32 to index
    %swap3A_1617 = arith.index_cast %swap3A_1615 : i32 to index
    %swap3A_1618 = arith.constant 0 : index
    %swap3A_1619 = tpu.vector_load %arg6[%swap3A_1616, %swap3A_1617, %swap3A_1618] {strides = array<i32>} : memref<3x4x128xi32, #tpu.memory_space<vmem>>, vector<1x1x16xi32>,
    %swap3A_1620 = vector.shape_cast %swap3A_1619 : vector<1x1x16xi32> to vector<16xi32>
    %swap3A_1621 = vector.shape_cast %add3A_1613 : vector<16xi32> to vector<1x1x16xi32>
    tpu.vector_store %arg6[%swap3A_1616, %swap3A_1617, %swap3A_1618], %swap3A_1621 {strides = array<i32>} : memref<3x4x128xi32, #tpu.memory_space<vmem>>, vector<1x1x16xi32>,
    %get3A_1622 = arith.constant 7 : i32
    %get3A_1623 = arith.index_cast %get3A_1622 : i32 to index
    %get3A_1624 = arith.constant 272 : index
    %get3A_1625 = tpu.vector_load %arg5[%get3A_1623, %get3A_1624] {strides = array<i32>} : memref<8x512xf32, #tpu.memory_space<vmem>>, vector<1x16xf32>,
    %get3A_1626 = vector.shape_cast %get3A_1625 : vector<1x16xf32> to vector<16xf32>
    %add3A_1627 = arith.constant 0x4B000000 : f32
    %add3A_1628 = vector.broadcast %add3A_1627 : f32 to vector<16xf32>
    %add3A_1629 = arith.addf %get3A_1626, %add3A_1628 : vector<16xf32>
    %bitcast_convert_type3A_1630 = tpu.bitcast %add3A_1629 : vector<16xf32> -> vector<16xi32>
    %add3A_1631 = arith.constant -1258290624 : i32
    %add3A_1632 = vector.broadcast %add3A_1631 : i32 to vector<16xi32>
    %add3A_1633 = arith.addi %bitcast_convert_type3A_1630, %add3A_1632 : vector<16xi32>
    %swap3A_1634 = arith.constant 2 : i32
    %swap3A_1635 = arith.constant 2 : i32
    %swap3A_1636 = arith.index_cast %swap3A_1634 : i32 to index
    %swap3A_1637 = arith.index_cast %swap3A_1635 : i32 to index
    %swap3A_1638 = arith.constant 16 : index
    %swap3A_1639 = tpu.vector_load %arg6[%swap3A_1636, %swap3A_1637, %swap3A_1638] {strides = array<i32>} : memref<3x4x128xi32, #tpu.memory_space<vmem>>, vector<1x1x16xi32>,
    %swap3A_1640 = vector.shape_cast %swap3A_1639 : vector<1x1x16xi32> to vector<16xi32>
    %swap3A_1641 = vector.shape_cast %add3A_1633 : vector<16xi32> to vector<1x1x16xi32>
    tpu.vector_store %arg6[%swap3A_1636, %swap3A_1637, %swap3A_1638], %swap3A_1641 {strides = array<i32>} : memref<3x4x128xi32, #tpu.memory_space<vmem>>, vector<1x1x16xi32>,
    %get3A_1642 = arith.constant 7 : i32
    %get3A_1643 = arith.index_cast %get3A_1642 : i32 to index
    %get3A_1644 = arith.constant 288 : index
    %get3A_1645 = tpu.vector_load %arg5[%get3A_1643, %get3A_1644] {strides = array<i32>} : memref<8x512xf32, #tpu.memory_space<vmem>>, vector<1x16xf32>,
    %get3A_1646 = vector.shape_cast %get3A_1645 : vector<1x16xf32> to vector<16xf32>
    %add3A_1647 = arith.constant 0x4B000000 : f32
    %add3A_1648 = vector.broadcast %add3A_1647 : f32 to vector<16xf32>
    %add3A_1649 = arith.addf %get3A_1646, %add3A_1648 : vector<16xf32>
    %bitcast_convert_type3A_1650 = tpu.bitcast %add3A_1649 : vector<16xf32> -> vector<16xi32>
    %add3A_1651 = arith.constant -1258290624 : i32
    %add3A_1652 = vector.broadcast %add3A_1651 : i32 to vector<16xi32>
    %add3A_1653 = arith.addi %bitcast_convert_type3A_1650, %add3A_1652 : vector<16xi32>
    %swap3A_1654 = arith.constant 2 : i32
    %swap3A_1655 = arith.constant 2 : i32
    %swap3A_1656 = arith.index_cast %swap3A_1654 : i32 to index
    %swap3A_1657 = arith.index_cast %swap3A_1655 : i32 to index
    %swap3A_1658 = arith.constant 32 : index
    %swap3A_1659 = tpu.vector_load %arg6[%swap3A_1656, %swap3A_1657, %swap3A_1658] {strides = array<i32>} : memref<3x4x128xi32, #tpu.memory_space<vmem>>, vector<1x1x16xi32>,
    %swap3A_1660 = vector.shape_cast %swap3A_1659 : vector<1x1x16xi32> to vector<16xi32>
    %swap3A_1661 = vector.shape_cast %add3A_1653 : vector<16xi32> to vector<1x1x16xi32>
    tpu.vector_store %arg6[%swap3A_1656, %swap3A_1657, %swap3A_1658], %swap3A_1661 {strides = array<i32>} : memref<3x4x128xi32, #tpu.memory_space<vmem>>, vector<1x1x16xi32>,
    %get3A_1662 = arith.constant 7 : i32
    %get3A_1663 = arith.index_cast %get3A_1662 : i32 to index
    %get3A_1664 = arith.constant 304 : index
    %get3A_1665 = tpu.vector_load %arg5[%get3A_1663, %get3A_1664] {strides = array<i32>} : memref<8x512xf32, #tpu.memory_space<vmem>>, vector<1x16xf32>,
    %get3A_1666 = vector.shape_cast %get3A_1665 : vector<1x16xf32> to vector<16xf32>
    %add3A_1667 = arith.constant 0x4B000000 : f32
    %add3A_1668 = vector.broadcast %add3A_1667 : f32 to vector<16xf32>
    %add3A_1669 = arith.addf %get3A_1666, %add3A_1668 : vector<16xf32>
    %bitcast_convert_type3A_1670 = tpu.bitcast %add3A_1669 : vector<16xf32> -> vector<16xi32>
    %add3A_1671 = arith.constant -1258290624 : i32
    %add3A_1672 = vector.broadcast %add3A_1671 : i32 to vector<16xi32>
    %add3A_1673 = arith.addi %bitcast_convert_type3A_1670, %add3A_1672 : vector<16xi32>
    %swap3A_1674 = arith.constant 2 : i32
    %swap3A_1675 = arith.constant 2 : i32
    %swap3A_1676 = arith.index_cast %swap3A_1674 : i32 to index
    %swap3A_1677 = arith.index_cast %swap3A_1675 : i32 to index
    %swap3A_1678 = arith.constant 48 : index
    %swap3A_1679 = tpu.vector_load %arg6[%swap3A_1676, %swap3A_1677, %swap3A_1678] {strides = array<i32>} : memref<3x4x128xi32, #tpu.memory_space<vmem>>, vector<1x1x16xi32>,
    %swap3A_1680 = vector.shape_cast %swap3A_1679 : vector<1x1x16xi32> to vector<16xi32>
    %swap3A_1681 = vector.shape_cast %add3A_1673 : vector<16xi32> to vector<1x1x16xi32>
    tpu.vector_store %arg6[%swap3A_1676, %swap3A_1677, %swap3A_1678], %swap3A_1681 {strides = array<i32>} : memref<3x4x128xi32, #tpu.memory_space<vmem>>, vector<1x1x16xi32>,
    %get3A_1682 = arith.constant 7 : i32
    %get3A_1683 = arith.index_cast %get3A_1682 : i32 to index
    %get3A_1684 = arith.constant 320 : index
    %get3A_1685 = tpu.vector_load %arg5[%get3A_1683, %get3A_1684] {strides = array<i32>} : memref<8x512xf32, #tpu.memory_space<vmem>>, vector<1x16xf32>,
    %get3A_1686 = vector.shape_cast %get3A_1685 : vector<1x16xf32> to vector<16xf32>
    %add3A_1687 = arith.constant 0x4B000000 : f32
    %add3A_1688 = vector.broadcast %add3A_1687 : f32 to vector<16xf32>
    %add3A_1689 = arith.addf %get3A_1686, %add3A_1688 : vector<16xf32>
    %bitcast_convert_type3A_1690 = tpu.bitcast %add3A_1689 : vector<16xf32> -> vector<16xi32>
    %add3A_1691 = arith.constant -1258290624 : i32
    %add3A_1692 = vector.broadcast %add3A_1691 : i32 to vector<16xi32>
    %add3A_1693 = arith.addi %bitcast_convert_type3A_1690, %add3A_1692 : vector<16xi32>
    %swap3A_1694 = arith.constant 2 : i32
    %swap3A_1695 = arith.constant 2 : i32
    %swap3A_1696 = arith.index_cast %swap3A_1694 : i32 to index
    %swap3A_1697 = arith.index_cast %swap3A_1695 : i32 to index
    %swap3A_1698 = arith.constant 64 : index
    %swap3A_1699 = tpu.vector_load %arg6[%swap3A_1696, %swap3A_1697, %swap3A_1698] {strides = array<i32>} : memref<3x4x128xi32, #tpu.memory_space<vmem>>, vector<1x1x16xi32>,
    %swap3A_1700 = vector.shape_cast %swap3A_1699 : vector<1x1x16xi32> to vector<16xi32>
    %swap3A_1701 = vector.shape_cast %add3A_1693 : vector<16xi32> to vector<1x1x16xi32>
    tpu.vector_store %arg6[%swap3A_1696, %swap3A_1697, %swap3A_1698], %swap3A_1701 {strides = array<i32>} : memref<3x4x128xi32, #tpu.memory_space<vmem>>, vector<1x1x16xi32>,
    %get3A_1702 = arith.constant 7 : i32
    %get3A_1703 = arith.index_cast %get3A_1702 : i32 to index
    %get3A_1704 = arith.constant 336 : index
    %get3A_1705 = tpu.vector_load %arg5[%get3A_1703, %get3A_1704] {strides = array<i32>} : memref<8x512xf32, #tpu.memory_space<vmem>>, vector<1x16xf32>,
    %get3A_1706 = vector.shape_cast %get3A_1705 : vector<1x16xf32> to vector<16xf32>
    %add3A_1707 = arith.constant 0x4B000000 : f32
    %add3A_1708 = vector.broadcast %add3A_1707 : f32 to vector<16xf32>
    %add3A_1709 = arith.addf %get3A_1706, %add3A_1708 : vector<16xf32>
    %bitcast_convert_type3A_1710 = tpu.bitcast %add3A_1709 : vector<16xf32> -> vector<16xi32>
    %add3A_1711 = arith.constant -1258290624 : i32
    %add3A_1712 = vector.broadcast %add3A_1711 : i32 to vector<16xi32>
    %add3A_1713 = arith.addi %bitcast_convert_type3A_1710, %add3A_1712 : vector<16xi32>
    %swap3A_1714 = arith.constant 2 : i32
    %swap3A_1715 = arith.constant 2 : i32
    %swap3A_1716 = arith.index_cast %swap3A_1714 : i32 to index
    %swap3A_1717 = arith.index_cast %swap3A_1715 : i32 to index
    %swap3A_1718 = arith.constant 80 : index
    %swap3A_1719 = tpu.vector_load %arg6[%swap3A_1716, %swap3A_1717, %swap3A_1718] {strides = array<i32>} : memref<3x4x128xi32, #tpu.memory_space<vmem>>, vector<1x1x16xi32>,
    %swap3A_1720 = vector.shape_cast %swap3A_1719 : vector<1x1x16xi32> to vector<16xi32>
    %swap3A_1721 = vector.shape_cast %add3A_1713 : vector<16xi32> to vector<1x1x16xi32>
    tpu.vector_store %arg6[%swap3A_1716, %swap3A_1717, %swap3A_1718], %swap3A_1721 {strides = array<i32>} : memref<3x4x128xi32, #tpu.memory_space<vmem>>, vector<1x1x16xi32>,
    %get3A_1722 = arith.constant 7 : i32
    %get3A_1723 = arith.index_cast %get3A_1722 : i32 to index
    %get3A_1724 = arith.constant 352 : index
    %get3A_1725 = tpu.vector_load %arg5[%get3A_1723, %get3A_1724] {strides = array<i32>} : memref<8x512xf32, #tpu.memory_space<vmem>>, vector<1x16xf32>,
    %get3A_1726 = vector.shape_cast %get3A_1725 : vector<1x16xf32> to vector<16xf32>
    %add3A_1727 = arith.constant 0x4B000000 : f32
    %add3A_1728 = vector.broadcast %add3A_1727 : f32 to vector<16xf32>
    %add3A_1729 = arith.addf %get3A_1726, %add3A_1728 : vector<16xf32>
    %bitcast_convert_type3A_1730 = tpu.bitcast %add3A_1729 : vector<16xf32> -> vector<16xi32>
    %add3A_1731 = arith.constant -1258290624 : i32
    %add3A_1732 = vector.broadcast %add3A_1731 : i32 to vector<16xi32>
    %add3A_1733 = arith.addi %bitcast_convert_type3A_1730, %add3A_1732 : vector<16xi32>
    %swap3A_1734 = arith.constant 2 : i32
    %swap3A_1735 = arith.constant 2 : i32
    %swap3A_1736 = arith.index_cast %swap3A_1734 : i32 to index
    %swap3A_1737 = arith.index_cast %swap3A_1735 : i32 to index
    %swap3A_1738 = arith.constant 96 : index
    %swap3A_1739 = tpu.vector_load %arg6[%swap3A_1736, %swap3A_1737, %swap3A_1738] {strides = array<i32>} : memref<3x4x128xi32, #tpu.memory_space<vmem>>, vector<1x1x16xi32>,
    %swap3A_1740 = vector.shape_cast %swap3A_1739 : vector<1x1x16xi32> to vector<16xi32>
    %swap3A_1741 = vector.shape_cast %add3A_1733 : vector<16xi32> to vector<1x1x16xi32>
    tpu.vector_store %arg6[%swap3A_1736, %swap3A_1737, %swap3A_1738], %swap3A_1741 {strides = array<i32>} : memref<3x4x128xi32, #tpu.memory_space<vmem>>, vector<1x1x16xi32>,
    %get3A_1742 = arith.constant 7 : i32
    %get3A_1743 = arith.index_cast %get3A_1742 : i32 to index
    %get3A_1744 = arith.constant 368 : index
    %get3A_1745 = tpu.vector_load %arg5[%get3A_1743, %get3A_1744] {strides = array<i32>} : memref<8x512xf32, #tpu.memory_space<vmem>>, vector<1x16xf32>,
    %get3A_1746 = vector.shape_cast %get3A_1745 : vector<1x16xf32> to vector<16xf32>
    %add3A_1747 = arith.constant 0x4B000000 : f32
    %add3A_1748 = vector.broadcast %add3A_1747 : f32 to vector<16xf32>
    %add3A_1749 = arith.addf %get3A_1746, %add3A_1748 : vector<16xf32>
    %bitcast_convert_type3A_1750 = tpu.bitcast %add3A_1749 : vector<16xf32> -> vector<16xi32>
    %add3A_1751 = arith.constant -1258290624 : i32
    %add3A_1752 = vector.broadcast %add3A_1751 : i32 to vector<16xi32>
    %add3A_1753 = arith.addi %bitcast_convert_type3A_1750, %add3A_1752 : vector<16xi32>
    %swap3A_1754 = arith.constant 2 : i32
    %swap3A_1755 = arith.constant 2 : i32
    %swap3A_1756 = arith.index_cast %swap3A_1754 : i32 to index
    %swap3A_1757 = arith.index_cast %swap3A_1755 : i32 to index
    %swap3A_1758 = arith.constant 112 : index
    %swap3A_1759 = tpu.vector_load %arg6[%swap3A_1756, %swap3A_1757, %swap3A_1758] {strides = array<i32>} : memref<3x4x128xi32, #tpu.memory_space<vmem>>, vector<1x1x16xi32>,
    %swap3A_1760 = vector.shape_cast %swap3A_1759 : vector<1x1x16xi32> to vector<16xi32>
    %swap3A_1761 = vector.shape_cast %add3A_1753 : vector<16xi32> to vector<1x1x16xi32>
    tpu.vector_store %arg6[%swap3A_1756, %swap3A_1757, %swap3A_1758], %swap3A_1761 {strides = array<i32>} : memref<3x4x128xi32, #tpu.memory_space<vmem>>, vector<1x1x16xi32>,
    %get3A_1762 = arith.constant 7 : i32
    %get3A_1763 = arith.index_cast %get3A_1762 : i32 to index
    %get3A_1764 = arith.constant 384 : index
    %get3A_1765 = tpu.vector_load %arg5[%get3A_1763, %get3A_1764] {strides = array<i32>} : memref<8x512xf32, #tpu.memory_space<vmem>>, vector<1x16xf32>,
    %get3A_1766 = vector.shape_cast %get3A_1765 : vector<1x16xf32> to vector<16xf32>
    %add3A_1767 = arith.constant 0x4B000000 : f32
    %add3A_1768 = vector.broadcast %add3A_1767 : f32 to vector<16xf32>
    %add3A_1769 = arith.addf %get3A_1766, %add3A_1768 : vector<16xf32>
    %bitcast_convert_type3A_1770 = tpu.bitcast %add3A_1769 : vector<16xf32> -> vector<16xi32>
    %add3A_1771 = arith.constant -1258290624 : i32
    %add3A_1772 = vector.broadcast %add3A_1771 : i32 to vector<16xi32>
    %add3A_1773 = arith.addi %bitcast_convert_type3A_1770, %add3A_1772 : vector<16xi32>
    %swap3A_1774 = arith.constant 2 : i32
    %swap3A_1775 = arith.constant 3 : i32
    %swap3A_1776 = arith.index_cast %swap3A_1774 : i32 to index
    %swap3A_1777 = arith.index_cast %swap3A_1775 : i32 to index
    %swap3A_1778 = arith.constant 0 : index
    %swap3A_1779 = tpu.vector_load %arg6[%swap3A_1776, %swap3A_1777, %swap3A_1778] {strides = array<i32>} : memref<3x4x128xi32, #tpu.memory_space<vmem>>, vector<1x1x16xi32>,
    %swap3A_1780 = vector.shape_cast %swap3A_1779 : vector<1x1x16xi32> to vector<16xi32>
    %swap3A_1781 = vector.shape_cast %add3A_1773 : vector<16xi32> to vector<1x1x16xi32>
    tpu.vector_store %arg6[%swap3A_1776, %swap3A_1777, %swap3A_1778], %swap3A_1781 {strides = array<i32>} : memref<3x4x128xi32, #tpu.memory_space<vmem>>, vector<1x1x16xi32>,
    %get3A_1782 = arith.constant 7 : i32
    %get3A_1783 = arith.index_cast %get3A_1782 : i32 to index
    %get3A_1784 = arith.constant 400 : index
    %get3A_1785 = tpu.vector_load %arg5[%get3A_1783, %get3A_1784] {strides = array<i32>} : memref<8x512xf32, #tpu.memory_space<vmem>>, vector<1x16xf32>,
    %get3A_1786 = vector.shape_cast %get3A_1785 : vector<1x16xf32> to vector<16xf32>
    %add3A_1787 = arith.constant 0x4B000000 : f32
    %add3A_1788 = vector.broadcast %add3A_1787 : f32 to vector<16xf32>
    %add3A_1789 = arith.addf %get3A_1786, %add3A_1788 : vector<16xf32>
    %bitcast_convert_type3A_1790 = tpu.bitcast %add3A_1789 : vector<16xf32> -> vector<16xi32>
    %add3A_1791 = arith.constant -1258290624 : i32
    %add3A_1792 = vector.broadcast %add3A_1791 : i32 to vector<16xi32>
    %add3A_1793 = arith.addi %bitcast_convert_type3A_1790, %add3A_1792 : vector<16xi32>
    %swap3A_1794 = arith.constant 2 : i32
    %swap3A_1795 = arith.constant 3 : i32
    %swap3A_1796 = arith.index_cast %swap3A_1794 : i32 to index
    %swap3A_1797 = arith.index_cast %swap3A_1795 : i32 to index
    %swap3A_1798 = arith.constant 16 : index
    %swap3A_1799 = tpu.vector_load %arg6[%swap3A_1796, %swap3A_1797, %swap3A_1798] {strides = array<i32>} : memref<3x4x128xi32, #tpu.memory_space<vmem>>, vector<1x1x16xi32>,
    %swap3A_1800 = vector.shape_cast %swap3A_1799 : vector<1x1x16xi32> to vector<16xi32>
    %swap3A_1801 = vector.shape_cast %add3A_1793 : vector<16xi32> to vector<1x1x16xi32>
    tpu.vector_store %arg6[%swap3A_1796, %swap3A_1797, %swap3A_1798], %swap3A_1801 {strides = array<i32>} : memref<3x4x128xi32, #tpu.memory_space<vmem>>, vector<1x1x16xi32>,
    %get3A_1802 = arith.constant 7 : i32
    %get3A_1803 = arith.index_cast %get3A_1802 : i32 to index
    %get3A_1804 = arith.constant 416 : index
    %get3A_1805 = tpu.vector_load %arg5[%get3A_1803, %get3A_1804] {strides = array<i32>} : memref<8x512xf32, #tpu.memory_space<vmem>>, vector<1x16xf32>,
    %get3A_1806 = vector.shape_cast %get3A_1805 : vector<1x16xf32> to vector<16xf32>
    %add3A_1807 = arith.constant 0x4B000000 : f32
    %add3A_1808 = vector.broadcast %add3A_1807 : f32 to vector<16xf32>
    %add3A_1809 = arith.addf %get3A_1806, %add3A_1808 : vector<16xf32>
    %bitcast_convert_type3A_1810 = tpu.bitcast %add3A_1809 : vector<16xf32> -> vector<16xi32>
    %add3A_1811 = arith.constant -1258290624 : i32
    %add3A_1812 = vector.broadcast %add3A_1811 : i32 to vector<16xi32>
    %add3A_1813 = arith.addi %bitcast_convert_type3A_1810, %add3A_1812 : vector<16xi32>
    %swap3A_1814 = arith.constant 2 : i32
    %swap3A_1815 = arith.constant 3 : i32
    %swap3A_1816 = arith.index_cast %swap3A_1814 : i32 to index
    %swap3A_1817 = arith.index_cast %swap3A_1815 : i32 to index
    %swap3A_1818 = arith.constant 32 : index
    %swap3A_1819 = tpu.vector_load %arg6[%swap3A_1816, %swap3A_1817, %swap3A_1818] {strides = array<i32>} : memref<3x4x128xi32, #tpu.memory_space<vmem>>, vector<1x1x16xi32>,
    %swap3A_1820 = vector.shape_cast %swap3A_1819 : vector<1x1x16xi32> to vector<16xi32>
    %swap3A_1821 = vector.shape_cast %add3A_1813 : vector<16xi32> to vector<1x1x16xi32>
    tpu.vector_store %arg6[%swap3A_1816, %swap3A_1817, %swap3A_1818], %swap3A_1821 {strides = array<i32>} : memref<3x4x128xi32, #tpu.memory_space<vmem>>, vector<1x1x16xi32>,
    %get3A_1822 = arith.constant 7 : i32
    %get3A_1823 = arith.index_cast %get3A_1822 : i32 to index
    %get3A_1824 = arith.constant 432 : index
    %get3A_1825 = tpu.vector_load %arg5[%get3A_1823, %get3A_1824] {strides = array<i32>} : memref<8x512xf32, #tpu.memory_space<vmem>>, vector<1x16xf32>,
    %get3A_1826 = vector.shape_cast %get3A_1825 : vector<1x16xf32> to vector<16xf32>
    %add3A_1827 = arith.constant 0x4B000000 : f32
    %add3A_1828 = vector.broadcast %add3A_1827 : f32 to vector<16xf32>
    %add3A_1829 = arith.addf %get3A_1826, %add3A_1828 : vector<16xf32>
    %bitcast_convert_type3A_1830 = tpu.bitcast %add3A_1829 : vector<16xf32> -> vector<16xi32>
    %add3A_1831 = arith.constant -1258290624 : i32
    %add3A_1832 = vector.broadcast %add3A_1831 : i32 to vector<16xi32>
    %add3A_1833 = arith.addi %bitcast_convert_type3A_1830, %add3A_1832 : vector<16xi32>
    %swap3A_1834 = arith.constant 2 : i32
    %swap3A_1835 = arith.constant 3 : i32
    %swap3A_1836 = arith.index_cast %swap3A_1834 : i32 to index
    %swap3A_1837 = arith.index_cast %swap3A_1835 : i32 to index
    %swap3A_1838 = arith.constant 48 : index
    %swap3A_1839 = tpu.vector_load %arg6[%swap3A_1836, %swap3A_1837, %swap3A_1838] {strides = array<i32>} : memref<3x4x128xi32, #tpu.memory_space<vmem>>, vector<1x1x16xi32>,
    %swap3A_1840 = vector.shape_cast %swap3A_1839 : vector<1x1x16xi32> to vector<16xi32>
    %swap3A_1841 = vector.shape_cast %add3A_1833 : vector<16xi32> to vector<1x1x16xi32>
    tpu.vector_store %arg6[%swap3A_1836, %swap3A_1837, %swap3A_1838], %swap3A_1841 {strides = array<i32>} : memref<3x4x128xi32, #tpu.memory_space<vmem>>, vector<1x1x16xi32>,
    %get3A_1842 = arith.constant 7 : i32
    %get3A_1843 = arith.index_cast %get3A_1842 : i32 to index
    %get3A_1844 = arith.constant 448 : index
    %get3A_1845 = tpu.vector_load %arg5[%get3A_1843, %get3A_1844] {strides = array<i32>} : memref<8x512xf32, #tpu.memory_space<vmem>>, vector<1x16xf32>,
    %get3A_1846 = vector.shape_cast %get3A_1845 : vector<1x16xf32> to vector<16xf32>
    %add3A_1847 = arith.constant 0x4B000000 : f32
    %add3A_1848 = vector.broadcast %add3A_1847 : f32 to vector<16xf32>
    %add3A_1849 = arith.addf %get3A_1846, %add3A_1848 : vector<16xf32>
    %bitcast_convert_type3A_1850 = tpu.bitcast %add3A_1849 : vector<16xf32> -> vector<16xi32>
    %add3A_1851 = arith.constant -1258290624 : i32
    %add3A_1852 = vector.broadcast %add3A_1851 : i32 to vector<16xi32>
    %add3A_1853 = arith.addi %bitcast_convert_type3A_1850, %add3A_1852 : vector<16xi32>
    %swap3A_1854 = arith.constant 2 : i32
    %swap3A_1855 = arith.constant 3 : i32
    %swap3A_1856 = arith.index_cast %swap3A_1854 : i32 to index
    %swap3A_1857 = arith.index_cast %swap3A_1855 : i32 to index
    %swap3A_1858 = arith.constant 64 : index
    %swap3A_1859 = tpu.vector_load %arg6[%swap3A_1856, %swap3A_1857, %swap3A_1858] {strides = array<i32>} : memref<3x4x128xi32, #tpu.memory_space<vmem>>, vector<1x1x16xi32>,
    %swap3A_1860 = vector.shape_cast %swap3A_1859 : vector<1x1x16xi32> to vector<16xi32>
    %swap3A_1861 = vector.shape_cast %add3A_1853 : vector<16xi32> to vector<1x1x16xi32>
    tpu.vector_store %arg6[%swap3A_1856, %swap3A_1857, %swap3A_1858], %swap3A_1861 {strides = array<i32>} : memref<3x4x128xi32, #tpu.memory_space<vmem>>, vector<1x1x16xi32>,
    %get3A_1862 = arith.constant 7 : i32
    %get3A_1863 = arith.index_cast %get3A_1862 : i32 to index
    %get3A_1864 = arith.constant 464 : index
    %get3A_1865 = tpu.vector_load %arg5[%get3A_1863, %get3A_1864] {strides = array<i32>} : memref<8x512xf32, #tpu.memory_space<vmem>>, vector<1x16xf32>,
    %get3A_1866 = vector.shape_cast %get3A_1865 : vector<1x16xf32> to vector<16xf32>
    %add3A_1867 = arith.constant 0x4B000000 : f32
    %add3A_1868 = vector.broadcast %add3A_1867 : f32 to vector<16xf32>
    %add3A_1869 = arith.addf %get3A_1866, %add3A_1868 : vector<16xf32>
    %bitcast_convert_type3A_1870 = tpu.bitcast %add3A_1869 : vector<16xf32> -> vector<16xi32>
    %add3A_1871 = arith.constant -1258290624 : i32
    %add3A_1872 = vector.broadcast %add3A_1871 : i32 to vector<16xi32>
    %add3A_1873 = arith.addi %bitcast_convert_type3A_1870, %add3A_1872 : vector<16xi32>
    %swap3A_1874 = arith.constant 2 : i32
    %swap3A_1875 = arith.constant 3 : i32
    %swap3A_1876 = arith.index_cast %swap3A_1874 : i32 to index
    %swap3A_1877 = arith.index_cast %swap3A_1875 : i32 to index
    %swap3A_1878 = arith.constant 80 : index
    %swap3A_1879 = tpu.vector_load %arg6[%swap3A_1876, %swap3A_1877, %swap3A_1878] {strides = array<i32>} : memref<3x4x128xi32, #tpu.memory_space<vmem>>, vector<1x1x16xi32>,
    %swap3A_1880 = vector.shape_cast %swap3A_1879 : vector<1x1x16xi32> to vector<16xi32>
    %swap3A_1881 = vector.shape_cast %add3A_1873 : vector<16xi32> to vector<1x1x16xi32>
    tpu.vector_store %arg6[%swap3A_1876, %swap3A_1877, %swap3A_1878], %swap3A_1881 {strides = array<i32>} : memref<3x4x128xi32, #tpu.memory_space<vmem>>, vector<1x1x16xi32>,
    %get3A_1882 = arith.constant 7 : i32
    %get3A_1883 = arith.index_cast %get3A_1882 : i32 to index
    %get3A_1884 = arith.constant 480 : index
    %get3A_1885 = tpu.vector_load %arg5[%get3A_1883, %get3A_1884] {strides = array<i32>} : memref<8x512xf32, #tpu.memory_space<vmem>>, vector<1x16xf32>,
    %get3A_1886 = vector.shape_cast %get3A_1885 : vector<1x16xf32> to vector<16xf32>
    %add3A_1887 = arith.constant 0x4B000000 : f32
    %add3A_1888 = vector.broadcast %add3A_1887 : f32 to vector<16xf32>
    %add3A_1889 = arith.addf %get3A_1886, %add3A_1888 : vector<16xf32>
    %bitcast_convert_type3A_1890 = tpu.bitcast %add3A_1889 : vector<16xf32> -> vector<16xi32>
    %add3A_1891 = arith.constant -1258290624 : i32
    %add3A_1892 = vector.broadcast %add3A_1891 : i32 to vector<16xi32>
    %add3A_1893 = arith.addi %bitcast_convert_type3A_1890, %add3A_1892 : vector<16xi32>
    %swap3A_1894 = arith.constant 2 : i32
    %swap3A_1895 = arith.constant 3 : i32
    %swap3A_1896 = arith.index_cast %swap3A_1894 : i32 to index
    %swap3A_1897 = arith.index_cast %swap3A_1895 : i32 to index
    %swap3A_1898 = arith.constant 96 : index
    %swap3A_1899 = tpu.vector_load %arg6[%swap3A_1896, %swap3A_1897, %swap3A_1898] {strides = array<i32>} : memref<3x4x128xi32, #tpu.memory_space<vmem>>, vector<1x1x16xi32>,
    %swap3A_1900 = vector.shape_cast %swap3A_1899 : vector<1x1x16xi32> to vector<16xi32>
    %swap3A_1901 = vector.shape_cast %add3A_1893 : vector<16xi32> to vector<1x1x16xi32>
    tpu.vector_store %arg6[%swap3A_1896, %swap3A_1897, %swap3A_1898], %swap3A_1901 {strides = array<i32>} : memref<3x4x128xi32, #tpu.memory_space<vmem>>, vector<1x1x16xi32>,
    %get3A_1902 = arith.constant 7 : i32
    %get3A_1903 = arith.index_cast %get3A_1902 : i32 to index
    %get3A_1904 = arith.constant 496 : index
    %get3A_1905 = tpu.vector_load %arg5[%get3A_1903, %get3A_1904] {strides = array<i32>} : memref<8x512xf32, #tpu.memory_space<vmem>>, vector<1x16xf32>,
    %get3A_1906 = vector.shape_cast %get3A_1905 : vector<1x16xf32> to vector<16xf32>
    %add3A_1907 = arith.constant 0x4B000000 : f32
    %add3A_1908 = vector.broadcast %add3A_1907 : f32 to vector<16xf32>
    %add3A_1909 = arith.addf %get3A_1906, %add3A_1908 : vector<16xf32>
    %bitcast_convert_type3A_1910 = tpu.bitcast %add3A_1909 : vector<16xf32> -> vector<16xi32>
    %add3A_1911 = arith.constant -1258290624 : i32
    %add3A_1912 = vector.broadcast %add3A_1911 : i32 to vector<16xi32>
    %add3A_1913 = arith.addi %bitcast_convert_type3A_1910, %add3A_1912 : vector<16xi32>
    %swap3A_1914 = arith.constant 2 : i32
    %swap3A_1915 = arith.constant 3 : i32
    %swap3A_1916 = arith.index_cast %swap3A_1914 : i32 to index
    %swap3A_1917 = arith.index_cast %swap3A_1915 : i32 to index
    %swap3A_1918 = arith.constant 112 : index
    %swap3A_1919 = tpu.vector_load %arg6[%swap3A_1916, %swap3A_1917, %swap3A_1918] {strides = array<i32>} : memref<3x4x128xi32, #tpu.memory_space<vmem>>, vector<1x1x16xi32>,
    %swap3A_1920 = vector.shape_cast %swap3A_1919 : vector<1x1x16xi32> to vector<16xi32>
    %swap3A_1921 = vector.shape_cast %add3A_1913 : vector<16xi32> to vector<1x1x16xi32>
    tpu.vector_store %arg6[%swap3A_1916, %swap3A_1917, %swap3A_1918], %swap3A_1921 {strides = array<i32>} : memref<3x4x128xi32, #tpu.memory_space<vmem>>, vector<1x1x16xi32>,
    %eq3A_1922 = arith.constant 0 : i32
    %eq3A_1923 = arith.cmpi eq, %arg1, %eq3A_1922 : i32
    %convert_element_type3A_1924 = arith.extui %eq3A_1923 : i1 to i32
    %cond3A_1925 = arith.constant 0 : i32
    %cond3A_1926 = arith.cmpi ne, %convert_element_type3A_1924, %cond3A_1925 : i32
    scf.if %cond3A_1926 {
      tpu.wait_dma2 semaphore(%arg11 : memref<!tpu.dma_semaphore, #tpu.memory_space<semaphore_mem>>) src(%arg2 : memref<864x128xf32, #tpu.memory_space<hbm>>) dst(%arg8 : memref<864x128xf32, #tpu.memory_space<vmem_shared>>)
    } else {
    }
    %barrier3A = arith.constant 0 : index
    tpu.barrier barrier_id(%barrier3A)
    %dma_start3A = arith.constant 0 : i32
    %dma_start3A_1927 = arith.constant 0 : i32
    %dma_start3A_1928 = arith.constant 0 : i32
    %dma_start3A_1929 = arith.constant 0 : i32
    %dma_start3A_1930 = arith.constant 0 : i32
    %dma_start3A_1931 = tpu.memref_slice %arg7[%dma_start3A_1929, %dma_start3A_1930] : memref<512x128xf32, #tpu.memory_space<vmem>> -> memref<128x128xf32, #tpu.memory_space<vmem>>
    %dma_start3A_1932 = arith.constant 0 : i32
    %dma_start3A_1933 = tpu.memref_slice %arg6[%dma_start3A, %dma_start3A_1927, %dma_start3A_1932] : memref<3x4x128xi32, #tpu.memory_space<vmem>> -> memref<1x1x128xi32, #tpu.memory_space<vmem>>
    %dma_start3A_1934 = tpu.memref_squeeze %dma_start3A_1933 : memref<1x1x128xi32, #tpu.memory_space<vmem>> -> memref<128xi32, #tpu.memory_space<vmem>>
    %dma_start3A_1935 = arith.constant 0 : i32
    %dma_start3A_1936 = arith.constant 0 : i32
    %dma_start3A_1937 = tpu.memref_slice %arg8[%dma_start3A_1935, %dma_start3A_1936] : memref<864x128xf32, #tpu.memory_space<vmem_shared>> -> memref<864x128xf32, #tpu.memory_space<vmem_shared>>
    %dma_start3A_1938 = tpu.memref_slice %arg9[%dma_start3A_1928] : memref<4x!tpu.dma_semaphore, #tpu.memory_space<semaphore_mem>> -> memref<1x!tpu.dma_semaphore, #tpu.memory_space<semaphore_mem>>
    %dma_start3A_1939 = tpu.memref_squeeze %dma_start3A_1938 : memref<1x!tpu.dma_semaphore, #tpu.memory_space<semaphore_mem>> -> memref<!tpu.dma_semaphore, #tpu.memory_space<semaphore_mem>>
    tpu.enqueue_indirect_dma source(%dma_start3A_1937 : memref<864x128xf32, #tpu.memory_space<vmem_shared>>) target(%dma_start3A_1931 : memref<128x128xf32, #tpu.memory_space<vmem>>) offsets(%dma_start3A_1934 : memref<128xi32, #tpu.memory_space<vmem>>) semaphore(%dma_start3A_1939 : memref<!tpu.dma_semaphore, #tpu.memory_space<semaphore_mem>>)
    %dma_start3A_1940 = arith.constant 0 : i32
    %dma_start3A_1941 = arith.constant 1 : i32
    %dma_start3A_1942 = arith.constant 1 : i32
    %dma_start3A_1943 = arith.constant 128 : i32
    %dma_start3A_1944 = arith.constant 0 : i32
    %dma_start3A_1945 = tpu.memref_slice %arg7[%dma_start3A_1943, %dma_start3A_1944] : memref<512x128xf32, #tpu.memory_space<vmem>> -> memref<128x128xf32, #tpu.memory_space<vmem>>
    %dma_start3A_1946 = arith.constant 0 : i32
    %dma_start3A_1947 = tpu.memref_slice %arg6[%dma_start3A_1940, %dma_start3A_1941, %dma_start3A_1946] : memref<3x4x128xi32, #tpu.memory_space<vmem>> -> memref<1x1x128xi32, #tpu.memory_space<vmem>>
    %dma_start3A_1948 = tpu.memref_squeeze %dma_start3A_1947 : memref<1x1x128xi32, #tpu.memory_space<vmem>> -> memref<128xi32, #tpu.memory_space<vmem>>
    %dma_start3A_1949 = arith.constant 0 : i32
    %dma_start3A_1950 = arith.constant 0 : i32
    %dma_start3A_1951 = tpu.memref_slice %arg8[%dma_start3A_1949, %dma_start3A_1950] : memref<864x128xf32, #tpu.memory_space<vmem_shared>> -> memref<864x128xf32, #tpu.memory_space<vmem_shared>>
    %dma_start3A_1952 = tpu.memref_slice %arg9[%dma_start3A_1942] : memref<4x!tpu.dma_semaphore, #tpu.memory_space<semaphore_mem>> -> memref<1x!tpu.dma_semaphore, #tpu.memory_space<semaphore_mem>>
    %dma_start3A_1953 = tpu.memref_squeeze %dma_start3A_1952 : memref<1x!tpu.dma_semaphore, #tpu.memory_space<semaphore_mem>> -> memref<!tpu.dma_semaphore, #tpu.memory_space<semaphore_mem>>
    tpu.enqueue_indirect_dma source(%dma_start3A_1951 : memref<864x128xf32, #tpu.memory_space<vmem_shared>>) target(%dma_start3A_1945 : memref<128x128xf32, #tpu.memory_space<vmem>>) offsets(%dma_start3A_1948 : memref<128xi32, #tpu.memory_space<vmem>>) semaphore(%dma_start3A_1953 : memref<!tpu.dma_semaphore, #tpu.memory_space<semaphore_mem>>)
    %dma_start3A_1954 = arith.constant 0 : i32
    %dma_start3A_1955 = arith.constant 2 : i32
    %dma_start3A_1956 = arith.constant 2 : i32
    %dma_start3A_1957 = arith.constant 256 : i32
    %dma_start3A_1958 = arith.constant 0 : i32
    %dma_start3A_1959 = tpu.memref_slice %arg7[%dma_start3A_1957, %dma_start3A_1958] : memref<512x128xf32, #tpu.memory_space<vmem>> -> memref<128x128xf32, #tpu.memory_space<vmem>>
    %dma_start3A_1960 = arith.constant 0 : i32
    %dma_start3A_1961 = tpu.memref_slice %arg6[%dma_start3A_1954, %dma_start3A_1955, %dma_start3A_1960] : memref<3x4x128xi32, #tpu.memory_space<vmem>> -> memref<1x1x128xi32, #tpu.memory_space<vmem>>
    %dma_start3A_1962 = tpu.memref_squeeze %dma_start3A_1961 : memref<1x1x128xi32, #tpu.memory_space<vmem>> -> memref<128xi32, #tpu.memory_space<vmem>>
    %dma_start3A_1963 = arith.constant 0 : i32
    %dma_start3A_1964 = arith.constant 0 : i32
    %dma_start3A_1965 = tpu.memref_slice %arg8[%dma_start3A_1963, %dma_start3A_1964] : memref<864x128xf32, #tpu.memory_space<vmem_shared>> -> memref<864x128xf32, #tpu.memory_space<vmem_shared>>
    %dma_start3A_1966 = tpu.memref_slice %arg9[%dma_start3A_1956] : memref<4x!tpu.dma_semaphore, #tpu.memory_space<semaphore_mem>> -> memref<1x!tpu.dma_semaphore, #tpu.memory_space<semaphore_mem>>
    %dma_start3A_1967 = tpu.memref_squeeze %dma_start3A_1966 : memref<1x!tpu.dma_semaphore, #tpu.memory_space<semaphore_mem>> -> memref<!tpu.dma_semaphore, #tpu.memory_space<semaphore_mem>>
    tpu.enqueue_indirect_dma source(%dma_start3A_1965 : memref<864x128xf32, #tpu.memory_space<vmem_shared>>) target(%dma_start3A_1959 : memref<128x128xf32, #tpu.memory_space<vmem>>) offsets(%dma_start3A_1962 : memref<128xi32, #tpu.memory_space<vmem>>) semaphore(%dma_start3A_1967 : memref<!tpu.dma_semaphore, #tpu.memory_space<semaphore_mem>>)
    %dma_start3A_1968 = arith.constant 0 : i32
    %dma_start3A_1969 = arith.constant 3 : i32
    %dma_start3A_1970 = arith.constant 3 : i32
    %dma_start3A_1971 = arith.constant 384 : i32
    %dma_start3A_1972 = arith.constant 0 : i32
    %dma_start3A_1973 = tpu.memref_slice %arg7[%dma_start3A_1971, %dma_start3A_1972] : memref<512x128xf32, #tpu.memory_space<vmem>> -> memref<128x128xf32, #tpu.memory_space<vmem>>
    %dma_start3A_1974 = arith.constant 0 : i32
    %dma_start3A_1975 = tpu.memref_slice %arg6[%dma_start3A_1968, %dma_start3A_1969, %dma_start3A_1974] : memref<3x4x128xi32, #tpu.memory_space<vmem>> -> memref<1x1x128xi32, #tpu.memory_space<vmem>>
    %dma_start3A_1976 = tpu.memref_squeeze %dma_start3A_1975 : memref<1x1x128xi32, #tpu.memory_space<vmem>> -> memref<128xi32, #tpu.memory_space<vmem>>
    %dma_start3A_1977 = arith.constant 0 : i32
    %dma_start3A_1978 = arith.constant 0 : i32
    %dma_start3A_1979 = tpu.memref_slice %arg8[%dma_start3A_1977, %dma_start3A_1978] : memref<864x128xf32, #tpu.memory_space<vmem_shared>> -> memref<864x128xf32, #tpu.memory_space<vmem_shared>>
    %dma_start3A_1980 = tpu.memref_slice %arg9[%dma_start3A_1970] : memref<4x!tpu.dma_semaphore, #tpu.memory_space<semaphore_mem>> -> memref<1x!tpu.dma_semaphore, #tpu.memory_space<semaphore_mem>>
    %dma_start3A_1981 = tpu.memref_squeeze %dma_start3A_1980 : memref<1x!tpu.dma_semaphore, #tpu.memory_space<semaphore_mem>> -> memref<!tpu.dma_semaphore, #tpu.memory_space<semaphore_mem>>
    tpu.enqueue_indirect_dma source(%dma_start3A_1979 : memref<864x128xf32, #tpu.memory_space<vmem_shared>>) target(%dma_start3A_1973 : memref<128x128xf32, #tpu.memory_space<vmem>>) offsets(%dma_start3A_1976 : memref<128xi32, #tpu.memory_space<vmem>>) semaphore(%dma_start3A_1981 : memref<!tpu.dma_semaphore, #tpu.memory_space<semaphore_mem>>)
    %dma_wait3A = arith.constant 0 : i32
    %dma_wait3A_1982 = arith.constant 0 : i32
    %dma_wait3A_1983 = arith.constant 0 : i32
    %dma_wait3A_1984 = arith.constant 0 : i32
    %dma_wait3A_1985 = arith.constant 0 : i32
    %dma_wait3A_1986 = tpu.memref_slice %arg7[%dma_wait3A_1984, %dma_wait3A_1985] : memref<512x128xf32, #tpu.memory_space<vmem>> -> memref<128x128xf32, #tpu.memory_space<vmem>>
    %dma_wait3A_1987 = arith.constant 0 : i32
    %dma_wait3A_1988 = tpu.memref_slice %arg6[%dma_wait3A, %dma_wait3A_1982, %dma_wait3A_1987] : memref<3x4x128xi32, #tpu.memory_space<vmem>> -> memref<1x1x128xi32, #tpu.memory_space<vmem>>
    %dma_wait3A_1989 = tpu.memref_squeeze %dma_wait3A_1988 : memref<1x1x128xi32, #tpu.memory_space<vmem>> -> memref<128xi32, #tpu.memory_space<vmem>>
    %dma_wait3A_1990 = arith.constant 0 : i32
    %dma_wait3A_1991 = arith.constant 0 : i32
    %dma_wait3A_1992 = tpu.memref_slice %arg8[%dma_wait3A_1990, %dma_wait3A_1991] : memref<864x128xf32, #tpu.memory_space<vmem_shared>> -> memref<864x128xf32, #tpu.memory_space<vmem_shared>>
    %dma_wait3A_1993 = tpu.memref_slice %arg9[%dma_wait3A_1983] : memref<4x!tpu.dma_semaphore, #tpu.memory_space<semaphore_mem>> -> memref<1x!tpu.dma_semaphore, #tpu.memory_space<semaphore_mem>>
    %dma_wait3A_1994 = tpu.memref_squeeze %dma_wait3A_1993 : memref<1x!tpu.dma_semaphore, #tpu.memory_space<semaphore_mem>> -> memref<!tpu.dma_semaphore, #tpu.memory_space<semaphore_mem>>
    tpu.wait_indirect_dma semaphore(%dma_wait3A_1994 : memref<!tpu.dma_semaphore, #tpu.memory_space<semaphore_mem>>) src(%dma_wait3A_1992 : memref<864x128xf32, #tpu.memory_space<vmem_shared>>) dst(%dma_wait3A_1986 : memref<128x128xf32, #tpu.memory_space<vmem>>)
    %dma_start3A_1995 = arith.constant 1 : i32
    %dma_start3A_1996 = arith.constant 0 : i32
    %dma_start3A_1997 = arith.constant 0 : i32
    %dma_start3A_1998 = arith.constant 0 : i32
    %dma_start3A_1999 = tpu.memref_slice %arg7[%dma_start3A_1997, %dma_start3A_1998] : memref<512x128xf32, #tpu.memory_space<vmem>> -> memref<128x128xf32, #tpu.memory_space<vmem>>
    %dma_start3A_2000 = arith.constant 0 : i32
    %dma_start3A_2001 = tpu.memref_slice %arg6[%dma_start3A_1995, %dma_start3A_1996, %dma_start3A_2000] : memref<3x4x128xi32, #tpu.memory_space<vmem>> -> memref<1x1x128xi32, #tpu.memory_space<vmem>>
    %dma_start3A_2002 = tpu.memref_squeeze %dma_start3A_2001 : memref<1x1x128xi32, #tpu.memory_space<vmem>> -> memref<128xi32, #tpu.memory_space<vmem>>
    %dma_start3A_2003 = arith.constant 0 : i32
    %dma_start3A_2004 = arith.constant 0 : i32
    %dma_start3A_2005 = tpu.memref_slice %arg8[%dma_start3A_2003, %dma_start3A_2004] : memref<864x128xf32, #tpu.memory_space<vmem_shared>> -> memref<864x128xf32, #tpu.memory_space<vmem_shared>>
    tpu.enqueue_indirect_dma source(%dma_start3A_2005 : memref<864x128xf32, #tpu.memory_space<vmem_shared>>) target(%dma_start3A_1999 : memref<128x128xf32, #tpu.memory_space<vmem>>) offsets(%dma_start3A_2002 : memref<128xi32, #tpu.memory_space<vmem>>) semaphore(%arg10 : memref<!tpu.dma_semaphore, #tpu.memory_space<semaphore_mem>>) {add = true}
    %dma_start3A_2006 = arith.constant 2 : i32
    %dma_start3A_2007 = arith.constant 0 : i32
    %dma_start3A_2008 = arith.constant 0 : i32
    %dma_start3A_2009 = arith.constant 0 : i32
    %dma_start3A_2010 = tpu.memref_slice %arg7[%dma_start3A_2008, %dma_start3A_2009] : memref<512x128xf32, #tpu.memory_space<vmem>> -> memref<128x128xf32, #tpu.memory_space<vmem>>
    %dma_start3A_2011 = arith.constant 0 : i32
    %dma_start3A_2012 = tpu.memref_slice %arg6[%dma_start3A_2006, %dma_start3A_2007, %dma_start3A_2011] : memref<3x4x128xi32, #tpu.memory_space<vmem>> -> memref<1x1x128xi32, #tpu.memory_space<vmem>>
    %dma_start3A_2013 = tpu.memref_squeeze %dma_start3A_2012 : memref<1x1x128xi32, #tpu.memory_space<vmem>> -> memref<128xi32, #tpu.memory_space<vmem>>
    %dma_start3A_2014 = arith.constant 0 : i32
    %dma_start3A_2015 = arith.constant 0 : i32
    %dma_start3A_2016 = tpu.memref_slice %arg8[%dma_start3A_2014, %dma_start3A_2015] : memref<864x128xf32, #tpu.memory_space<vmem_shared>> -> memref<864x128xf32, #tpu.memory_space<vmem_shared>>
    tpu.enqueue_indirect_dma source(%dma_start3A_2016 : memref<864x128xf32, #tpu.memory_space<vmem_shared>>) target(%dma_start3A_2010 : memref<128x128xf32, #tpu.memory_space<vmem>>) offsets(%dma_start3A_2013 : memref<128xi32, #tpu.memory_space<vmem>>) semaphore(%arg10 : memref<!tpu.dma_semaphore, #tpu.memory_space<semaphore_mem>>) {add = true}
    %dma_wait3A_2017 = arith.constant 0 : i32
    %dma_wait3A_2018 = arith.constant 1 : i32
    %dma_wait3A_2019 = arith.constant 1 : i32
    %dma_wait3A_2020 = arith.constant 128 : i32
    %dma_wait3A_2021 = arith.constant 0 : i32
    %dma_wait3A_2022 = tpu.memref_slice %arg7[%dma_wait3A_2020, %dma_wait3A_2021] : memref<512x128xf32, #tpu.memory_space<vmem>> -> memref<128x128xf32, #tpu.memory_space<vmem>>
    %dma_wait3A_2023 = arith.constant 0 : i32
    %dma_wait3A_2024 = tpu.memref_slice %arg6[%dma_wait3A_2017, %dma_wait3A_2018, %dma_wait3A_2023] : memref<3x4x128xi32, #tpu.memory_space<vmem>> -> memref<1x1x128xi32, #tpu.memory_space<vmem>>
    %dma_wait3A_2025 = tpu.memref_squeeze %dma_wait3A_2024 : memref<1x1x128xi32, #tpu.memory_space<vmem>> -> memref<128xi32, #tpu.memory_space<vmem>>
    %dma_wait3A_2026 = arith.constant 0 : i32
    %dma_wait3A_2027 = arith.constant 0 : i32
    %dma_wait3A_2028 = tpu.memref_slice %arg8[%dma_wait3A_2026, %dma_wait3A_2027] : memref<864x128xf32, #tpu.memory_space<vmem_shared>> -> memref<864x128xf32, #tpu.memory_space<vmem_shared>>
    %dma_wait3A_2029 = tpu.memref_slice %arg9[%dma_wait3A_2019] : memref<4x!tpu.dma_semaphore, #tpu.memory_space<semaphore_mem>> -> memref<1x!tpu.dma_semaphore, #tpu.memory_space<semaphore_mem>>
    %dma_wait3A_2030 = tpu.memref_squeeze %dma_wait3A_2029 : memref<1x!tpu.dma_semaphore, #tpu.memory_space<semaphore_mem>> -> memref<!tpu.dma_semaphore, #tpu.memory_space<semaphore_mem>>
    tpu.wait_indirect_dma semaphore(%dma_wait3A_2030 : memref<!tpu.dma_semaphore, #tpu.memory_space<semaphore_mem>>) src(%dma_wait3A_2028 : memref<864x128xf32, #tpu.memory_space<vmem_shared>>) dst(%dma_wait3A_2022 : memref<128x128xf32, #tpu.memory_space<vmem>>)
    %dma_start3A_2031 = arith.constant 1 : i32
    %dma_start3A_2032 = arith.constant 1 : i32
    %dma_start3A_2033 = arith.constant 128 : i32
    %dma_start3A_2034 = arith.constant 0 : i32
    %dma_start3A_2035 = tpu.memref_slice %arg7[%dma_start3A_2033, %dma_start3A_2034] : memref<512x128xf32, #tpu.memory_space<vmem>> -> memref<128x128xf32, #tpu.memory_space<vmem>>
    %dma_start3A_2036 = arith.constant 0 : i32
    %dma_start3A_2037 = tpu.memref_slice %arg6[%dma_start3A_2031, %dma_start3A_2032, %dma_start3A_2036] : memref<3x4x128xi32, #tpu.memory_space<vmem>> -> memref<1x1x128xi32, #tpu.memory_space<vmem>>
    %dma_start3A_2038 = tpu.memref_squeeze %dma_start3A_2037 : memref<1x1x128xi32, #tpu.memory_space<vmem>> -> memref<128xi32, #tpu.memory_space<vmem>>
    %dma_start3A_2039 = arith.constant 0 : i32
    %dma_start3A_2040 = arith.constant 0 : i32
    %dma_start3A_2041 = tpu.memref_slice %arg8[%dma_start3A_2039, %dma_start3A_2040] : memref<864x128xf32, #tpu.memory_space<vmem_shared>> -> memref<864x128xf32, #tpu.memory_space<vmem_shared>>
    tpu.enqueue_indirect_dma source(%dma_start3A_2041 : memref<864x128xf32, #tpu.memory_space<vmem_shared>>) target(%dma_start3A_2035 : memref<128x128xf32, #tpu.memory_space<vmem>>) offsets(%dma_start3A_2038 : memref<128xi32, #tpu.memory_space<vmem>>) semaphore(%arg10 : memref<!tpu.dma_semaphore, #tpu.memory_space<semaphore_mem>>) {add = true}
    %dma_start3A_2042 = arith.constant 2 : i32
    %dma_start3A_2043 = arith.constant 1 : i32
    %dma_start3A_2044 = arith.constant 128 : i32
    %dma_start3A_2045 = arith.constant 0 : i32
    %dma_start3A_2046 = tpu.memref_slice %arg7[%dma_start3A_2044, %dma_start3A_2045] : memref<512x128xf32, #tpu.memory_space<vmem>> -> memref<128x128xf32, #tpu.memory_space<vmem>>
    %dma_start3A_2047 = arith.constant 0 : i32
    %dma_start3A_2048 = tpu.memref_slice %arg6[%dma_start3A_2042, %dma_start3A_2043, %dma_start3A_2047] : memref<3x4x128xi32, #tpu.memory_space<vmem>> -> memref<1x1x128xi32, #tpu.memory_space<vmem>>
    %dma_start3A_2049 = tpu.memref_squeeze %dma_start3A_2048 : memref<1x1x128xi32, #tpu.memory_space<vmem>> -> memref<128xi32, #tpu.memory_space<vmem>>
    %dma_start3A_2050 = arith.constant 0 : i32
    %dma_start3A_2051 = arith.constant 0 : i32
    %dma_start3A_2052 = tpu.memref_slice %arg8[%dma_start3A_2050, %dma_start3A_2051] : memref<864x128xf32, #tpu.memory_space<vmem_shared>> -> memref<864x128xf32, #tpu.memory_space<vmem_shared>>
    tpu.enqueue_indirect_dma source(%dma_start3A_2052 : memref<864x128xf32, #tpu.memory_space<vmem_shared>>) target(%dma_start3A_2046 : memref<128x128xf32, #tpu.memory_space<vmem>>) offsets(%dma_start3A_2049 : memref<128xi32, #tpu.memory_space<vmem>>) semaphore(%arg10 : memref<!tpu.dma_semaphore, #tpu.memory_space<semaphore_mem>>) {add = true}
    %dma_wait3A_2053 = arith.constant 0 : i32
    %dma_wait3A_2054 = arith.constant 2 : i32
    %dma_wait3A_2055 = arith.constant 2 : i32
    %dma_wait3A_2056 = arith.constant 256 : i32
    %dma_wait3A_2057 = arith.constant 0 : i32
    %dma_wait3A_2058 = tpu.memref_slice %arg7[%dma_wait3A_2056, %dma_wait3A_2057] : memref<512x128xf32, #tpu.memory_space<vmem>> -> memref<128x128xf32, #tpu.memory_space<vmem>>
    %dma_wait3A_2059 = arith.constant 0 : i32
    %dma_wait3A_2060 = tpu.memref_slice %arg6[%dma_wait3A_2053, %dma_wait3A_2054, %dma_wait3A_2059] : memref<3x4x128xi32, #tpu.memory_space<vmem>> -> memref<1x1x128xi32, #tpu.memory_space<vmem>>
    %dma_wait3A_2061 = tpu.memref_squeeze %dma_wait3A_2060 : memref<1x1x128xi32, #tpu.memory_space<vmem>> -> memref<128xi32, #tpu.memory_space<vmem>>
    %dma_wait3A_2062 = arith.constant 0 : i32
    %dma_wait3A_2063 = arith.constant 0 : i32
    %dma_wait3A_2064 = tpu.memref_slice %arg8[%dma_wait3A_2062, %dma_wait3A_2063] : memref<864x128xf32, #tpu.memory_space<vmem_shared>> -> memref<864x128xf32, #tpu.memory_space<vmem_shared>>
    %dma_wait3A_2065 = tpu.memref_slice %arg9[%dma_wait3A_2055] : memref<4x!tpu.dma_semaphore, #tpu.memory_space<semaphore_mem>> -> memref<1x!tpu.dma_semaphore, #tpu.memory_space<semaphore_mem>>
    %dma_wait3A_2066 = tpu.memref_squeeze %dma_wait3A_2065 : memref<1x!tpu.dma_semaphore, #tpu.memory_space<semaphore_mem>> -> memref<!tpu.dma_semaphore, #tpu.memory_space<semaphore_mem>>
    tpu.wait_indirect_dma semaphore(%dma_wait3A_2066 : memref<!tpu.dma_semaphore, #tpu.memory_space<semaphore_mem>>) src(%dma_wait3A_2064 : memref<864x128xf32, #tpu.memory_space<vmem_shared>>) dst(%dma_wait3A_2058 : memref<128x128xf32, #tpu.memory_space<vmem>>)
    %dma_start3A_2067 = arith.constant 1 : i32
    %dma_start3A_2068 = arith.constant 2 : i32
    %dma_start3A_2069 = arith.constant 256 : i32
    %dma_start3A_2070 = arith.constant 0 : i32
    %dma_start3A_2071 = tpu.memref_slice %arg7[%dma_start3A_2069, %dma_start3A_2070] : memref<512x128xf32, #tpu.memory_space<vmem>> -> memref<128x128xf32, #tpu.memory_space<vmem>>
    %dma_start3A_2072 = arith.constant 0 : i32
    %dma_start3A_2073 = tpu.memref_slice %arg6[%dma_start3A_2067, %dma_start3A_2068, %dma_start3A_2072] : memref<3x4x128xi32, #tpu.memory_space<vmem>> -> memref<1x1x128xi32, #tpu.memory_space<vmem>>
    %dma_start3A_2074 = tpu.memref_squeeze %dma_start3A_2073 : memref<1x1x128xi32, #tpu.memory_space<vmem>> -> memref<128xi32, #tpu.memory_space<vmem>>
    %dma_start3A_2075 = arith.constant 0 : i32
    %dma_start3A_2076 = arith.constant 0 : i32
    %dma_start3A_2077 = tpu.memref_slice %arg8[%dma_start3A_2075, %dma_start3A_2076] : memref<864x128xf32, #tpu.memory_space<vmem_shared>> -> memref<864x128xf32, #tpu.memory_space<vmem_shared>>
    tpu.enqueue_indirect_dma source(%dma_start3A_2077 : memref<864x128xf32, #tpu.memory_space<vmem_shared>>) target(%dma_start3A_2071 : memref<128x128xf32, #tpu.memory_space<vmem>>) offsets(%dma_start3A_2074 : memref<128xi32, #tpu.memory_space<vmem>>) semaphore(%arg10 : memref<!tpu.dma_semaphore, #tpu.memory_space<semaphore_mem>>) {add = true}
    %dma_start3A_2078 = arith.constant 2 : i32
    %dma_start3A_2079 = arith.constant 2 : i32
    %dma_start3A_2080 = arith.constant 256 : i32
    %dma_start3A_2081 = arith.constant 0 : i32
    %dma_start3A_2082 = tpu.memref_slice %arg7[%dma_start3A_2080, %dma_start3A_2081] : memref<512x128xf32, #tpu.memory_space<vmem>> -> memref<128x128xf32, #tpu.memory_space<vmem>>
    %dma_start3A_2083 = arith.constant 0 : i32
    %dma_start3A_2084 = tpu.memref_slice %arg6[%dma_start3A_2078, %dma_start3A_2079, %dma_start3A_2083] : memref<3x4x128xi32, #tpu.memory_space<vmem>> -> memref<1x1x128xi32, #tpu.memory_space<vmem>>
    %dma_start3A_2085 = tpu.memref_squeeze %dma_start3A_2084 : memref<1x1x128xi32, #tpu.memory_space<vmem>> -> memref<128xi32, #tpu.memory_space<vmem>>
    %dma_start3A_2086 = arith.constant 0 : i32
    %dma_start3A_2087 = arith.constant 0 : i32
    %dma_start3A_2088 = tpu.memref_slice %arg8[%dma_start3A_2086, %dma_start3A_2087] : memref<864x128xf32, #tpu.memory_space<vmem_shared>> -> memref<864x128xf32, #tpu.memory_space<vmem_shared>>
    tpu.enqueue_indirect_dma source(%dma_start3A_2088 : memref<864x128xf32, #tpu.memory_space<vmem_shared>>) target(%dma_start3A_2082 : memref<128x128xf32, #tpu.memory_space<vmem>>) offsets(%dma_start3A_2085 : memref<128xi32, #tpu.memory_space<vmem>>) semaphore(%arg10 : memref<!tpu.dma_semaphore, #tpu.memory_space<semaphore_mem>>) {add = true}
    %dma_wait3A_2089 = arith.constant 0 : i32
    %dma_wait3A_2090 = arith.constant 3 : i32
    %dma_wait3A_2091 = arith.constant 3 : i32
    %dma_wait3A_2092 = arith.constant 384 : i32
    %dma_wait3A_2093 = arith.constant 0 : i32
    %dma_wait3A_2094 = tpu.memref_slice %arg7[%dma_wait3A_2092, %dma_wait3A_2093] : memref<512x128xf32, #tpu.memory_space<vmem>> -> memref<128x128xf32, #tpu.memory_space<vmem>>
    %dma_wait3A_2095 = arith.constant 0 : i32
    %dma_wait3A_2096 = tpu.memref_slice %arg6[%dma_wait3A_2089, %dma_wait3A_2090, %dma_wait3A_2095] : memref<3x4x128xi32, #tpu.memory_space<vmem>> -> memref<1x1x128xi32, #tpu.memory_space<vmem>>
    %dma_wait3A_2097 = tpu.memref_squeeze %dma_wait3A_2096 : memref<1x1x128xi32, #tpu.memory_space<vmem>> -> memref<128xi32, #tpu.memory_space<vmem>>
    %dma_wait3A_2098 = arith.constant 0 : i32
    %dma_wait3A_2099 = arith.constant 0 : i32
    %dma_wait3A_2100 = tpu.memref_slice %arg8[%dma_wait3A_2098, %dma_wait3A_2099] : memref<864x128xf32, #tpu.memory_space<vmem_shared>> -> memref<864x128xf32, #tpu.memory_space<vmem_shared>>
    %dma_wait3A_2101 = tpu.memref_slice %arg9[%dma_wait3A_2091] : memref<4x!tpu.dma_semaphore, #tpu.memory_space<semaphore_mem>> -> memref<1x!tpu.dma_semaphore, #tpu.memory_space<semaphore_mem>>
    %dma_wait3A_2102 = tpu.memref_squeeze %dma_wait3A_2101 : memref<1x!tpu.dma_semaphore, #tpu.memory_space<semaphore_mem>> -> memref<!tpu.dma_semaphore, #tpu.memory_space<semaphore_mem>>
    tpu.wait_indirect_dma semaphore(%dma_wait3A_2102 : memref<!tpu.dma_semaphore, #tpu.memory_space<semaphore_mem>>) src(%dma_wait3A_2100 : memref<864x128xf32, #tpu.memory_space<vmem_shared>>) dst(%dma_wait3A_2094 : memref<128x128xf32, #tpu.memory_space<vmem>>)
    %dma_start3A_2103 = arith.constant 1 : i32
    %dma_start3A_2104 = arith.constant 3 : i32
    %dma_start3A_2105 = arith.constant 384 : i32
    %dma_start3A_2106 = arith.constant 0 : i32
    %dma_start3A_2107 = tpu.memref_slice %arg7[%dma_start3A_2105, %dma_start3A_2106] : memref<512x128xf32, #tpu.memory_space<vmem>> -> memref<128x128xf32, #tpu.memory_space<vmem>>
    %dma_start3A_2108 = arith.constant 0 : i32
    %dma_start3A_2109 = tpu.memref_slice %arg6[%dma_start3A_2103, %dma_start3A_2104, %dma_start3A_2108] : memref<3x4x128xi32, #tpu.memory_space<vmem>> -> memref<1x1x128xi32, #tpu.memory_space<vmem>>
    %dma_start3A_2110 = tpu.memref_squeeze %dma_start3A_2109 : memref<1x1x128xi32, #tpu.memory_space<vmem>> -> memref<128xi32, #tpu.memory_space<vmem>>
    %dma_start3A_2111 = arith.constant 0 : i32
    %dma_start3A_2112 = arith.constant 0 : i32
    %dma_start3A_2113 = tpu.memref_slice %arg8[%dma_start3A_2111, %dma_start3A_2112] : memref<864x128xf32, #tpu.memory_space<vmem_shared>> -> memref<864x128xf32, #tpu.memory_space<vmem_shared>>
    tpu.enqueue_indirect_dma source(%dma_start3A_2113 : memref<864x128xf32, #tpu.memory_space<vmem_shared>>) target(%dma_start3A_2107 : memref<128x128xf32, #tpu.memory_space<vmem>>) offsets(%dma_start3A_2110 : memref<128xi32, #tpu.memory_space<vmem>>) semaphore(%arg10 : memref<!tpu.dma_semaphore, #tpu.memory_space<semaphore_mem>>) {add = true}
    %dma_start3A_2114 = arith.constant 2 : i32
    %dma_start3A_2115 = arith.constant 3 : i32
    %dma_start3A_2116 = arith.constant 384 : i32
    %dma_start3A_2117 = arith.constant 0 : i32
    %dma_start3A_2118 = tpu.memref_slice %arg7[%dma_start3A_2116, %dma_start3A_2117] : memref<512x128xf32, #tpu.memory_space<vmem>> -> memref<128x128xf32, #tpu.memory_space<vmem>>
    %dma_start3A_2119 = arith.constant 0 : i32
    %dma_start3A_2120 = tpu.memref_slice %arg6[%dma_start3A_2114, %dma_start3A_2115, %dma_start3A_2119] : memref<3x4x128xi32, #tpu.memory_space<vmem>> -> memref<1x1x128xi32, #tpu.memory_space<vmem>>
    %dma_start3A_2121 = tpu.memref_squeeze %dma_start3A_2120 : memref<1x1x128xi32, #tpu.memory_space<vmem>> -> memref<128xi32, #tpu.memory_space<vmem>>
    %dma_start3A_2122 = arith.constant 0 : i32
    %dma_start3A_2123 = arith.constant 0 : i32
    %dma_start3A_2124 = tpu.memref_slice %arg8[%dma_start3A_2122, %dma_start3A_2123] : memref<864x128xf32, #tpu.memory_space<vmem_shared>> -> memref<864x128xf32, #tpu.memory_space<vmem_shared>>
    tpu.enqueue_indirect_dma source(%dma_start3A_2124 : memref<864x128xf32, #tpu.memory_space<vmem_shared>>) target(%dma_start3A_2118 : memref<128x128xf32, #tpu.memory_space<vmem>>) offsets(%dma_start3A_2121 : memref<128xi32, #tpu.memory_space<vmem>>) semaphore(%arg10 : memref<!tpu.dma_semaphore, #tpu.memory_space<semaphore_mem>>) {add = true}
    %dma_wait3A_2125 = arith.constant 1 : i32
    %dma_wait3A_2126 = arith.constant 0 : i32
    %dma_wait3A_2127 = arith.constant 0 : i32
    %dma_wait3A_2128 = arith.constant 0 : i32
    %dma_wait3A_2129 = tpu.memref_slice %arg7[%dma_wait3A_2127, %dma_wait3A_2128] : memref<512x128xf32, #tpu.memory_space<vmem>> -> memref<128x128xf32, #tpu.memory_space<vmem>>
    %dma_wait3A_2130 = arith.constant 0 : i32
    %dma_wait3A_2131 = tpu.memref_slice %arg6[%dma_wait3A_2125, %dma_wait3A_2126, %dma_wait3A_2130] : memref<3x4x128xi32, #tpu.memory_space<vmem>> -> memref<1x1x128xi32, #tpu.memory_space<vmem>>
    %dma_wait3A_2132 = tpu.memref_squeeze %dma_wait3A_2131 : memref<1x1x128xi32, #tpu.memory_space<vmem>> -> memref<128xi32, #tpu.memory_space<vmem>>
    %dma_wait3A_2133 = arith.constant 0 : i32
    %dma_wait3A_2134 = arith.constant 0 : i32
    %dma_wait3A_2135 = tpu.memref_slice %arg8[%dma_wait3A_2133, %dma_wait3A_2134] : memref<864x128xf32, #tpu.memory_space<vmem_shared>> -> memref<864x128xf32, #tpu.memory_space<vmem_shared>>
    tpu.wait_indirect_dma semaphore(%arg10 : memref<!tpu.dma_semaphore, #tpu.memory_space<semaphore_mem>>) src(%dma_wait3A_2135 : memref<864x128xf32, #tpu.memory_space<vmem_shared>>) dst(%dma_wait3A_2129 : memref<128x128xf32, #tpu.memory_space<vmem>>)
    %dma_wait3A_2136 = arith.constant 2 : i32
    %dma_wait3A_2137 = arith.constant 0 : i32
    %dma_wait3A_2138 = arith.constant 0 : i32
    %dma_wait3A_2139 = arith.constant 0 : i32
    %dma_wait3A_2140 = tpu.memref_slice %arg7[%dma_wait3A_2138, %dma_wait3A_2139] : memref<512x128xf32, #tpu.memory_space<vmem>> -> memref<128x128xf32, #tpu.memory_space<vmem>>
    %dma_wait3A_2141 = arith.constant 0 : i32
    %dma_wait3A_2142 = tpu.memref_slice %arg6[%dma_wait3A_2136, %dma_wait3A_2137, %dma_wait3A_2141] : memref<3x4x128xi32, #tpu.memory_space<vmem>> -> memref<1x1x128xi32, #tpu.memory_space<vmem>>
    %dma_wait3A_2143 = tpu.memref_squeeze %dma_wait3A_2142 : memref<1x1x128xi32, #tpu.memory_space<vmem>> -> memref<128xi32, #tpu.memory_space<vmem>>
    %dma_wait3A_2144 = arith.constant 0 : i32
    %dma_wait3A_2145 = arith.constant 0 : i32
    %dma_wait3A_2146 = tpu.memref_slice %arg8[%dma_wait3A_2144, %dma_wait3A_2145] : memref<864x128xf32, #tpu.memory_space<vmem_shared>> -> memref<864x128xf32, #tpu.memory_space<vmem_shared>>
    tpu.wait_indirect_dma semaphore(%arg10 : memref<!tpu.dma_semaphore, #tpu.memory_space<semaphore_mem>>) src(%dma_wait3A_2146 : memref<864x128xf32, #tpu.memory_space<vmem_shared>>) dst(%dma_wait3A_2140 : memref<128x128xf32, #tpu.memory_space<vmem>>)
    %dma_wait3A_2147 = arith.constant 1 : i32
    %dma_wait3A_2148 = arith.constant 1 : i32
    %dma_wait3A_2149 = arith.constant 128 : i32
    %dma_wait3A_2150 = arith.constant 0 : i32
    %dma_wait3A_2151 = tpu.memref_slice %arg7[%dma_wait3A_2149, %dma_wait3A_2150] : memref<512x128xf32, #tpu.memory_space<vmem>> -> memref<128x128xf32, #tpu.memory_space<vmem>>
    %dma_wait3A_2152 = arith.constant 0 : i32
    %dma_wait3A_2153 = tpu.memref_slice %arg6[%dma_wait3A_2147, %dma_wait3A_2148, %dma_wait3A_2152] : memref<3x4x128xi32, #tpu.memory_space<vmem>> -> memref<1x1x128xi32, #tpu.memory_space<vmem>>
    %dma_wait3A_2154 = tpu.memref_squeeze %dma_wait3A_2153 : memref<1x1x128xi32, #tpu.memory_space<vmem>> -> memref<128xi32, #tpu.memory_space<vmem>>
    %dma_wait3A_2155 = arith.constant 0 : i32
    %dma_wait3A_2156 = arith.constant 0 : i32
    %dma_wait3A_2157 = tpu.memref_slice %arg8[%dma_wait3A_2155, %dma_wait3A_2156] : memref<864x128xf32, #tpu.memory_space<vmem_shared>> -> memref<864x128xf32, #tpu.memory_space<vmem_shared>>
    tpu.wait_indirect_dma semaphore(%arg10 : memref<!tpu.dma_semaphore, #tpu.memory_space<semaphore_mem>>) src(%dma_wait3A_2157 : memref<864x128xf32, #tpu.memory_space<vmem_shared>>) dst(%dma_wait3A_2151 : memref<128x128xf32, #tpu.memory_space<vmem>>)
    %dma_wait3A_2158 = arith.constant 2 : i32
    %dma_wait3A_2159 = arith.constant 1 : i32
    %dma_wait3A_2160 = arith.constant 128 : i32
    %dma_wait3A_2161 = arith.constant 0 : i32
    %dma_wait3A_2162 = tpu.memref_slice %arg7[%dma_wait3A_2160, %dma_wait3A_2161] : memref<512x128xf32, #tpu.memory_space<vmem>> -> memref<128x128xf32, #tpu.memory_space<vmem>>
    %dma_wait3A_2163 = arith.constant 0 : i32
    %dma_wait3A_2164 = tpu.memref_slice %arg6[%dma_wait3A_2158, %dma_wait3A_2159, %dma_wait3A_2163] : memref<3x4x128xi32, #tpu.memory_space<vmem>> -> memref<1x1x128xi32, #tpu.memory_space<vmem>>
    %dma_wait3A_2165 = tpu.memref_squeeze %dma_wait3A_2164 : memref<1x1x128xi32, #tpu.memory_space<vmem>> -> memref<128xi32, #tpu.memory_space<vmem>>
    %dma_wait3A_2166 = arith.constant 0 : i32
    %dma_wait3A_2167 = arith.constant 0 : i32
    %dma_wait3A_2168 = tpu.memref_slice %arg8[%dma_wait3A_2166, %dma_wait3A_2167] : memref<864x128xf32, #tpu.memory_space<vmem_shared>> -> memref<864x128xf32, #tpu.memory_space<vmem_shared>>
    tpu.wait_indirect_dma semaphore(%arg10 : memref<!tpu.dma_semaphore, #tpu.memory_space<semaphore_mem>>) src(%dma_wait3A_2168 : memref<864x128xf32, #tpu.memory_space<vmem_shared>>) dst(%dma_wait3A_2162 : memref<128x128xf32, #tpu.memory_space<vmem>>)
    %dma_wait3A_2169 = arith.constant 1 : i32
    %dma_wait3A_2170 = arith.constant 2 : i32
    %dma_wait3A_2171 = arith.constant 256 : i32
    %dma_wait3A_2172 = arith.constant 0 : i32
    %dma_wait3A_2173 = tpu.memref_slice %arg7[%dma_wait3A_2171, %dma_wait3A_2172] : memref<512x128xf32, #tpu.memory_space<vmem>> -> memref<128x128xf32, #tpu.memory_space<vmem>>
    %dma_wait3A_2174 = arith.constant 0 : i32
    %dma_wait3A_2175 = tpu.memref_slice %arg6[%dma_wait3A_2169, %dma_wait3A_2170, %dma_wait3A_2174] : memref<3x4x128xi32, #tpu.memory_space<vmem>> -> memref<1x1x128xi32, #tpu.memory_space<vmem>>
    %dma_wait3A_2176 = tpu.memref_squeeze %dma_wait3A_2175 : memref<1x1x128xi32, #tpu.memory_space<vmem>> -> memref<128xi32, #tpu.memory_space<vmem>>
    %dma_wait3A_2177 = arith.constant 0 : i32
    %dma_wait3A_2178 = arith.constant 0 : i32
    %dma_wait3A_2179 = tpu.memref_slice %arg8[%dma_wait3A_2177, %dma_wait3A_2178] : memref<864x128xf32, #tpu.memory_space<vmem_shared>> -> memref<864x128xf32, #tpu.memory_space<vmem_shared>>
    tpu.wait_indirect_dma semaphore(%arg10 : memref<!tpu.dma_semaphore, #tpu.memory_space<semaphore_mem>>) src(%dma_wait3A_2179 : memref<864x128xf32, #tpu.memory_space<vmem_shared>>) dst(%dma_wait3A_2173 : memref<128x128xf32, #tpu.memory_space<vmem>>)
    %dma_wait3A_2180 = arith.constant 2 : i32
    %dma_wait3A_2181 = arith.constant 2 : i32
    %dma_wait3A_2182 = arith.constant 256 : i32
    %dma_wait3A_2183 = arith.constant 0 : i32
    %dma_wait3A_2184 = tpu.memref_slice %arg7[%dma_wait3A_2182, %dma_wait3A_2183] : memref<512x128xf32, #tpu.memory_space<vmem>> -> memref<128x128xf32, #tpu.memory_space<vmem>>
    %dma_wait3A_2185 = arith.constant 0 : i32
    %dma_wait3A_2186 = tpu.memref_slice %arg6[%dma_wait3A_2180, %dma_wait3A_2181, %dma_wait3A_2185] : memref<3x4x128xi32, #tpu.memory_space<vmem>> -> memref<1x1x128xi32, #tpu.memory_space<vmem>>
    %dma_wait3A_2187 = tpu.memref_squeeze %dma_wait3A_2186 : memref<1x1x128xi32, #tpu.memory_space<vmem>> -> memref<128xi32, #tpu.memory_space<vmem>>
    %dma_wait3A_2188 = arith.constant 0 : i32
    %dma_wait3A_2189 = arith.constant 0 : i32
    %dma_wait3A_2190 = tpu.memref_slice %arg8[%dma_wait3A_2188, %dma_wait3A_2189] : memref<864x128xf32, #tpu.memory_space<vmem_shared>> -> memref<864x128xf32, #tpu.memory_space<vmem_shared>>
    tpu.wait_indirect_dma semaphore(%arg10 : memref<!tpu.dma_semaphore, #tpu.memory_space<semaphore_mem>>) src(%dma_wait3A_2190 : memref<864x128xf32, #tpu.memory_space<vmem_shared>>) dst(%dma_wait3A_2184 : memref<128x128xf32, #tpu.memory_space<vmem>>)
    %dma_wait3A_2191 = arith.constant 1 : i32
    %dma_wait3A_2192 = arith.constant 3 : i32
    %dma_wait3A_2193 = arith.constant 384 : i32
    %dma_wait3A_2194 = arith.constant 0 : i32
    %dma_wait3A_2195 = tpu.memref_slice %arg7[%dma_wait3A_2193, %dma_wait3A_2194] : memref<512x128xf32, #tpu.memory_space<vmem>> -> memref<128x128xf32, #tpu.memory_space<vmem>>
    %dma_wait3A_2196 = arith.constant 0 : i32
    %dma_wait3A_2197 = tpu.memref_slice %arg6[%dma_wait3A_2191, %dma_wait3A_2192, %dma_wait3A_2196] : memref<3x4x128xi32, #tpu.memory_space<vmem>> -> memref<1x1x128xi32, #tpu.memory_space<vmem>>
    %dma_wait3A_2198 = tpu.memref_squeeze %dma_wait3A_2197 : memref<1x1x128xi32, #tpu.memory_space<vmem>> -> memref<128xi32, #tpu.memory_space<vmem>>
    %dma_wait3A_2199 = arith.constant 0 : i32
    %dma_wait3A_2200 = arith.constant 0 : i32
    %dma_wait3A_2201 = tpu.memref_slice %arg8[%dma_wait3A_2199, %dma_wait3A_2200] : memref<864x128xf32, #tpu.memory_space<vmem_shared>> -> memref<864x128xf32, #tpu.memory_space<vmem_shared>>
    tpu.wait_indirect_dma semaphore(%arg10 : memref<!tpu.dma_semaphore, #tpu.memory_space<semaphore_mem>>) src(%dma_wait3A_2201 : memref<864x128xf32, #tpu.memory_space<vmem_shared>>) dst(%dma_wait3A_2195 : memref<128x128xf32, #tpu.memory_space<vmem>>)
    %dma_wait3A_2202 = arith.constant 2 : i32
    %dma_wait3A_2203 = arith.constant 3 : i32
    %dma_wait3A_2204 = arith.constant 384 : i32
    %dma_wait3A_2205 = arith.constant 0 : i32
    %dma_wait3A_2206 = tpu.memref_slice %arg7[%dma_wait3A_2204, %dma_wait3A_2205] : memref<512x128xf32, #tpu.memory_space<vmem>> -> memref<128x128xf32, #tpu.memory_space<vmem>>
    %dma_wait3A_2207 = arith.constant 0 : i32
    %dma_wait3A_2208 = tpu.memref_slice %arg6[%dma_wait3A_2202, %dma_wait3A_2203, %dma_wait3A_2207] : memref<3x4x128xi32, #tpu.memory_space<vmem>> -> memref<1x1x128xi32, #tpu.memory_space<vmem>>
    %dma_wait3A_2209 = tpu.memref_squeeze %dma_wait3A_2208 : memref<1x1x128xi32, #tpu.memory_space<vmem>> -> memref<128xi32, #tpu.memory_space<vmem>>
    %dma_wait3A_2210 = arith.constant 0 : i32
    %dma_wait3A_2211 = arith.constant 0 : i32
    %dma_wait3A_2212 = tpu.memref_slice %arg8[%dma_wait3A_2210, %dma_wait3A_2211] : memref<864x128xf32, #tpu.memory_space<vmem_shared>> -> memref<864x128xf32, #tpu.memory_space<vmem_shared>>
    tpu.wait_indirect_dma semaphore(%arg10 : memref<!tpu.dma_semaphore, #tpu.memory_space<semaphore_mem>>) src(%dma_wait3A_2212 : memref<864x128xf32, #tpu.memory_space<vmem_shared>>) dst(%dma_wait3A_2206 : memref<128x128xf32, #tpu.memory_space<vmem>>)
    "tpu.region"() ({
      %run_scoped3A = tpu.sem_alloc : memref<!tpu.dma_semaphore, #tpu.memory_space<semaphore_mem>>
      %dma_start3A_2213 = arith.constant 0 : i32
      %dma_start3A_2214 = tpu.memref_slice %arg4[%mul3A_2, %dma_start3A_2213] : memref<16384x128xf32, #tpu.memory_space<hbm>> -> memref<512x128xf32, #tpu.memory_space<hbm>>
      %dma_start3A_2215 = arith.constant 0 : i32
      %dma_start3A_2216 = tpu.memref_slice %arg4[%mul3A_2, %dma_start3A_2215] : memref<16384x128xf32, #tpu.memory_space<hbm>> -> memref<512x128xf32, #tpu.memory_space<hbm>>
      tpu.enqueue_dma source(%arg7 : memref<512x128xf32, #tpu.memory_space<vmem>>) target(%dma_start3A_2216 : memref<512x128xf32, #tpu.memory_space<hbm>>) target_semaphore(%run_scoped3A : memref<!tpu.dma_semaphore, #tpu.memory_space<semaphore_mem>>)
      %dma_wait3A_2217 = arith.constant 0 : i32
      %dma_wait3A_2218 = tpu.memref_slice %arg4[%mul3A_2, %dma_wait3A_2217] : memref<16384x128xf32, #tpu.memory_space<hbm>> -> memref<512x128xf32, #tpu.memory_space<hbm>>
      %dma_wait3A_2219 = arith.constant 0 : i32
      %dma_wait3A_2220 = tpu.memref_slice %arg4[%mul3A_2, %dma_wait3A_2219] : memref<16384x128xf32, #tpu.memory_space<hbm>> -> memref<512x128xf32, #tpu.memory_space<hbm>>
      tpu.wait_dma2 semaphore(%run_scoped3A : memref<!tpu.dma_semaphore, #tpu.memory_space<semaphore_mem>>) src(%arg7 : memref<512x128xf32, #tpu.memory_space<vmem>>) dst(%dma_wait3A_2220 : memref<512x128xf32, #tpu.memory_space<hbm>>)
      tpu.yield
    }) : () -> ()
    return
  }
}

module attributes {stable_mosaic.version = 14 : i64} {
  func.func @_project_body(%arg0: memref<288x256xf32, #tpu.memory_space<vmem>>, %arg1: memref<257x256xf32, #tpu.memory_space<vmem>>, %arg2: memref<257x256xf32, #tpu.memory_space<vmem>>, %arg3: memref<3x256x128xf32, #tpu.memory_space<vmem>>, %arg4: memref<864x128xf32, #tpu.memory_space<vmem>>) attributes {dimension_semantics = [], scalar_prefetch = 0 : i64, scratch_operands = 0 : i64, tpu.core_type = #tpu.core_type<tc>} {
    %get3A = arith.constant 0 : index
    %get3A_0 = arith.constant 0 : index
    %get3A_1 = vector.load %arg0[%get3A, %get3A_0] : memref<288x256xf32, #tpu.memory_space<vmem>>, vector<288x256xf32>
    %get3A_2 = arith.constant 0 : index
    %get3A_3 = arith.constant 0 : index
    %get3A_4 = arith.constant 0 : index
    %get3A_5 = vector.load %arg3[%get3A_2, %get3A_3, %get3A_4] : memref<3x256x128xf32, #tpu.memory_space<vmem>>, vector<1x256x128xf32>
    %get3A_6 = vector.shape_cast %get3A_5 : vector<1x256x128xf32> to vector<256x128xf32>
    %dot_general3A = arith.constant dense<0.000000e+00> : vector<288x128xf32>
    %dot_general3A_7 = tpu.matmul %get3A_1, %get3A_6, %dot_general3A {dimension_numbers = #tpu.dot_dimension_numbers<[1], [0], [0], [1], [0, 0, 1, 1], [], []>, transpose_lhs_hint = false} : vector<288x256xf32>, vector<256x128xf32>, vector<288x128xf32> -> vector<288x128xf32>
    %swap3A = arith.constant 0 : index
    %swap3A_8 = arith.constant 0 : index
    %swap3A_9 = vector.load %arg4[%swap3A, %swap3A_8] : memref<864x128xf32, #tpu.memory_space<vmem>>, vector<288x128xf32>
    tpu.vector_store %arg4[%swap3A, %swap3A_8], %dot_general3A_7 {strides = array<i32>} : memref<864x128xf32, #tpu.memory_space<vmem>>, vector<288x128xf32>,
    %get3A_10 = arith.constant 0 : index
    %get3A_11 = arith.constant 0 : index
    %get3A_12 = vector.load %arg1[%get3A_10, %get3A_11] : memref<257x256xf32, #tpu.memory_space<vmem>>, vector<257x256xf32>
    %get3A_13 = arith.constant 1 : index
    %get3A_14 = arith.constant 0 : index
    %get3A_15 = arith.constant 0 : index
    %get3A_16 = vector.load %arg3[%get3A_13, %get3A_14, %get3A_15] : memref<3x256x128xf32, #tpu.memory_space<vmem>>, vector<1x256x128xf32>
    %get3A_17 = vector.shape_cast %get3A_16 : vector<1x256x128xf32> to vector<256x128xf32>
    %dot_general3A_18 = arith.constant dense<0.000000e+00> : vector<257x128xf32>
    %dot_general3A_19 = tpu.matmul %get3A_12, %get3A_17, %dot_general3A_18 {dimension_numbers = #tpu.dot_dimension_numbers<[1], [0], [0], [1], [0, 0, 1, 1], [], []>, transpose_lhs_hint = false} : vector<257x256xf32>, vector<256x128xf32>, vector<257x128xf32> -> vector<257x128xf32>
    %swap3A_20 = arith.constant 288 : index
    %swap3A_21 = arith.constant 0 : index
    %swap3A_22 = vector.load %arg4[%swap3A_20, %swap3A_21] : memref<864x128xf32, #tpu.memory_space<vmem>>, vector<257x128xf32>
    tpu.vector_store %arg4[%swap3A_20, %swap3A_21], %dot_general3A_19 {strides = array<i32>} : memref<864x128xf32, #tpu.memory_space<vmem>>, vector<257x128xf32>,
    %get3A_23 = arith.constant 0 : index
    %get3A_24 = arith.constant 0 : index
    %get3A_25 = vector.load %arg2[%get3A_23, %get3A_24] : memref<257x256xf32, #tpu.memory_space<vmem>>, vector<257x256xf32>
    %get3A_26 = arith.constant 2 : index
    %get3A_27 = arith.constant 0 : index
    %get3A_28 = arith.constant 0 : index
    %get3A_29 = vector.load %arg3[%get3A_26, %get3A_27, %get3A_28] : memref<3x256x128xf32, #tpu.memory_space<vmem>>, vector<1x256x128xf32>
    %get3A_30 = vector.shape_cast %get3A_29 : vector<1x256x128xf32> to vector<256x128xf32>
    %dot_general3A_31 = arith.constant dense<0.000000e+00> : vector<257x128xf32>
    %dot_general3A_32 = tpu.matmul %get3A_25, %get3A_30, %dot_general3A_31 {dimension_numbers = #tpu.dot_dimension_numbers<[1], [0], [0], [1], [0, 0, 1, 1], [], []>, transpose_lhs_hint = false} : vector<257x256xf32>, vector<256x128xf32>, vector<257x128xf32> -> vector<257x128xf32>
    %swap3A_33 = arith.constant 576 : index
    %swap3A_34 = arith.constant 0 : index
    %swap3A_35 = vector.load %arg4[%swap3A_33, %swap3A_34] : memref<864x128xf32, #tpu.memory_space<vmem>>, vector<257x128xf32>
    tpu.vector_store %arg4[%swap3A_33, %swap3A_34], %dot_general3A_32 {strides = array<i32>} : memref<864x128xf32, #tpu.memory_space<vmem>>, vector<257x128xf32>,
    return
  }
}

module attributes {stable_mosaic.version = 14 : i64} {
  func.func @_combine_body(%arg0: i32, %arg1: memref<4096x128xf32, #tpu.memory_space<vmem>>, %arg2: memref<4096x8xf32, #tpu.memory_space<vmem>>, %arg3: memref<128x128xf32, #tpu.memory_space<vmem>>, %arg4: memref<8x128xf32, #tpu.memory_space<vmem>>, %arg5: memref<1x128xf32, #tpu.memory_space<vmem>>, %arg6: memref<1x128xf32, #tpu.memory_space<vmem>>, %arg7: memref<4096x128xf32, #tpu.memory_space<vmem>>) attributes {dimension_semantics = [#tpu.dimension_semantics<arbitrary>], iteration_bounds = array<i64: 4>, scalar_prefetch = 0 : i64, scratch_operands = 0 : i64, tpu.core_type = #tpu.core_type<tc>, window_params = [{transform_indices = @transform_0, window_bounds = array<i64: 4096, 128>}, {transform_indices = @transform_1, window_bounds = array<i64: 4096, 8>}, {pipeline_mode = #tpu.pipeline_mode<synchronous>, transform_indices = @transform_2, window_bounds = array<i64: 128, 128>}, {pipeline_mode = #tpu.pipeline_mode<synchronous>, transform_indices = @transform_3, window_bounds = array<i64: 8, 128>}, {pipeline_mode = #tpu.pipeline_mode<synchronous>, transform_indices = @transform_4, window_bounds = array<i64: 1, 128>}, {pipeline_mode = #tpu.pipeline_mode<synchronous>, transform_indices = @transform_5, window_bounds = array<i64: 1, 128>}, {transform_indices = @transform_6, window_bounds = array<i64: 4096, 128>}]} {
    %get3A = arith.constant 0 : index
    %get3A_0 = arith.constant 0 : index
    %get3A_1 = vector.load %arg1[%get3A, %get3A_0] : memref<4096x128xf32, #tpu.memory_space<vmem>>, vector<4096x128xf32>
    %get3A_2 = arith.constant 0 : index
    %get3A_3 = arith.constant 0 : index
    %get3A_4 = vector.load %arg5[%get3A_2, %get3A_3] : memref<1x128xf32, #tpu.memory_space<vmem>>, vector<1x128xf32>
    %add3A = vector.broadcast %get3A_4 : vector<1x128xf32> to vector<4096x128xf32>
    %add3A_5 = arith.addf %get3A_1, %add3A : vector<4096x128xf32>
    %max3A = arith.constant 0.000000e+00 : f32
    %max3A_6 = vector.broadcast %max3A : f32 to vector<4096x128xf32>
    %max3A_7 = arith.maximumf %add3A_5, %max3A_6 : vector<4096x128xf32>
    %get3A_8 = arith.constant 0 : index
    %get3A_9 = arith.constant 0 : index
    %get3A_10 = vector.load %arg3[%get3A_8, %get3A_9] : memref<128x128xf32, #tpu.memory_space<vmem>>, vector<128x128xf32>
    %dot_general3A = arith.constant dense<0.000000e+00> : vector<4096x128xf32>
    %dot_general3A_11 = tpu.matmul %max3A_7, %get3A_10, %dot_general3A {dimension_numbers = #tpu.dot_dimension_numbers<[1], [0], [0], [1], [0, 0, 1, 1], [], []>, transpose_lhs_hint = false} : vector<4096x128xf32>, vector<128x128xf32>, vector<4096x128xf32> -> vector<4096x128xf32>
    %get3A_12 = arith.constant 0 : index
    %get3A_13 = arith.constant 0 : index
    %get3A_14 = vector.load %arg2[%get3A_12, %get3A_13] : memref<4096x8xf32, #tpu.memory_space<vmem>>, vector<4096x8xf32>
    %get3A_15 = arith.constant 0 : index
    %get3A_16 = arith.constant 0 : index
    %get3A_17 = vector.load %arg4[%get3A_15, %get3A_16] : memref<8x128xf32, #tpu.memory_space<vmem>>, vector<8x128xf32>
    %dot_general3A_18 = arith.constant dense<0.000000e+00> : vector<4096x128xf32>
    %dot_general3A_19 = tpu.matmul %get3A_14, %get3A_17, %dot_general3A_18 {dimension_numbers = #tpu.dot_dimension_numbers<[1], [0], [0], [1], [0, 0, 1, 1], [], []>, transpose_lhs_hint = false} : vector<4096x8xf32>, vector<8x128xf32>, vector<4096x128xf32> -> vector<4096x128xf32>
    %add3A_20 = arith.addf %dot_general3A_11, %dot_general3A_19 : vector<4096x128xf32>
    %get3A_21 = arith.constant 0 : index
    %get3A_22 = arith.constant 0 : index
    %get3A_23 = vector.load %arg6[%get3A_21, %get3A_22] : memref<1x128xf32, #tpu.memory_space<vmem>>, vector<1x128xf32>
    %add3A_24 = vector.broadcast %get3A_23 : vector<1x128xf32> to vector<4096x128xf32>
    %add3A_25 = arith.addf %add3A_20, %add3A_24 : vector<4096x128xf32>
    %swap3A = arith.constant 0 : index
    %swap3A_26 = arith.constant 0 : index
    %swap3A_27 = vector.load %arg7[%swap3A, %swap3A_26] : memref<4096x128xf32, #tpu.memory_space<vmem>>, vector<4096x128xf32>
    tpu.vector_store %arg7[%swap3A, %swap3A_26], %add3A_25 {strides = array<i32>} : memref<4096x128xf32, #tpu.memory_space<vmem>>, vector<4096x128xf32>,
    return
  }
  func.func @transform_0(%arg0: i32) -> (i32, i32) {
    %c0_i32 = arith.constant 0 : i32
    %c0_i32_0 = arith.constant 0 : i32
    return %arg0, %c0_i32 : i32, i32
  }
  func.func @transform_1(%arg0: i32) -> (i32, i32) {
    %c0_i32 = arith.constant 0 : i32
    %c0_i32_0 = arith.constant 0 : i32
    return %arg0, %c0_i32 : i32, i32
  }
  func.func @transform_2(%arg0: i32) -> (i32, i32) {
    %c0_i32 = arith.constant 0 : i32
    %c0_i32_0 = arith.constant 0 : i32
    %c0_i32_1 = arith.constant 0 : i32
    return %c0_i32, %c0_i32_0 : i32, i32
  }
  func.func @transform_3(%arg0: i32) -> (i32, i32) {
    %c0_i32 = arith.constant 0 : i32
    %c0_i32_0 = arith.constant 0 : i32
    %c0_i32_1 = arith.constant 0 : i32
    return %c0_i32, %c0_i32_0 : i32, i32
  }
  func.func @transform_4(%arg0: i32) -> (i32, i32) {
    %c0_i32 = arith.constant 0 : i32
    %c0_i32_0 = arith.constant 0 : i32
    %c0_i32_1 = arith.constant 0 : i32
    return %c0_i32, %c0_i32_0 : i32, i32
  }
  func.func @transform_5(%arg0: i32) -> (i32, i32) {
    %c0_i32 = arith.constant 0 : i32
    %c0_i32_0 = arith.constant 0 : i32
    %c0_i32_1 = arith.constant 0 : i32
    return %c0_i32, %c0_i32_0 : i32, i32
  }
  func.func @transform_6(%arg0: i32) -> (i32, i32) {
    %c0_i32 = arith.constant 0 : i32
    %c0_i32_0 = arith.constant 0 : i32
    return %arg0, %c0_i32 : i32, i32
  }
}

</mosaic_0001>

<sc_bundles>
// kernel: kernel.5.cloned.1.call-start
scs
__scs_entry_jumppad:
0x0: {  	(pc) =	sbr.rel $0x88, $3  }
0x1: {  	(tag) =	ssettag $0x0;
	lr =	simm.s32 $0x1  }
0x2: {  	[smem:$0x3F97] =	sst lr;
	_ =	strace $0xD0000000  }
0x3: {  	_ = 	snop  }
0x4: {  	_ = 	snop  }
0x5: {  	_ = 	snop  }
0x6: {  	_ = 	snop  }
0x7: {  	_ = 	snop  }
__scs_overlays_trampoline_lowered:
0x8: {  	[smem:$0x3FA6] =	sst s0  }
0x9: {  	[smem:$0x3FA7] =	sst s1  }
0xa: {  	[smem:$0x3FA8] =	sst s2  }
0xb: {  	[smem:$0x3FA9] =	sst s3  }
0xc: {  	[smem:$0x3FAA] =	sst s4  }
0xd: {  	[smem:$0x3FAB] =	sst s5  }
0xe: {  	[smem:$0x3FAC] =	sst s6  }
0xf: {  	[smem:$0x3FAD] =	sst s7  }
0x10: {  	[smem:$0x3FAE] =	sst s8  }
0x11: {  	[smem:$0x3FAF] =	sst s9;
	s0 =	simm.s32 @!p0 $0x0  }
0x12: {  	s1 =	sld [smem:$0x3F95];
	s0 =	simm.s32 @p0 $0x1  }
0x13: {  	[smem:$0x3FB0] =	sst s0;
	s0 =	simm.s32 @!p1 $0x0  }
0x14: {  	s2 =	sld [smem:$0x3F94];
	s0 =	simm.s32 @p1 $0x1  }
0x15: {  	[smem:$0x3FB1] =	sst s0;
	s0 =	simm.s32 @!p2 $0x0  }
0x16: {  	s3 =	sld [smem:$0x3FDB];
	s0 =	simm.s32 @p2 $0x1  }
0x17: {  	s4 =	simm.s32 $0x1BF5;
	[smem:$0x3FB3] =	sst s0  }
0x18: {  	s0 =	sld [smem:$0x3F96];
	_ =	swait.ge [sflag:s4], $0x0  }
0x19: {  	s7 =	sld [smem:$0x3F97]  }
0x1a: {  	s8 =	sadd.s32 $0xFFFFE003, lr  }
0x1b: {  	s9 =	sadd.s32 $0xFFFFFEF7, lr;
	s5 =	simm.s32 $0xFFFFFFFF;
	p2 =	slt.u32 s8, $0xFFFFF086  }
0x1c: {  	p1 =	slt.u32 s9, $0xF7A;
	s5 =	simm.s32 @!p2 $0x0  }
0x1d: {  	s5 =	simm.s32 @p1 $0x1;
	p0 =	seq.s32 s7, s2  }
0x1e: {  	s7 =	smul.u32 @!p0 $0xF7A, s2;
	p2 =	seq.s32 @!p0 s5, $0x0  }
0x1f: {  	s9 =	smul.u32 $0xF7A, s1;
	s8 =	simm.s32 @!p0 $0x1BF5;
	p2 =	por !p2, p0  }
0x20: {  	[sflag:s8] =	ssyncset.s32 @!p0 $0xFFFFF086;
	s6 =	sadd.s32 @!p0 s3, s7;
	s7 =	simm.s32 @!p0 $0x108  }
0x21: {  	s3 =	sadd.s32 s3, s9;
	s6 =	sadd.s32 @!p0 $0x88, s6;
	s7 =	simm.s32 @p2 $0x1082  }
0x22: {  	[simem:s7], [sflag:s8] =	dma.local @!p0 [hbm:s6], $0xF7A  }
0x23: {  	s9 =	sor.u32 $0xD0000000, s2;
	s6 =	simm.s32 $0x108;
	_ =	swait.ge @!p0 [sflag:s8], $0x0  }
0x24: {  	s3 =	sadd.s32 $0x88, s3;
	s6 =	simm.s32 @!p1 $0x1082;
	[sflag:s4] =	ssyncset.s32 $0xFFFFF086  }
0x25: {  	[simem:s6], [sflag:s4] =	dma.local [hbm:s3], $0xF7A  }
0x26: {  	[smem:$0x3F97] =	sst s1;
	(tag) =	ssettag s2;
	_ =	strace s9  }
0x27: {  	s1 =	sld [smem:$0x3FA7]  }
0x28: {  	s2 =	sld [smem:$0x3FA8]  }
0x29: {  	s4 =	sld [smem:$0x3FAA]  }
0x2a: {  	p0 =	seq.s32 s5, $0x0;
	s5 =	sld [smem:$0x3FAB]  }
0x2b: {  	s6 =	sld [smem:$0x3FAC]  }
0x2c: {  	s7 =	sld [smem:$0x3FAD]  }
0x2d: {  	s3 =	simm.s32 $0x108;
	s8 =	sld [smem:$0x3FAE]  }
0x2e: {  	s3 =	simm.s32 @!p0 $0x1082;
	s9 =	sld [smem:$0x3FAF]  }
0x2f: {  	lr =	sadd.s32 s0, s3;
	s0 =	sld [smem:$0x3FA6]  }
0x30: {  	s3 =	sld [smem:$0x3FA9]  }
0x31: {  	[smem:$0x3FB2] =	sst s10  }
0x32: {  	s10 =	sld [smem:$0x3FB0];
	_ =	sdelay $0x3  }
0x33: {  	p0 =	seq.s32 s10, $0x1;
	s10 =	sld [smem:$0x3FB2];
	_ =	sdelay $0x3  }
0x34: {  	[smem:$0x3FB2] =	sst s10  }
0x35: {  	s10 =	sld [smem:$0x3FB1];
	_ =	sdelay $0x3  }
0x36: {  	p1 =	seq.s32 s10, $0x1;
	s10 =	sld [smem:$0x3FB2];
	_ =	sdelay $0x3  }
0x37: {  	[smem:$0x3FB2] =	sst s10  }
0x38: {  	s10 =	sld [smem:$0x3FB3]  }
0x39: {  	_ = 	snop;
	(pc) =	sbr.ind lr, $3  }
0x3a: {  	_ = 	snop  }
0x3b: {  	_ = 	snop  }
0x3c: {  	p2 =	seq.s32 s10, $0x1;
	s10 =	sld [smem:$0x3FB2]  }
0x3d: {  	_ =	shalt  }
0x3e: {  	_ =	shalt  }
0x3f: {  	_ =	shalt  }
0x40: {  	_ =	shalt  }
0x41: {  	_ =	shalt  }
0x42: {  	_ =	shalt  }
0x43: {  	_ =	shalt  }
0x44: {  	_ =	shalt  }
0x45: {  	_ =	shalt  }
0x46: {  	_ =	shalt  }
0x47: {  	_ =	shalt  }
0x48: {  	_ =	shalt  }
0x49: {  	_ =	shalt  }
0x4a: {  	_ =	shalt  }
0x4b: {  	_ =	shalt  }
0x4c: {  	_ =	shalt  }
0x4d: {  	_ =	shalt  }
0x4e: {  	_ =	shalt  }
0x4f: {  	_ =	shalt  }
0x50: {  	_ =	shalt  }
0x51: {  	_ =	shalt  }
0x52: {  	_ =	shalt  }
0x53: {  	_ =	shalt  }
0x54: {  	_ =	shalt  }
0x55: {  	_ =	shalt  }
0x56: {  	_ =	shalt  }
0x57: {  	_ =	shalt  }
0x58: {  	_ =	shalt  }
0x59: {  	_ =	shalt  }
0x5a: {  	_ =	shalt  }
0x5b: {  	_ =	shalt  }
0x5c: {  	_ =	shalt  }
0x5d: {  	_ =	shalt  }
0x5e: {  	_ =	shalt  }
0x5f: {  	_ =	shalt  }
0x60: {  	_ =	shalt  }
0x61: {  	_ =	shalt  }
0x62: {  	_ =	shalt  }
0x63: {  	_ =	shalt  }
0x64: {  	_ =	shalt  }
0x65: {  	_ =	shalt  }
0x66: {  	_ =	shalt  }
0x67: {  	_ =	shalt  }
0x68: {  	_ =	shalt  }
0x69: {  	_ =	shalt  }
0x6a: {  	_ =	shalt  }
0x6b: {  	_ =	shalt  }
0x6c: {  	_ =	shalt  }
0x6d: {  	_ =	shalt  }
0x6e: {  	_ =	shalt  }
0x6f: {  	_ =	shalt  }
0x70: {  	_ =	shalt  }
0x71: {  	_ =	shalt  }
0x72: {  	_ =	shalt  }
0x73: {  	_ =	shalt  }
0x74: {  	_ =	shalt  }
0x75: {  	_ =	shalt  }
0x76: {  	_ =	shalt  }
0x77: {  	_ =	shalt  }
0x78: {  	_ =	shalt  }
0x79: {  	_ =	shalt  }
0x7a: {  	_ =	shalt  }
0x7b: {  	_ =	shalt  }
0x7c: {  	_ =	shalt  }
0x7d: {  	_ =	shalt  }
0x7e: {  	_ =	shalt  }
0x7f: {  	_ =	shalt  }
0x80: {  	_ =	shalt  }
0x81: {  	_ =	shalt  }
0x82: {  	_ =	shalt  }
0x83: {  	_ =	shalt  }
0x84: {  	_ =	shalt  }
0x85: {  	_ =	shalt  }
0x86: {  	_ =	shalt  }
0x87: {  	_ =	shalt  }
.Lfunc_end0:
.L_simem_size_0:
called_computation_lowered:
.L_overlay_start_0:
0x88: {  	s2 =	sld [smem:$0x3FD9]  }
0x89: {  	s3 =	sld [smem:$0x3FFE];
	_ =	sdelay $0x1  }
0x8a: {  	s1 =	srdreg.scid  }
0x8b: {  	s0 =	sand.u32 $0x1, s1  }
0x8c: {  	s17 =	sshll.u32 s0, $0xA;
	s2 =	sadd.s32 s3, s2  }
0x8d: {  	s2 =	sadd.s32 s2, s17  }
0x8e: {  	[smem:$0x3FBE] =	sst s2  }
0x8f: {  	_ = 	snop  }
0x90: {  	s2 =	sld [smem:$0x3FC9]  }
0x91: {  	s18 =	sld [smem:$0x3FD0];
	(tm) =	ssettm $0x1  }
0x92: {  	s4 =	sld [smem:$0x3FFB];
	_ =	sdelay $0x3  }
0x93: {  	_ =	strace s4  }
0x94: {  	s4 =	sld [smem:$0x3FFC];
	_ =	sdelay $0x3  }
0x95: {  	_ =	strace s4  }
0x96: {  	s4 =	sld [smem:$0x3FFD];
	_ =	sdelay $0x3  }
0x97: {  	_ =	strace s4  }
0x98: {  	_ =	strace $0x8FFFFFFF  }
0x99: {  	s19 =	sld [smem:$0x3FDB];
	_ =	sdelay $0x1  }
0x9a: {  	s5 =	simm.s32 $_scs_section_size  }
0x9b: {  	s6 =	simm.s32 $_size__tile_overlayer_lowered;
	s7 =	simm.s32 $_tile_overlayer_lowered  }
0x9c: {  	s22 =	simm.s32 $0x1BFF;
	s21 =	sshll.u32 s7, $0x1;
	s4 =	sadd.s32 s5, s19  }
0x9d: {  	s8 =	simm.s32 $0x0;
	s20 =	sshll.u32 s6, $0x1;
	s6 =	sadd.s32 s21, s4  }
0x9e: {  	[timem:s8], [sflag:s22] =	dma.local [hbm:s6], s20  }
0x9f: {  	_ =	swait.ge [sflag:s22], s20  }
0xa0: {  	s5 =	ssub.s32 $0x0, s20;
	[sflag:s22] =	ssyncset.done $0x0  }
0xa1: {  	[sflag:s22] =	ssyncadd.s32 s5;
	_ =	sdelay $0x1  }
0xa2: {  	s23 =	simm.s32 $0x1B8B  }
0xa3: {  	_ =	swait.ge [sflag:s23], $0x1  }
0xa4: {  	[sflag:s23] =	ssyncset.done $0x0  }
0xa5: {  	s25 =	simm.s32 $0x1B8E;
	s24 =	sld [smem:$0x3FFE];
	[sflag:s23] =	ssyncadd.s32 $0xFFFFFFFF  }
0xa6: {  	s26 =	simm.s32 $execute0_lowered;
	[smem:$0x3FD2] =	sst s25  }
0xa7: {  	s6 =	sshll.u32 s26, $0x1;
	_ =	strace $0x80000046;
	[dreg:$0x1] =	wrdreg $0xFFFFFFFF  }
0xa8: {  	s28 =	simm.s32 $_size_execute0_lowered;
	s4 =	sadd.s32 s4, s6;
	[dreg:$0x0] =	wrdreg $0x0  }
0xa9: {  	s6 =	sshll.u32 s28, $0x1;
	[dreg:$0x2] =	wrdreg s4  }
0xaa: {  	[dreg:$0x3] =	wrdreg s6  }
0xab: {  	[dreg:$0x4] =	wrdreg $0xC0  }
0xac: {  	_ =	task [dreg:s8], $0x5FFFF  }
0xad: {  	[dreg:$0x1] =	wrdreg $0xFFFFFFFF  }
0xae: {  	[dreg:$0x0] =	wrdreg $0x60  }
0xaf: {  	[dreg:$0x2] =	wrdreg s24  }
0xb0: {  	[dreg:$0x3] =	wrdreg s2  }
0xb1: {  	[dreg:$0x4] =	wrdreg s18  }
0xb2: {  	[dreg:$0x5] =	wrdreg $0x116000  }
0xb3: {  	[dreg:$0x6] =	wrdreg $0x9  }
0xb4: {  	_ =	task.clear_ibuf [dreg:s8], $0x7FFFF;
	_ =	strace $0x90000046  }
0xb5: {  	s29 =	simm.s32 $0x9;
	_ =	strace $0x80000048  }
0xb6: {  	_ =	swait.ge [sflag:s29], $0x1  }
0xb7: {  	[sflag:s29] =	ssyncadd.s32 $0xFFFFFFFF  }
0xb8: {  	_ =	strace $0x90000048  }
0xb9: {  	_ =	sfence  }
0xba: {  	s30 =	sld [smem:$0x0];
	_ =	sdelay $0x2  }
0xbb: {  	s31 =	sshll.u32 s1, $0xD;
	s1 =	sshrl.u32 s1, $0x2  }
0xbc: {  	s3 =	sand.u32 $0x4000, s31;
	s1 =	sadd.s32 s1, s30  }
0xbd: {  	s0 =	sor.u32 s3, s0;
	s1 =	sshll.u32 s1, $0x11  }
0xbe: {  	s0 =	sor.u32 s1, s0  }
0xbf: {  	s0 =	sadd.s32 $0x8F2B, s0  }
0xc0: {  	[sflag:s0] =	ssyncadd.remote.s32 $0x1  }
0xc1: {  	_ =	sfence.sel $0xFFFF  }
0xc2: {  	[dreg:$0x0] =	wrdreg $0xFFFFFFFF;
	(pc) =	sbr.abs _section_cstart, $3  }
0xc3: {  	[dreg:$0x1] =	wrdreg $0xFFFFFFFF  }
0xc4: {  	_ =	task.clear_ibuf [dreg:s8], $0x2FFFF;
	_ =	strace $0x9FFFFFFF  }
0xc5: {  	(tm) =	ssettm $0x7FFFFFFF  }
tec
execute0_lowered:
.L_overlay_start_1:
0x0: {  	(tag) =	ssettag $0x1  }
0x1: {  	s3 =	rddreg [dreg:$0x0]  }
0x2: {  	s4 =	rddreg [dreg:$0x1]  }
0x3: {  	s5 =	rddreg [dreg:$0x2]  }
0x4: {  	s1 =	rddreg [dreg:$0x3]  }
0x5: {  	s0 =	rddreg [dreg:$0x4];
	s2 =	simm.s32 $0x0;
	s6 =	srdreg.scid  }
0x6: {  	s7 =	stileid.u32;
	s10 =	simm.s32 $0x1080;
	s11 =	simm.s32 $0x5600  }
0x7: {  	s12 =	simm.s32 $0x1100;
	s13 =	simm.s32 $0x9600;
	s14 =	simm.s32 $0x1180  }
0x8: {  	s15 =	simm.s32 $0xD600;
	s16 =	simm.s32 $0x1;
	s17 =	simm.s32 $0x1200  }
0x9: {  	s18 =	simm.s32 $0x1400;
	s19 =	simm.s32 $0x2;
	s20 =	simm.s32 $0x1280  }
0xa: {  	s21 =	simm.s32 $0x1480;
	s22 =	simm.s32 $0x3;
	s23 =	simm.s32 $0x1300  }
0xb: {  	s24 =	simm.s32 $0x1500;
	s25 =	simm.s32 $0x4;
	s26 =	simm.s32 $0x1380  }
0xc: {  	s28 =	simm.s32 $0x1580;
	s29 =	simm.s32 $0x5;
	[smem:$0x7FF] =	sst s2  }
0xd: {  	s6 =	sand.u32 $0x1, s6;
	s8 =	sshll.u32 s7, $0xA;
	s3 =	sadd.s32 $0x1C00, s3  }
0xe: {  	p0 =	sne.s32 s7, $0x0;
	s7 =	simm.s32 $0x80;
	_ =	strace $0x80000047  }
0xf: {  	s9 =	sshll.u32 s6, $0x9;
	s6 =	ssub.s32 $0x2, s6;
	[dreg:$0x5] =	wrdreg s3  }
0x10: {  	s8 =	sor.u32 s9, s8;
	s30 =	sshrl.u32 s6, $0x1;
	s9 =	simm.s32 $0x1600  }
0x11: {  	s4 =	sadd.s32 s4, s8;
	s6 =	ssub.s32 s6, s30;
	s31 =	sshll.u32 s8, $0x4  }
0x12: {  	s8 =	simm.s32 $0x1000;
	[dreg:$0x6] =	wrdreg s4;
	s3 =	sadd.s32 s5, s31  }
0x13: {  	s4 =	smax.u32 s6, $0x1;
	s5 =	sshrl.u32 @!p0 s1, $0x3;
	s6 =	simm.s32 $0x7  }
.LBB2_1:
0x14: {  	s30 =	rddreg [dreg:$0x5];
	s31 =	simm.s32 @!p0 $0x1C06  }
0x15: {  	[spmem:s5], [sflag:s31] =	dma.local @!p0 [hbm:s30], $0x3600  }
0x16: {  	s30 =	rddreg [dreg:$0x6]  }
0x17: {  	[tilespmem:s2], [sflag:$0x7] =	stream.linear.gather [hbm4b:s30+s2], $0x1000, $0x38;
	[tilespmem:$0x13100] =	vst v63  }
0x18: {  	_ =	swait.ge [sflag:s6], $0x1000  }
0x19: {  	[sflag:s6] =	ssyncset.done $0x0  }
0x1a: {  	[sflag:s6] =	ssyncadd.s32 $0xFFFFF000  }
0x1b: {  	v0 =	vld [tilespmem:$0x0]  }
0x1c: {  	v1 =	vld [tilespmem:$0x10]  }
0x1d: {  	v2 =	vld [tilespmem:$0x20]  }
0x1e: {  	v3 =	vld [tilespmem:$0x30]  }
0x1f: {  	v4 =	vld [tilespmem:$0x40]  }
0x20: {  	v5 =	vld [tilespmem:$0x50]  }
0x21: {  	v6 =	vld [tilespmem:$0x60]  }
0x22: {  	v7 =	vld [tilespmem:$0x70];
	v0 =	vadd.f32 $8.388608000e+06, v0  }
0x23: {  	v12 =	vld [tilespmem:$0x400];
	v1 =	vadd.f32 $8.388608000e+06, v1  }
0x24: {  	v15 =	vld [tilespmem:$0x410];
	v2 =	vadd.f32 $8.388608000e+06, v2;
	v0 =	vadd.s32 $0xB5000000, v0  }
0x25: {  	v18 =	vld [tilespmem:$0x420];
	v11 =	vadd.f32 $8.388608000e+06, v3;
	v10 =	vadd.s32 $0xB5000000, v1;
	[tilespmem:$0x1000] =	vst v0  }
0x26: {  	v21 =	vld [tilespmem:$0x430];
	v14 =	vadd.f32 $8.388608000e+06, v4;
	v13 =	vadd.s32 $0xB5000000, v2;
	[tilespmem:$0x1010] =	vst v10  }
0x27: {  	v24 =	vld [tilespmem:$0x440];
	v17 =	vadd.f32 $8.388608000e+06, v5;
	v16 =	vadd.s32 $0xB5000000, v11;
	[tilespmem:$0x1020] =	vst v13  }
0x28: {  	v27 =	vld [tilespmem:$0x450];
	v20 =	vadd.f32 $8.388608000e+06, v6;
	v19 =	vadd.s32 $0xB5000000, v14;
	[tilespmem:$0x1030] =	vst v16  }
0x29: {  	v30 =	vld [tilespmem:$0x460];
	v23 =	vadd.f32 $8.388608000e+06, v7;
	v22 =	vadd.s32 $0xB5000000, v17;
	[tilespmem:$0x1040] =	vst v19  }
0x2a: {  	v33 =	vld [tilespmem:$0x470];
	v26 =	vadd.f32 $8.388608000e+06, v12;
	v25 =	vadd.s32 $0xB5000000, v20;
	[tilespmem:$0x1050] =	vst v22  }
0x2b: {  	v36 =	vld [tilespmem:$0x800];
	v29 =	vadd.f32 $8.388608000e+06, v15;
	v28 =	vadd.s32 $0xB5000000, v23;
	[tilespmem:$0x1060] =	vst v25  }
0x2c: {  	v39 =	vld [tilespmem:$0x810];
	v32 =	vadd.f32 $8.388608000e+06, v18;
	v31 =	vadd.s32 $0xB5000000, v26;
	[tilespmem:$0x1070] =	vst v28  }
0x2d: {  	v42 =	vld [tilespmem:$0x820];
	v35 =	vadd.f32 $8.388608000e+06, v21;
	v34 =	vadd.s32 $0xB5000000, v29;
	[tilespmem:$0x1080] =	vst v31  }
0x2e: {  	v45 =	vld [tilespmem:$0x830];
	v38 =	vadd.f32 $8.388608000e+06, v24;
	v37 =	vadd.s32 $0xB5000000, v32;
	[tilespmem:$0x1090] =	vst v34  }
0x2f: {  	v48 =	vld [tilespmem:$0x840];
	v41 =	vadd.f32 $8.388608000e+06, v27;
	v40 =	vadd.s32 $0xB5000000, v35;
	[tilespmem:$0x10A0] =	vst v37  }
0x30: {  	v51 =	vld [tilespmem:$0x850];
	v44 =	vadd.f32 $8.388608000e+06, v30;
	v43 =	vadd.s32 $0xB5000000, v38;
	[tilespmem:$0x10B0] =	vst v40  }
0x31: {  	v54 =	vld [tilespmem:$0x860];
	v47 =	vadd.f32 $8.388608000e+06, v33;
	v46 =	vadd.s32 $0xB5000000, v41;
	[tilespmem:$0x10C0] =	vst v43  }
0x32: {  	v57 =	vld [tilespmem:$0x870];
	v50 =	vadd.f32 $8.388608000e+06, v36;
	v49 =	vadd.s32 $0xB5000000, v44;
	[tilespmem:$0x10D0] =	vst v46  }
0x33: {  	v60 =	vld [tilespmem:$0xC00];
	v53 =	vadd.f32 $8.388608000e+06, v39;
	v52 =	vadd.s32 $0xB5000000, v47;
	[tilespmem:$0x10E0] =	vst v49  }
0x34: {  	v63 =	vld [tilespmem:$0xC10];
	v56 =	vadd.f32 $8.388608000e+06, v42;
	v55 =	vadd.s32 $0xB5000000, v50;
	[tilespmem:$0x10F0] =	vst v52  }
0x35: {  	v59 =	vadd.f32 $8.388608000e+06, v45;
	v58 =	vadd.s32 $0xB5000000, v53;
	v11 =	vld [tilespmem:$0xC20];
	[tilespmem:$0x1100] =	vst v55  }
0x36: {  	v62 =	vadd.f32 $8.388608000e+06, v48;
	v61 =	vadd.s32 $0xB5000000, v56;
	v14 =	vld [tilespmem:$0xC30];
	[tilespmem:$0x1110] =	vst v58  }
0x37: {  	v9 =	vadd.s32 $0xB5000000, v59;
	v17 =	vld [tilespmem:$0xC40];
	[tilespmem:$0x1120] =	vst v61;
	v10 =	vadd.f32 $8.388608000e+06, v51  }
0x38: {  	v12 =	vadd.s32 $0xB5000000, v62;
	v20 =	vld [tilespmem:$0xC50];
	[tilespmem:$0x1130] =	vst v9;
	v13 =	vadd.f32 $8.388608000e+06, v54  }
0x39: {  	v23 =	vld [tilespmem:$0xC60];
	[tilespmem:$0x1140] =	vst v12;
	v16 =	vadd.f32 $8.388608000e+06, v57;
	v15 =	vadd.s32 $0xB5000000, v10  }
0x3a: {  	v26 =	vld [tilespmem:$0xC70];
	v19 =	vadd.f32 $8.388608000e+06, v60;
	v18 =	vadd.s32 $0xB5000000, v13;
	[tilespmem:$0x1150] =	vst v15  }
0x3b: {  	v29 =	vld [tilespmem:$0x300];
	v22 =	vadd.f32 $8.388608000e+06, v63;
	v21 =	vadd.s32 $0xB5000000, v16;
	[tilespmem:$0x1160] =	vst v18  }
0x3c: {  	v32 =	vld [tilespmem:$0x310];
	v24 =	vadd.s32 $0xB5000000, v19;
	[tilespmem:$0x1170] =	vst v21;
	v25 =	vadd.f32 $8.388608000e+06, v11  }
0x3d: {  	v35 =	vld [tilespmem:$0x320];
	v27 =	vadd.s32 $0xB5000000, v22;
	[tilespmem:$0x1180] =	vst v24;
	v28 =	vadd.f32 $8.388608000e+06, v14  }
0x3e: {  	v38 =	vld [tilespmem:$0x330];
	[tilespmem:$0x1190] =	vst v27;
	v31 =	vadd.f32 $8.388608000e+06, v17;
	v30 =	vadd.s32 $0xB5000000, v25  }
0x3f: {  	v41 =	vld [tilespmem:$0x340];
	v34 =	vadd.f32 $8.388608000e+06, v20;
	v33 =	vadd.s32 $0xB5000000, v28;
	[tilespmem:$0x11A0] =	vst v30  }
0x40: {  	v44 =	vld [tilespmem:$0x350];
	v37 =	vadd.f32 $8.388608000e+06, v23;
	v36 =	vadd.s32 $0xB5000000, v31;
	[tilespmem:$0x11B0] =	vst v33  }
0x41: {  	v47 =	vld [tilespmem:$0x360];
	v40 =	vadd.f32 $8.388608000e+06, v26;
	v39 =	vadd.s32 $0xB5000000, v34;
	[tilespmem:$0x11C0] =	vst v36  }
0x42: {  	v50 =	vld [tilespmem:$0x370];
	v43 =	vadd.f32 $8.388608000e+06, v29;
	v42 =	vadd.s32 $0xB5000000, v37;
	[tilespmem:$0x11D0] =	vst v39  }
0x43: {  	v53 =	vld [tilespmem:$0x700];
	v46 =	vadd.f32 $8.388608000e+06, v32;
	v45 =	vadd.s32 $0xB5000000, v40;
	[tilespmem:$0x11E0] =	vst v42  }
0x44: {  	v56 =	vld [tilespmem:$0x710];
	v49 =	vadd.f32 $8.388608000e+06, v35;
	v48 =	vadd.s32 $0xB5000120, v43;
	[tilespmem:$0x11F0] =	vst v45  }
0x45: {  	v59 =	vld [tilespmem:$0x720];
	v52 =	vadd.f32 $8.388608000e+06, v38;
	v51 =	vadd.s32 $0xB5000120, v46;
	[tilespmem:$0x1200] =	vst v48  }
0x46: {  	v62 =	vld [tilespmem:$0x730];
	v55 =	vadd.f32 $8.388608000e+06, v41;
	v54 =	vadd.s32 $0xB5000120, v49;
	[tilespmem:$0x1210] =	vst v51  }
0x47: {  	v9 =	vld [tilespmem:$0x740];
	v58 =	vadd.f32 $8.388608000e+06, v44;
	v57 =	vadd.s32 $0xB5000120, v52;
	[tilespmem:$0x1220] =	vst v54  }
0x48: {  	v12 =	vld [tilespmem:$0x750];
	v61 =	vadd.f32 $8.388608000e+06, v47;
	v60 =	vadd.s32 $0xB5000120, v55;
	[tilespmem:$0x1230] =	vst v57  }
0x49: {  	v15 =	vld [tilespmem:$0x760];
	v8 =	vadd.f32 $8.388608000e+06, v50;
	v63 =	vadd.s32 $0xB5000120, v58;
	[tilespmem:$0x1240] =	vst v60  }
0x4a: {  	v18 =	vld [tilespmem:$0x770];
	v11 =	vadd.f32 $8.388608000e+06, v53;
	v10 =	vadd.s32 $0xB5000120, v61;
	[tilespmem:$0x1250] =	vst v63  }
0x4b: {  	v21 =	vld [tilespmem:$0xB00];
	v14 =	vadd.f32 $8.388608000e+06, v56;
	v13 =	vadd.s32 $0xB5000120, v8;
	[tilespmem:$0x1260] =	vst v10  }
0x4c: {  	v24 =	vld [tilespmem:$0xB10];
	v17 =	vadd.f32 $8.388608000e+06, v59;
	v16 =	vadd.s32 $0xB5000120, v11;
	[tilespmem:$0x1270] =	vst v13  }
0x4d: {  	v27 =	vld [tilespmem:$0xB20];
	v20 =	vadd.f32 $8.388608000e+06, v62;
	v19 =	vadd.s32 $0xB5000120, v14;
	[tilespmem:$0x1280] =	vst v16  }
0x4e: {  	v23 =	vadd.f32 $8.388608000e+06, v9;
	v22 =	vadd.s32 $0xB5000120, v17;
	[tilespmem:$0x1290] =	vst v19;
	v30 =	vld [tilespmem:$0xB30]  }
0x4f: {  	v26 =	vadd.f32 $8.388608000e+06, v12;
	v25 =	vadd.s32 $0xB5000120, v20;
	[tilespmem:$0x12A0] =	vst v22;
	v33 =	vld [tilespmem:$0xB40]  }
0x50: {  	[tilespmem:$0x12B0] =	vst v25;
	v28 =	vadd.s32 $0xB5000120, v23;
	v36 =	vld [tilespmem:$0xB50];
	v29 =	vadd.f32 $8.388608000e+06, v15  }
0x51: {  	v31 =	vadd.s32 $0xB5000120, v26;
	v39 =	vld [tilespmem:$0xB60];
	[tilespmem:$0x12C0] =	vst v28;
	v32 =	vadd.f32 $8.388608000e+06, v18  }
0x52: {  	v42 =	vld [tilespmem:$0xB70];
	[tilespmem:$0x12D0] =	vst v31;
	v35 =	vadd.f32 $8.388608000e+06, v21;
	v34 =	vadd.s32 $0xB5000120, v29  }
0x53: {  	v45 =	vld [tilespmem:$0xF00];
	v38 =	vadd.f32 $8.388608000e+06, v24;
	v37 =	vadd.s32 $0xB5000120, v32;
	[tilespmem:$0x12E0] =	vst v34  }
0x54: {  	v48 =	vld [tilespmem:$0xF10];
	v41 =	vadd.f32 $8.388608000e+06, v27;
	v40 =	vadd.s32 $0xB5000120, v35;
	[tilespmem:$0x12F0] =	vst v37  }
0x55: {  	v51 =	vld [tilespmem:$0xF20];
	v43 =	vadd.s32 $0xB5000120, v38;
	[tilespmem:$0x1300] =	vst v40;
	v44 =	vadd.f32 $8.388608000e+06, v30  }
0x56: {  	v54 =	vld [tilespmem:$0xF30];
	v46 =	vadd.s32 $0xB5000120, v41;
	[tilespmem:$0x1310] =	vst v43;
	v47 =	vadd.f32 $8.388608000e+06, v33  }
0x57: {  	v57 =	vld [tilespmem:$0xF40];
	[tilespmem:$0x1320] =	vst v46;
	v50 =	vadd.f32 $8.388608000e+06, v36;
	v49 =	vadd.s32 $0xB5000120, v44  }
0x58: {  	v60 =	vld [tilespmem:$0xF50];
	v53 =	vadd.f32 $8.388608000e+06, v39;
	v52 =	vadd.s32 $0xB5000120, v47;
	[tilespmem:$0x1330] =	vst v49  }
0x59: {  	v63 =	vld [tilespmem:$0xF60];
	v56 =	vadd.f32 $8.388608000e+06, v42;
	v55 =	vadd.s32 $0xB5000120, v50;
	[tilespmem:$0x1340] =	vst v52  }
0x5a: {  	v10 =	vld [tilespmem:$0xF70];
	v59 =	vadd.f32 $8.388608000e+06, v45;
	v58 =	vadd.s32 $0xB5000120, v53;
	[tilespmem:$0x1350] =	vst v55  }
0x5b: {  	v13 =	vld [tilespmem:$0x380];
	v62 =	vadd.f32 $8.388608000e+06, v48;
	v61 =	vadd.s32 $0xB5000120, v56;
	[tilespmem:$0x1360] =	vst v58  }
0x5c: {  	v16 =	vld [tilespmem:$0x390];
	v9 =	vadd.f32 $8.388608000e+06, v51;
	v8 =	vadd.s32 $0xB5000120, v59;
	[tilespmem:$0x1370] =	vst v61  }
0x5d: {  	v19 =	vld [tilespmem:$0x3A0];
	v12 =	vadd.f32 $8.388608000e+06, v54;
	v11 =	vadd.s32 $0xB5000120, v62;
	[tilespmem:$0x1380] =	vst v8  }
0x5e: {  	v22 =	vld [tilespmem:$0x3B0];
	v15 =	vadd.f32 $8.388608000e+06, v57;
	v14 =	vadd.s32 $0xB5000120, v9;
	[tilespmem:$0x1390] =	vst v11  }
0x5f: {  	v25 =	vld [tilespmem:$0x3C0];
	v18 =	vadd.f32 $8.388608000e+06, v60;
	v17 =	vadd.s32 $0xB5000120, v12;
	[tilespmem:$0x13A0] =	vst v14  }
0x60: {  	v28 =	vld [tilespmem:$0x3D0];
	v21 =	vadd.f32 $8.388608000e+06, v63;
	v20 =	vadd.s32 $0xB5000120, v15;
	[tilespmem:$0x13B0] =	vst v17  }
0x61: {  	v31 =	vld [tilespmem:$0x3E0];
	v24 =	vadd.f32 $8.388608000e+06, v10;
	v23 =	vadd.s32 $0xB5000120, v18;
	[tilespmem:$0x13C0] =	vst v20  }
0x62: {  	v34 =	vld [tilespmem:$0x3F0];
	v27 =	vadd.f32 $8.388608000e+06, v13;
	v26 =	vadd.s32 $0xB5000120, v21;
	[tilespmem:$0x13D0] =	vst v23  }
0x63: {  	v37 =	vld [tilespmem:$0x780];
	v30 =	vadd.f32 $8.388608000e+06, v16;
	v29 =	vadd.s32 $0xB5000120, v24;
	[tilespmem:$0x13E0] =	vst v26  }
0x64: {  	v40 =	vld [tilespmem:$0x790];
	v33 =	vadd.f32 $8.388608000e+06, v19;
	v32 =	vadd.s32 $0xB5000240, v27;
	[tilespmem:$0x13F0] =	vst v29  }
0x65: {  	v43 =	vld [tilespmem:$0x7A0];
	v36 =	vadd.f32 $8.388608000e+06, v22;
	v35 =	vadd.s32 $0xB5000240, v30;
	[tilespmem:$0x1400] =	vst v32  }
0x66: {  	v46 =	vld [tilespmem:$0x7B0];
	v39 =	vadd.f32 $8.388608000e+06, v25;
	v38 =	vadd.s32 $0xB5000240, v33;
	[tilespmem:$0x1410] =	vst v35  }
0x67: {  	v42 =	vadd.f32 $8.388608000e+06, v28;
	v41 =	vadd.s32 $0xB5000240, v36;
	v9 =	vld [tilespmem:$0xB90];
	[tilespmem:$0x1420] =	vst v38  }
0x68: {  	v45 =	vadd.f32 $8.388608000e+06, v31;
	v44 =	vadd.s32 $0xB5000240, v39;
	v12 =	vld [tilespmem:$0xBA0];
	[tilespmem:$0x1430] =	vst v41  }
0x69: {  	v15 =	vld [tilespmem:$0xBB0];
	[tilespmem:$0x1440] =	vst v44;
	v47 =	vadd.s32 $0xB5000240, v42;
	v48 =	vadd.f32 $8.388608000e+06, v34  }
0x6a: {  	v18 =	vld [tilespmem:$0xBC0];
	v50 =	vadd.s32 $0xB5000240, v45;
	[tilespmem:$0x1450] =	vst v47;
	v51 =	vadd.f32 $8.388608000e+06, v37  }
0x6b: {  	v21 =	vld [tilespmem:$0xBD0];
	[tilespmem:$0x1460] =	vst v50;
	v54 =	vadd.f32 $8.388608000e+06, v40;
	v53 =	vadd.s32 $0xB5000240, v48  }
0x6c: {  	v24 =	vld [tilespmem:$0xBE0];
	v57 =	vadd.f32 $8.388608000e+06, v43;
	v56 =	vadd.s32 $0xB5000240, v51;
	[tilespmem:$0x1470] =	vst v53  }
0x6d: {  	v27 =	vld [tilespmem:$0xBF0];
	v60 =	vadd.f32 $8.388608000e+06, v46;
	v59 =	vadd.s32 $0xB5000240, v54;
	[tilespmem:$0x1480] =	vst v56  }
0x6e: {  	v30 =	vld [tilespmem:$0xF80];
	v62 =	vadd.s32 $0xB5000240, v57;
	[tilespmem:$0x1490] =	vst v59;
	v23 =	vadd.f32 $8.388608000e+06, v9  }
0x6f: {  	v33 =	vld [tilespmem:$0xF90];
	v10 =	vadd.s32 $0xB5000240, v60;
	[tilespmem:$0x14A0] =	vst v62;
	v26 =	vadd.f32 $8.388608000e+06, v12  }
0x70: {  	v36 =	vld [tilespmem:$0xFA0];
	[tilespmem:$0x14B0] =	vst v10;
	v29 =	vadd.f32 $8.388608000e+06, v15;
	v28 =	vadd.s32 $0xB5000240, v23  }
0x71: {  	v39 =	vld [tilespmem:$0xFB0];
	v32 =	vadd.f32 $8.388608000e+06, v18;
	v31 =	vadd.s32 $0xB5000240, v26;
	[tilespmem:$0x1510] =	vst v28  }
0x72: {  	v49 =	vld [tilespmem:$0x7C0];
	v35 =	vadd.f32 $8.388608000e+06, v21;
	v34 =	vadd.s32 $0xB5000240, v29;
	[tilespmem:$0x1520] =	vst v31  }
0x73: {  	v52 =	vld [tilespmem:$0x7D0];
	v38 =	vadd.f32 $8.388608000e+06, v24;
	v37 =	vadd.s32 $0xB5000240, v32;
	[tilespmem:$0x1530] =	vst v34  }
0x74: {  	v41 =	vadd.f32 $8.388608000e+06, v27;
	v40 =	vadd.s32 $0xB5000240, v35;
	[tilespmem:$0x1540] =	vst v37  }
0x75: {  	v44 =	vadd.f32 $8.388608000e+06, v30;
	v43 =	vadd.s32 $0xB5000240, v38;
	[tilespmem:$0x1550] =	vst v40  }
0x76: {  	v55 =	vld [tilespmem:$0x7E0];
	v47 =	vadd.f32 $8.388608000e+06, v33;
	v46 =	vadd.s32 $0xB5000240, v41;
	[tilespmem:$0x1560] =	vst v43  }
0x77: {  	v58 =	vld [tilespmem:$0x7F0];
	v50 =	vadd.f32 $8.388608000e+06, v36;
	v63 =	vadd.f32 $8.388608000e+06, v49;
	v49 =	vadd.s32 $0xB5000240, v44;
	[tilespmem:$0x1570] =	vst v46  }
0x78: {  	v61 =	vld [tilespmem:$0xB80];
	v53 =	vadd.f32 $8.388608000e+06, v39;
	v11 =	vadd.f32 $8.388608000e+06, v52;
	v52 =	vadd.s32 $0xB5000240, v47;
	[tilespmem:$0x1580] =	vst v49  }
0x79: {  	v42 =	vld [tilespmem:$0xFC0];
	v54 =	vadd.s32 $0xB5000240, v50;
	[tilespmem:$0x1590] =	vst v52  }
0x7a: {  	v45 =	vld [tilespmem:$0xFD0];
	v56 =	vadd.s32 $0xB5000240, v53;
	[tilespmem:$0x15A0] =	vst v54  }
0x7b: {  	v48 =	vld [tilespmem:$0xFE0];
	v14 =	vadd.f32 $8.388608000e+06, v55;
	v13 =	vadd.s32 $0xB5000240, v63;
	[tilespmem:$0x15B0] =	vst v56  }
0x7c: {  	v51 =	vld [tilespmem:$0xFF0];
	v17 =	vadd.f32 $8.388608000e+06, v58;
	v16 =	vadd.s32 $0xB5000240, v11;
	[tilespmem:$0x14C0] =	vst v13  }
0x7d: {  	v20 =	vadd.f32 $8.388608000e+06, v61;
	v19 =	vadd.s32 $0xB5000240, v14;
	[tilespmem:$0x14D0] =	vst v16  }
0x7e: {  	v55 =	vadd.f32 $8.388608000e+06, v42;
	v22 =	vadd.s32 $0xB5000240, v17;
	[tilespmem:$0x14E0] =	vst v19  }
0x7f: {  	v57 =	vadd.f32 $8.388608000e+06, v45;
	v25 =	vadd.s32 $0xB5000240, v20;
	[tilespmem:$0x14F0] =	vst v22  }
0x80: {  	v58 =	vadd.s32 $0xB5000240, v55;
	[tilespmem:$0x1500] =	vst v25;
	v59 =	vadd.f32 $8.388608000e+06, v48  }
0x81: {  	v60 =	vadd.s32 $0xB5000240, v57;
	[tilespmem:$0x15C0] =	vst v58;
	v61 =	vadd.f32 $8.388608000e+06, v51  }
0x82: {  	[tilespmem:$0x15D0] =	vst v60;
	v62 =	vadd.s32 $0xB5000240, v59  }
0x83: {  	v63 =	vadd.s32 $0xB5000240, v61;
	[tilespmem:$0x15E0] =	vst v62  }
0x84: {  	s30 =	simm.s32 @!p0 $0x6;
	[tilespmem:$0x15F0] =	vst v63  }
0x85: {  	_ =	swait.ge @!p0 [sflag:s30], $0x3600  }
0x86: {  	[sflag:s30] =	ssyncset.done @!p0 $0x0  }
0x87: {  	[sflag:s30] =	ssyncadd.s32 @!p0 $0xFFFFCA00  }
0x88: {  	[bflag:$0x0] =	sbarrier.arrive $0xFFFF  }
0x89: {  	[tilespmem:s9], [sflag:$0x1] =	stream.indirect.gather [spmem:s1], $0x80, s8, s7, $0xb8;
	[tilespmem:$0x13100] =	vst v63  }
0x8a: {  	_ = 	snop  }
0x8b: {  	[tilespmem:s11], [sflag:$0x2] =	stream.indirect.gather [spmem:s1], $0x80, s10, s7, $0xb8;
	[tilespmem:$0x13100] =	vst v63  }
0x8c: {  	_ = 	snop  }
0x8d: {  	[tilespmem:s13], [sflag:$0x3] =	stream.indirect.gather [spmem:s1], $0x80, s12, s7, $0xb8;
	[tilespmem:$0x13100] =	vst v63  }
0x8e: {  	_ = 	snop  }
0x8f: {  	[tilespmem:s15], [sflag:$0x4] =	stream.indirect.gather [spmem:s1], $0x80, s14, s7, $0xb8;
	[tilespmem:$0x13100] =	vst v63  }
0x90: {  	_ =	swait.ge [sflag:s16], $0x4000  }
0x91: {  	[sflag:s16] =	ssyncset.done $0x0  }
0x92: {  	[sflag:s16] =	ssyncadd.s32 $0xFFFFC000  }
0x93: {  	[tilespmem:s9], [sflag:$0x5] =	stream.indirect.gather.add.f32 [spmem:s1], $0x80, s17, s7, $0xb8;
	[tilespmem:$0x13100] =	vst v63  }
0x94: {  	_ = 	snop  }
0x95: {  	[tilespmem:s9], [sflag:$0x5] =	stream.indirect.gather.add.f32 [spmem:s1], $0x80, s18, s7, $0xb8;
	[tilespmem:$0x13100] =	vst v63  }
0x96: {  	_ =	swait.ge [sflag:s19], $0x4000  }
0x97: {  	[sflag:s19] =	ssyncset.done $0x0  }
0x98: {  	[sflag:s19] =	ssyncadd.s32 $0xFFFFC000  }
0x99: {  	[tilespmem:s11], [sflag:$0x5] =	stream.indirect.gather.add.f32 [spmem:s1], $0x80, s20, s7, $0xb8;
	[tilespmem:$0x13100] =	vst v63  }
0x9a: {  	_ = 	snop  }
0x9b: {  	[tilespmem:s11], [sflag:$0x5] =	stream.indirect.gather.add.f32 [spmem:s1], $0x80, s21, s7, $0xb8;
	[tilespmem:$0x13100] =	vst v63  }
0x9c: {  	_ =	swait.ge [sflag:s22], $0x4000  }
0x9d: {  	[sflag:s22] =	ssyncset.done $0x0  }
0x9e: {  	[sflag:s22] =	ssyncadd.s32 $0xFFFFC000  }
0x9f: {  	[tilespmem:s13], [sflag:$0x5] =	stream.indirect.gather.add.f32 [spmem:s1], $0x80, s23, s7, $0xb8;
	[tilespmem:$0x13100] =	vst v63  }
0xa0: {  	_ = 	snop  }
0xa1: {  	[tilespmem:s13], [sflag:$0x5] =	stream.indirect.gather.add.f32 [spmem:s1], $0x80, s24, s7, $0xb8;
	[tilespmem:$0x13100] =	vst v63  }
0xa2: {  	_ =	swait.ge [sflag:s25], $0x4000  }
0xa3: {  	[sflag:s25] =	ssyncset.done $0x0  }
0xa4: {  	[sflag:s25] =	ssyncadd.s32 $0xFFFFC000  }
0xa5: {  	[tilespmem:s15], [sflag:$0x5] =	stream.indirect.gather.add.f32 [spmem:s1], $0x80, s26, s7, $0xb8;
	[tilespmem:$0x13100] =	vst v63  }
0xa6: {  	_ = 	snop  }
0xa7: {  	[tilespmem:s15], [sflag:$0x5] =	stream.indirect.gather.add.f32 [spmem:s1], $0x80, s28, s7, $0xb8;
	[tilespmem:$0x13100] =	vst v63  }
0xa8: {  	_ =	swait.ge [sflag:s29], $0x4000  }
0xa9: {  	[sflag:s29] =	ssyncset.done $0x0  }
0xaa: {  	[sflag:s29] =	ssyncadd.s32 $0xFFFFC000  }
0xab: {  	_ =	swait.ge [sflag:s29], $0x4000  }
0xac: {  	[sflag:s29] =	ssyncset.done $0x0  }
0xad: {  	[sflag:s29] =	ssyncadd.s32 $0xFFFFC000  }
0xae: {  	_ =	swait.ge [sflag:s29], $0x4000  }
0xaf: {  	[sflag:s29] =	ssyncset.done $0x0  }
0xb0: {  	[sflag:s29] =	ssyncadd.s32 $0xFFFFC000  }
0xb1: {  	_ =	swait.ge [sflag:s29], $0x4000  }
0xb2: {  	[sflag:s29] =	ssyncset.done $0x0  }
0xb3: {  	[sflag:s29] =	ssyncadd.s32 $0xFFFFC000  }
0xb4: {  	_ =	swait.ge [sflag:s29], $0x4000  }
0xb5: {  	[sflag:s29] =	ssyncset.done $0x0  }
0xb6: {  	[sflag:s29] =	ssyncadd.s32 $0xFFFFC000  }
0xb7: {  	_ =	swait.ge [sflag:s29], $0x4000  }
0xb8: {  	[sflag:s29] =	ssyncset.done $0x0  }
0xb9: {  	[sflag:s29] =	ssyncadd.s32 $0xFFFFC000  }
0xba: {  	_ =	swait.ge [sflag:s29], $0x4000  }
0xbb: {  	[sflag:s29] =	ssyncset.done $0x0  }
0xbc: {  	[sflag:s29] =	ssyncadd.s32 $0xFFFFC000  }
0xbd: {  	s4 =	sadd.s32 $0xFFFFFFFF, s4;
	_ =	swait.ge [sflag:s29], $0x4000  }
0xbe: {  	p1 =	sne.s32 s4, $0x0;
	[sflag:s29] =	ssyncset.done $0x0  }
.Ltmp0:
0xbf: {  	[sflag:s29] =	ssyncadd.s32 $0xFFFFC000;
	(pc) =	sbr.rel @p1 .LBB2_1-.Ltmp0, $4  }
0xc0: {  	[hbm4b:s3+s2] =	stream.linear.scatter [tilespmem:s9], [sflag:$0x7], $0x10000, $0x38;
	[tilespmem:$0x13100] =	vst v63  }
0xc1: {  	_ =	swait.ge [sflag:s6], $0x10000  }
0xc2: {  	[sflag:s6] =	ssyncset.done $0x0  }
0xc3: {  	[sflag:s6] =	ssyncadd.s32 $0xFFFF0000  }
0xc4: {  	_ =	sfence.sel $0x180000  }
0xc5: {  	[bflag:$0x0] =	sbarrier.arrive $0xFFFF  }
0xc6: {  	_ =	strace $0x90000047  }
0xc7: {  	s0 =	sadd.s32 @!p0 $0x100000, s0;
	[bflag:$0x2] =	sbarrier.arrive $0xFFFF  }
0xc8: {  	[sflag:s0] =	ssyncadd.tile.s32 @!p0 $0x1;
	_ =	shalt  }
.Lfunc_end2:
_tile_overlayer_lowered:
.L_overlay_start_2:
0xc9: {  	(tag) =	ssettag $0x2  }
0xca: {  	s0 =	rddreg [dreg:$0x0];
	s2 =	stileid.u32  }
0xcb: {  	s1 =	rddreg [dreg:$0x1];
	p0 =	sne.s32 s2, $0x0  }
0xcc: {  	s3 =	rddreg [dreg:$0x2];
	[bflag:$0x3] =	sbarrier.arrive $0xFFFF;
	s2 =	simm.s32 @!p0 $0x1C07  }
0xcd: {  	[timem:s3], [sflag:s2] =	dma.local @!p0 [hbm:s0], s1  }
0xce: {  	s0 =	simm.s32 @!p0 $0x7  }
0xcf: {  	_ =	swait.ge @!p0 [sflag:s0], s1  }
0xd0: {  	s1 =	ssub.s32 @!p0 $0x0, s1;
	[sflag:s0] =	ssyncset.done @!p0 $0x0  }
0xd1: {  	[sflag:s0] =	ssyncadd.s32 @!p0 s1  }
0xd2: {  	[bflag:$0x3] =	sbarrier.arrive $0xFFFF  }
0xd3: {  	_ =	shalt  }

</sc_bundles>
